<compile_context>
chip_gen: v7x
topology: tpu7x:2x2x1
jax: 0.10.2.dev20260603
libtpu: 0.0.44.dev20260713+nightly
codegen_flags: <defaults>
</compile_context>

<pallas_src>
import functools

import jax
import jax.numpy as jnp
from jax import lax
from jax.experimental import pallas as pl
from jax.experimental.pallas import tpu as pltpu
from jax.experimental.pallas import tpu_sc as plsc

D = 64
NC, NS = 2, 16
NW = NC * NS
CSEQ = 2
SUBS = (104, 96)
LANES = 16
G = D // LANES


@functools.lru_cache(maxsize=None)
def _make_kernel(B, L, V):
    SPW = B // NW
    n_chunks = SPW // CSEQ
    n_pairs = n_chunks // 2
    LB = L // 8
    JV = (L + LANES - 1) // LANES
    mesh = plsc.VectorSubcoreMesh(core_axis_name="c", subcore_axis_name="s")

    @functools.partial(
        pl.kernel,
        mesh=mesh,
        out_type=jax.ShapeDtypeStruct((B * L, 128), jnp.float32),
        scratch_types=[
            pltpu.VMEM((LB, 8, 128), jnp.int32),
            pltpu.VMEM((2, CSEQ, JV * LANES), jnp.int32),
            pltpu.VMEM((CSEQ * L, D), jnp.float32),
            pltpu.VMEM((CSEQ * L, D), jnp.float32),
            pltpu.VMEM((L, D), jnp.float32),
            pltpu.SemaphoreType.DMA,
            pltpu.SemaphoreType.DMA,
            pltpu.SemaphoreType.DMA,
            pltpu.SemaphoreType.DMA,
        ],
        compiler_params=pltpu.CompilerParams(
            use_tc_tiling_on_sc=False, needs_layout_passes=False
        ),
    )
    def k(xt_hbm, table_hbm, pe_hbm, out_hbm, xb_v, idx_v, rows_a, rows_b,
          pe_v, gsem_a, gsem_b, osem_a, osem_b):
        wid = lax.axis_index("s") * NC + lax.axis_index("c")
        iota = lax.iota(jnp.int32, LANES)
        lvecs = []
        for j in range(JV):
            lv = jnp.minimum(jnp.int32(LANES * j) + iota, L - 1)
            lvecs.append((lv >> 3, lv & 7))
        pltpu.sync_copy(pe_hbm.at[0, pl.ds(0, L), :], pe_v)
        pltpu.sync_copy(xt_hbm.at[:, wid], xb_v)

        def build_idx(c, buf):
            for s in range(CSEQ):
                bv = jnp.full((LANES,), c * CSEQ + s, jnp.int32)
                for j in range(JV):
                    idx_v[buf, s, pl.ds(LANES * j, LANES)] = plsc.load_gather(
                        xb_v, [lvecs[j][0], lvecs[j][1], bv]
                    )

        def gather_args(buf, rows_v):
            out = []
            for s in range(CSEQ):
                o = 0
                for sub in SUBS:
                    out.append((
                        table_hbm.at[idx_v.at[buf, s, pl.ds(o, sub)]],
                        rows_v.at[pl.ds(s * L + o, sub), :],
                    ))
                    o += sub
            return out

        def fire_gathers(buf, rows_v, sem):
            for src, dst in gather_args(buf, rows_v):
                pltpu.async_copy(src, dst, sem)

        def wait_gathers(buf, rows_v, sem):
            for s in range(CSEQ):
                o = 0
                for sub in SUBS:
                    pltpu.make_async_copy(
                        table_hbm.at[pl.ds(0, sub), :],
                        rows_v.at[pl.ds(s * L + o, sub), :],
                        sem,
                    ).wait()
                    o += sub

        def add_pe(rows_v):
            def add_body(kk, carry):
                for j in range(G):
                    sl = pl.ds(LANES * j, LANES)
                    p = pe_v[kk, sl]
                    for s in range(CSEQ):
                        rows_v[s * L + kk, sl] = rows_v[s * L + kk, sl] + p
                return carry

            lax.fori_loop(0, L, add_body, 0)

        def out_dst(c):
            base = (wid * SPW + c * CSEQ) * L
            return out_hbm.at[pl.ds(base, CSEQ * L), pl.ds(0, D)]

        build_idx(0, 0)
        fire_gathers(0, rows_a, gsem_a)
        build_idx(1, 1)
        fire_gathers(1, rows_b, gsem_b)

        def pair_body(cc, carry):
            c0 = cc * 2
            wait_gathers(0, rows_a, gsem_a)
            add_pe(rows_a)
            pltpu.async_copy(rows_a, out_dst(c0), osem_a)

            wait_gathers(1, rows_b, gsem_b)
            add_pe(rows_b)
            pltpu.async_copy(rows_b, out_dst(c0 + 1), osem_b)

            @pl.when(cc < n_pairs - 1)
            def _prefetch():
                pltpu.make_async_copy(rows_a, out_dst(0), osem_a).wait()
                build_idx(c0 + 2, 0)
                fire_gathers(0, rows_a, gsem_a)
                pltpu.make_async_copy(rows_b, out_dst(0), osem_b).wait()
                build_idx(c0 + 3, 1)
                fire_gathers(1, rows_b, gsem_b)

            return carry

        lax.fori_loop(0, n_pairs, pair_body, 0)
        pltpu.make_async_copy(rows_a, out_dst(0), osem_a).wait()
        pltpu.make_async_copy(rows_b, out_dst(0), osem_b).wait()

    return k


def kernel(x, table, pe):
    B, L = x.shape
    V = table.shape[0]
    xt4 = (
        x.astype(jnp.int32).T
        .reshape(L // 8, 8, B // 128, 128)
        .transpose(0, 2, 1, 3)
    )
    out128 = _make_kernel(B, L, V)(xt4, table, pe)
    return out128[:, :D].reshape(B, L, D)

# --- scband reference (transcript-rebuilt; emitter-appended) ---
"""Pipeline reference for scband-embedding-463856468442 (READ-ONLY COPY).

The authoritative reference and input builder live on the scoring server;
editing this copy changes nothing except your own understanding.
"""

import jax, jax.numpy as jnp
import numpy as np
import math

D_MODEL = 64
VOCAB = 1000000
MAX_LEN = 5000
PAD_INDEX = 0
BATCH = 4096
SEQ = 200


def _make_pe(d_model, max_len):
    position = np.arange(max_len, dtype=np.float32)[:, None]
    div_term = np.exp(np.arange(0, d_model, 2, dtype=np.float32) * (-math.log(10000.0) / d_model))
    pe = np.zeros((max_len, d_model), dtype=np.float32)
    pe[:, 0::2] = np.sin(position * div_term)
    pe[:, 1::2] = np.cos(position * div_term)
    return jnp.asarray(pe[None])  # [1, max_len, d_model]


def setup_inputs(seed: int = 0) -> dict:
    key = jax.random.key(seed)
    k1, k2 = jax.random.split(key)
    x = jax.random.randint(k1, (BATCH, SEQ), 0, VOCAB)
    table = jax.random.normal(k2, (VOCAB, D_MODEL), dtype=jnp.float32)
    # torch nn.Embedding zeros the padding_idx row at init
    table = table.at[PAD_INDEX].set(0.0)
    pe = _make_pe(D_MODEL, MAX_LEN)
    return {"x": x, "table": table, "pe": pe}


def reference(x, table, pe):
    # x = self.embedding(x)
    emb = jnp.take(table, x, axis=0)  # [B, L, d_model]
    # x = x + self.pe[:, :x.size(1), :]
    out = emb + pe[:, : x.shape[1], :]
    return out

if __name__ == "__main__":
    import jax
    _d = setup_inputs()
    print(jax.jit(kernel)(*tuple(_d.values())))

</pallas_src>

<mosaic_0001>
#map = affine_map<(d0, d1) -> (0, 0, 0, 0)>
#map1 = affine_map<(d0, d1) -> (0, 0)>
#map2 = affine_map<(d0, d1) -> (0, 0, 0)>
module attributes {stable_mosaic.version = 14 : i64} {
  func.func @k(%arg0: i32, %arg1: i32, %arg2: memref<25x32x8x128xi32, #tpu.memory_space<hbm>>, %arg3: memref<1000000x64xf32, #tpu.memory_space<hbm>>, %arg4: memref<1x5000x64xf32, #tpu.memory_space<hbm>>, %arg5: memref<819200x128xf32, #tpu.memory_space<hbm>>, %arg6: memref<25x8x128xi32, #tpu.memory_space<vmem>>, %arg7: memref<2x2x208xi32, #tpu.memory_space<vmem>>, %arg8: memref<400x64xf32, #tpu.memory_space<vmem>>, %arg9: memref<400x64xf32, #tpu.memory_space<vmem>>, %arg10: memref<200x64xf32, #tpu.memory_space<vmem>>, %arg11: memref<!tpu.dma_semaphore, #tpu.memory_space<semaphore_mem>>, %arg12: memref<!tpu.dma_semaphore, #tpu.memory_space<semaphore_mem>>, %arg13: memref<!tpu.dma_semaphore, #tpu.memory_space<semaphore_mem>>, %arg14: memref<!tpu.dma_semaphore, #tpu.memory_space<semaphore_mem>>) attributes {dimension_semantics = [#tpu.dimension_semantics<core_parallel>, #tpu.dimension_semantics<subcore_parallel>], iteration_bounds = array<i64: 2, 16>, scalar_prefetch = 0 : i64, scratch_operands = 9 : i64, tpu.core_type = #tpu.core_type<sc_vector_subcore>, window_params = [{transform_indices = #map}, {transform_indices = #map1}, {transform_indices = #map2}, {transform_indices = #map1}]} {
    %mul3A = arith.constant 2 : i32
    %mul3A_0 = arith.muli %arg1, %mul3A : i32
    %add3A = arith.addi %mul3A_0, %arg0 : i32
    %iota3A = tpu.iota {dimensions = array<i32: 0>} : vector<16xi32>
    %add3A_1 = arith.constant 0 : i32
    %add3A_2 = vector.broadcast %add3A_1 : i32 to vector<16xi32>
    %add3A_3 = arith.addi %add3A_2, %iota3A : vector<16xi32>
    %min3A = arith.constant 199 : i32
    %min3A_4 = vector.broadcast %min3A : i32 to vector<16xi32>
    %min3A_5 = arith.minsi %add3A_3, %min3A_4 : vector<16xi32>
    %shift_right_arithmetic3A = arith.constant 3 : i32
    %shift_right_arithmetic3A_6 = vector.broadcast %shift_right_arithmetic3A : i32 to vector<16xi32>
    %shift_right_arithmetic3A_7 = arith.shrsi %min3A_5, %shift_right_arithmetic3A_6 : vector<16xi32>
    %and3A = arith.constant 7 : i32
    %and3A_8 = vector.broadcast %and3A : i32 to vector<16xi32>
    %and3A_9 = arith.andi %min3A_5, %and3A_8 : vector<16xi32>
    %add3A_10 = arith.constant 16 : i32
    %add3A_11 = vector.broadcast %add3A_10 : i32 to vector<16xi32>
    %add3A_12 = arith.addi %add3A_11, %iota3A : vector<16xi32>
    %min3A_13 = arith.constant 199 : i32
    %min3A_14 = vector.broadcast %min3A_13 : i32 to vector<16xi32>
    %min3A_15 = arith.minsi %add3A_12, %min3A_14 : vector<16xi32>
    %shift_right_arithmetic3A_16 = arith.constant 3 : i32
    %shift_right_arithmetic3A_17 = vector.broadcast %shift_right_arithmetic3A_16 : i32 to vector<16xi32>
    %shift_right_arithmetic3A_18 = arith.shrsi %min3A_15, %shift_right_arithmetic3A_17 : vector<16xi32>
    %and3A_19 = arith.constant 7 : i32
    %and3A_20 = vector.broadcast %and3A_19 : i32 to vector<16xi32>
    %and3A_21 = arith.andi %min3A_15, %and3A_20 : vector<16xi32>
    %add3A_22 = arith.constant 32 : i32
    %add3A_23 = vector.broadcast %add3A_22 : i32 to vector<16xi32>
    %add3A_24 = arith.addi %add3A_23, %iota3A : vector<16xi32>
    %min3A_25 = arith.constant 199 : i32
    %min3A_26 = vector.broadcast %min3A_25 : i32 to vector<16xi32>
    %min3A_27 = arith.minsi %add3A_24, %min3A_26 : vector<16xi32>
    %shift_right_arithmetic3A_28 = arith.constant 3 : i32
    %shift_right_arithmetic3A_29 = vector.broadcast %shift_right_arithmetic3A_28 : i32 to vector<16xi32>
    %shift_right_arithmetic3A_30 = arith.shrsi %min3A_27, %shift_right_arithmetic3A_29 : vector<16xi32>
    %and3A_31 = arith.constant 7 : i32
    %and3A_32 = vector.broadcast %and3A_31 : i32 to vector<16xi32>
    %and3A_33 = arith.andi %min3A_27, %and3A_32 : vector<16xi32>
    %add3A_34 = arith.constant 48 : i32
    %add3A_35 = vector.broadcast %add3A_34 : i32 to vector<16xi32>
    %add3A_36 = arith.addi %add3A_35, %iota3A : vector<16xi32>
    %min3A_37 = arith.constant 199 : i32
    %min3A_38 = vector.broadcast %min3A_37 : i32 to vector<16xi32>
    %min3A_39 = arith.minsi %add3A_36, %min3A_38 : vector<16xi32>
    %shift_right_arithmetic3A_40 = arith.constant 3 : i32
    %shift_right_arithmetic3A_41 = vector.broadcast %shift_right_arithmetic3A_40 : i32 to vector<16xi32>
    %shift_right_arithmetic3A_42 = arith.shrsi %min3A_39, %shift_right_arithmetic3A_41 : vector<16xi32>
    %and3A_43 = arith.constant 7 : i32
    %and3A_44 = vector.broadcast %and3A_43 : i32 to vector<16xi32>
    %and3A_45 = arith.andi %min3A_39, %and3A_44 : vector<16xi32>
    %add3A_46 = arith.constant 64 : i32
    %add3A_47 = vector.broadcast %add3A_46 : i32 to vector<16xi32>
    %add3A_48 = arith.addi %add3A_47, %iota3A : vector<16xi32>
    %min3A_49 = arith.constant 199 : i32
    %min3A_50 = vector.broadcast %min3A_49 : i32 to vector<16xi32>
    %min3A_51 = arith.minsi %add3A_48, %min3A_50 : vector<16xi32>
    %shift_right_arithmetic3A_52 = arith.constant 3 : i32
    %shift_right_arithmetic3A_53 = vector.broadcast %shift_right_arithmetic3A_52 : i32 to vector<16xi32>
    %shift_right_arithmetic3A_54 = arith.shrsi %min3A_51, %shift_right_arithmetic3A_53 : vector<16xi32>
    %and3A_55 = arith.constant 7 : i32
    %and3A_56 = vector.broadcast %and3A_55 : i32 to vector<16xi32>
    %and3A_57 = arith.andi %min3A_51, %and3A_56 : vector<16xi32>
    %add3A_58 = arith.constant 80 : i32
    %add3A_59 = vector.broadcast %add3A_58 : i32 to vector<16xi32>
    %add3A_60 = arith.addi %add3A_59, %iota3A : vector<16xi32>
    %min3A_61 = arith.constant 199 : i32
    %min3A_62 = vector.broadcast %min3A_61 : i32 to vector<16xi32>
    %min3A_63 = arith.minsi %add3A_60, %min3A_62 : vector<16xi32>
    %shift_right_arithmetic3A_64 = arith.constant 3 : i32
    %shift_right_arithmetic3A_65 = vector.broadcast %shift_right_arithmetic3A_64 : i32 to vector<16xi32>
    %shift_right_arithmetic3A_66 = arith.shrsi %min3A_63, %shift_right_arithmetic3A_65 : vector<16xi32>
    %and3A_67 = arith.constant 7 : i32
    %and3A_68 = vector.broadcast %and3A_67 : i32 to vector<16xi32>
    %and3A_69 = arith.andi %min3A_63, %and3A_68 : vector<16xi32>
    %add3A_70 = arith.constant 96 : i32
    %add3A_71 = vector.broadcast %add3A_70 : i32 to vector<16xi32>
    %add3A_72 = arith.addi %add3A_71, %iota3A : vector<16xi32>
    %min3A_73 = arith.constant 199 : i32
    %min3A_74 = vector.broadcast %min3A_73 : i32 to vector<16xi32>
    %min3A_75 = arith.minsi %add3A_72, %min3A_74 : vector<16xi32>
    %shift_right_arithmetic3A_76 = arith.constant 3 : i32
    %shift_right_arithmetic3A_77 = vector.broadcast %shift_right_arithmetic3A_76 : i32 to vector<16xi32>
    %shift_right_arithmetic3A_78 = arith.shrsi %min3A_75, %shift_right_arithmetic3A_77 : vector<16xi32>
    %and3A_79 = arith.constant 7 : i32
    %and3A_80 = vector.broadcast %and3A_79 : i32 to vector<16xi32>
    %and3A_81 = arith.andi %min3A_75, %and3A_80 : vector<16xi32>
    %add3A_82 = arith.constant 112 : i32
    %add3A_83 = vector.broadcast %add3A_82 : i32 to vector<16xi32>
    %add3A_84 = arith.addi %add3A_83, %iota3A : vector<16xi32>
    %min3A_85 = arith.constant 199 : i32
    %min3A_86 = vector.broadcast %min3A_85 : i32 to vector<16xi32>
    %min3A_87 = arith.minsi %add3A_84, %min3A_86 : vector<16xi32>
    %shift_right_arithmetic3A_88 = arith.constant 3 : i32
    %shift_right_arithmetic3A_89 = vector.broadcast %shift_right_arithmetic3A_88 : i32 to vector<16xi32>
    %shift_right_arithmetic3A_90 = arith.shrsi %min3A_87, %shift_right_arithmetic3A_89 : vector<16xi32>
    %and3A_91 = arith.constant 7 : i32
    %and3A_92 = vector.broadcast %and3A_91 : i32 to vector<16xi32>
    %and3A_93 = arith.andi %min3A_87, %and3A_92 : vector<16xi32>
    %add3A_94 = arith.constant 128 : i32
    %add3A_95 = vector.broadcast %add3A_94 : i32 to vector<16xi32>
    %add3A_96 = arith.addi %add3A_95, %iota3A : vector<16xi32>
    %min3A_97 = arith.constant 199 : i32
    %min3A_98 = vector.broadcast %min3A_97 : i32 to vector<16xi32>
    %min3A_99 = arith.minsi %add3A_96, %min3A_98 : vector<16xi32>
    %shift_right_arithmetic3A_100 = arith.constant 3 : i32
    %shift_right_arithmetic3A_101 = vector.broadcast %shift_right_arithmetic3A_100 : i32 to vector<16xi32>
    %shift_right_arithmetic3A_102 = arith.shrsi %min3A_99, %shift_right_arithmetic3A_101 : vector<16xi32>
    %and3A_103 = arith.constant 7 : i32
    %and3A_104 = vector.broadcast %and3A_103 : i32 to vector<16xi32>
    %and3A_105 = arith.andi %min3A_99, %and3A_104 : vector<16xi32>
    %add3A_106 = arith.constant 144 : i32
    %add3A_107 = vector.broadcast %add3A_106 : i32 to vector<16xi32>
    %add3A_108 = arith.addi %add3A_107, %iota3A : vector<16xi32>
    %min3A_109 = arith.constant 199 : i32
    %min3A_110 = vector.broadcast %min3A_109 : i32 to vector<16xi32>
    %min3A_111 = arith.minsi %add3A_108, %min3A_110 : vector<16xi32>
    %shift_right_arithmetic3A_112 = arith.constant 3 : i32
    %shift_right_arithmetic3A_113 = vector.broadcast %shift_right_arithmetic3A_112 : i32 to vector<16xi32>
    %shift_right_arithmetic3A_114 = arith.shrsi %min3A_111, %shift_right_arithmetic3A_113 : vector<16xi32>
    %and3A_115 = arith.constant 7 : i32
    %and3A_116 = vector.broadcast %and3A_115 : i32 to vector<16xi32>
    %and3A_117 = arith.andi %min3A_111, %and3A_116 : vector<16xi32>
    %add3A_118 = arith.constant 160 : i32
    %add3A_119 = vector.broadcast %add3A_118 : i32 to vector<16xi32>
    %add3A_120 = arith.addi %add3A_119, %iota3A : vector<16xi32>
    %min3A_121 = arith.constant 199 : i32
    %min3A_122 = vector.broadcast %min3A_121 : i32 to vector<16xi32>
    %min3A_123 = arith.minsi %add3A_120, %min3A_122 : vector<16xi32>
    %shift_right_arithmetic3A_124 = arith.constant 3 : i32
    %shift_right_arithmetic3A_125 = vector.broadcast %shift_right_arithmetic3A_124 : i32 to vector<16xi32>
    %shift_right_arithmetic3A_126 = arith.shrsi %min3A_123, %shift_right_arithmetic3A_125 : vector<16xi32>
    %and3A_127 = arith.constant 7 : i32
    %and3A_128 = vector.broadcast %and3A_127 : i32 to vector<16xi32>
    %and3A_129 = arith.andi %min3A_123, %and3A_128 : vector<16xi32>
    %add3A_130 = arith.constant 176 : i32
    %add3A_131 = vector.broadcast %add3A_130 : i32 to vector<16xi32>
    %add3A_132 = arith.addi %add3A_131, %iota3A : vector<16xi32>
    %min3A_133 = arith.constant 199 : i32
    %min3A_134 = vector.broadcast %min3A_133 : i32 to vector<16xi32>
    %min3A_135 = arith.minsi %add3A_132, %min3A_134 : vector<16xi32>
    %shift_right_arithmetic3A_136 = arith.constant 3 : i32
    %shift_right_arithmetic3A_137 = vector.broadcast %shift_right_arithmetic3A_136 : i32 to vector<16xi32>
    %shift_right_arithmetic3A_138 = arith.shrsi %min3A_135, %shift_right_arithmetic3A_137 : vector<16xi32>
    %and3A_139 = arith.constant 7 : i32
    %and3A_140 = vector.broadcast %and3A_139 : i32 to vector<16xi32>
    %and3A_141 = arith.andi %min3A_135, %and3A_140 : vector<16xi32>
    %add3A_142 = arith.constant 192 : i32
    %add3A_143 = vector.broadcast %add3A_142 : i32 to vector<16xi32>
    %add3A_144 = arith.addi %add3A_143, %iota3A : vector<16xi32>
    %min3A_145 = arith.constant 199 : i32
    %min3A_146 = vector.broadcast %min3A_145 : i32 to vector<16xi32>
    %min3A_147 = arith.minsi %add3A_144, %min3A_146 : vector<16xi32>
    %shift_right_arithmetic3A_148 = arith.constant 3 : i32
    %shift_right_arithmetic3A_149 = vector.broadcast %shift_right_arithmetic3A_148 : i32 to vector<16xi32>
    %shift_right_arithmetic3A_150 = arith.shrsi %min3A_147, %shift_right_arithmetic3A_149 : vector<16xi32>
    %and3A_151 = arith.constant 7 : i32
    %and3A_152 = vector.broadcast %and3A_151 : i32 to vector<16xi32>
    %and3A_153 = arith.andi %min3A_147, %and3A_152 : vector<16xi32>
    %run_scoped3A = arith.constant 0 : i32
    "tpu.region"() ({
      %run_scoped3A_634 = tpu.sem_alloc : memref<!tpu.dma_semaphore, #tpu.memory_space<semaphore_mem>>
      %dma_start3A_635 = arith.constant 0 : i32
      %dma_start3A_636 = arith.constant 0 : i32
      %dma_start3A_637 = tpu.memref_slice %arg4[%run_scoped3A, %dma_start3A_635, %dma_start3A_636] : memref<1x5000x64xf32, #tpu.memory_space<hbm>> -> memref<1x200x64xf32, #tpu.memory_space<hbm>>
      %dma_start3A_638 = tpu.memref_squeeze %dma_start3A_637 : memref<1x200x64xf32, #tpu.memory_space<hbm>> -> memref<200x64xf32, #tpu.memory_space<hbm>>
      %dma_start3A_639 = arith.constant 0 : i32
      %dma_start3A_640 = arith.constant 0 : i32
      %dma_start3A_641 = tpu.memref_slice %arg4[%run_scoped3A, %dma_start3A_639, %dma_start3A_640] : memref<1x5000x64xf32, #tpu.memory_space<hbm>> -> memref<1x200x64xf32, #tpu.memory_space<hbm>>
      %dma_start3A_642 = tpu.memref_squeeze %dma_start3A_641 : memref<1x200x64xf32, #tpu.memory_space<hbm>> -> memref<200x64xf32, #tpu.memory_space<hbm>>
      tpu.enqueue_dma source(%dma_start3A_642 : memref<200x64xf32, #tpu.memory_space<hbm>>) target(%arg10 : memref<200x64xf32, #tpu.memory_space<vmem>>) target_semaphore(%run_scoped3A_634 : memref<!tpu.dma_semaphore, #tpu.memory_space<semaphore_mem>>)
      %dma_wait3A_643 = arith.constant 0 : i32
      %dma_wait3A_644 = arith.constant 0 : i32
      %dma_wait3A_645 = tpu.memref_slice %arg4[%run_scoped3A, %dma_wait3A_643, %dma_wait3A_644] : memref<1x5000x64xf32, #tpu.memory_space<hbm>> -> memref<1x200x64xf32, #tpu.memory_space<hbm>>
      %dma_wait3A_646 = tpu.memref_squeeze %dma_wait3A_645 : memref<1x200x64xf32, #tpu.memory_space<hbm>> -> memref<200x64xf32, #tpu.memory_space<hbm>>
      %dma_wait3A_647 = arith.constant 0 : i32
      %dma_wait3A_648 = arith.constant 0 : i32
      %dma_wait3A_649 = tpu.memref_slice %arg4[%run_scoped3A, %dma_wait3A_647, %dma_wait3A_648] : memref<1x5000x64xf32, #tpu.memory_space<hbm>> -> memref<1x200x64xf32, #tpu.memory_space<hbm>>
      %dma_wait3A_650 = tpu.memref_squeeze %dma_wait3A_649 : memref<1x200x64xf32, #tpu.memory_space<hbm>> -> memref<200x64xf32, #tpu.memory_space<hbm>>
      tpu.wait_dma2 semaphore(%run_scoped3A_634 : memref<!tpu.dma_semaphore, #tpu.memory_space<semaphore_mem>>) src(%dma_wait3A_650 : memref<200x64xf32, #tpu.memory_space<hbm>>) dst(%arg10 : memref<200x64xf32, #tpu.memory_space<vmem>>)
      tpu.yield
    }) : () -> ()
    "tpu.region"() ({
      %run_scoped3A_634 = tpu.sem_alloc : memref<!tpu.dma_semaphore, #tpu.memory_space<semaphore_mem>>
      %dma_start3A_635 = arith.constant 0 : i32
      %dma_start3A_636 = arith.constant 0 : i32
      %dma_start3A_637 = arith.constant 0 : i32
      %dma_start3A_638 = tpu.memref_slice %arg2[%dma_start3A_635, %add3A, %dma_start3A_636, %dma_start3A_637] : memref<25x32x8x128xi32, #tpu.memory_space<hbm>> -> memref<25x1x8x128xi32, #tpu.memory_space<hbm>>
      %dma_start3A_639 = tpu.memref_squeeze %dma_start3A_638 : memref<25x1x8x128xi32, #tpu.memory_space<hbm>> -> memref<25x8x128xi32, #tpu.memory_space<hbm>>
      %dma_start3A_640 = arith.constant 0 : i32
      %dma_start3A_641 = arith.constant 0 : i32
      %dma_start3A_642 = arith.constant 0 : i32
      %dma_start3A_643 = tpu.memref_slice %arg2[%dma_start3A_640, %add3A, %dma_start3A_641, %dma_start3A_642] : memref<25x32x8x128xi32, #tpu.memory_space<hbm>> -> memref<25x1x8x128xi32, #tpu.memory_space<hbm>>
      %dma_start3A_644 = tpu.memref_squeeze %dma_start3A_643 : memref<25x1x8x128xi32, #tpu.memory_space<hbm>> -> memref<25x8x128xi32, #tpu.memory_space<hbm>>
      tpu.enqueue_dma source(%dma_start3A_644 : memref<25x8x128xi32, #tpu.memory_space<hbm>>) target(%arg6 : memref<25x8x128xi32, #tpu.memory_space<vmem>>) target_semaphore(%run_scoped3A_634 : memref<!tpu.dma_semaphore, #tpu.memory_space<semaphore_mem>>)
      %dma_wait3A_645 = arith.constant 0 : i32
      %dma_wait3A_646 = arith.constant 0 : i32
      %dma_wait3A_647 = arith.constant 0 : i32
      %dma_wait3A_648 = tpu.memref_slice %arg2[%dma_wait3A_645, %add3A, %dma_wait3A_646, %dma_wait3A_647] : memref<25x32x8x128xi32, #tpu.memory_space<hbm>> -> memref<25x1x8x128xi32, #tpu.memory_space<hbm>>
      %dma_wait3A_649 = tpu.memref_squeeze %dma_wait3A_648 : memref<25x1x8x128xi32, #tpu.memory_space<hbm>> -> memref<25x8x128xi32, #tpu.memory_space<hbm>>
      %dma_wait3A_650 = arith.constant 0 : i32
      %dma_wait3A_651 = arith.constant 0 : i32
      %dma_wait3A_652 = arith.constant 0 : i32
      %dma_wait3A_653 = tpu.memref_slice %arg2[%dma_wait3A_650, %add3A, %dma_wait3A_651, %dma_wait3A_652] : memref<25x32x8x128xi32, #tpu.memory_space<hbm>> -> memref<25x1x8x128xi32, #tpu.memory_space<hbm>>
      %dma_wait3A_654 = tpu.memref_squeeze %dma_wait3A_653 : memref<25x1x8x128xi32, #tpu.memory_space<hbm>> -> memref<25x8x128xi32, #tpu.memory_space<hbm>>
      tpu.wait_dma2 semaphore(%run_scoped3A_634 : memref<!tpu.dma_semaphore, #tpu.memory_space<semaphore_mem>>) src(%dma_wait3A_654 : memref<25x8x128xi32, #tpu.memory_space<hbm>>) dst(%arg6 : memref<25x8x128xi32, #tpu.memory_space<vmem>>)
      tpu.yield
    }) : () -> ()
    %broadcast_in_dim3A = arith.constant 0 : i32
    %broadcast_in_dim3A_154 = vector.broadcast %broadcast_in_dim3A : i32 to vector<16xi32>
    %gather3A = tpu.vector_load_idx %arg6[%shift_right_arithmetic3A_7, %and3A_9, %broadcast_in_dim3A_154] : memref<25x8x128xi32, #tpu.memory_space<vmem>>[vector<16xi32>, vector<16xi32>, vector<16xi32>], vector<16xi32>,
    %swap3A = arith.constant 0 : i32
    %swap3A_155 = arith.constant 0 : i32
    %swap3A_156 = arith.index_cast %swap3A : i32 to index
    %swap3A_157 = arith.index_cast %swap3A_155 : i32 to index
    %swap3A_158 = arith.constant 0 : index
    %swap3A_159 = tpu.vector_load %arg7[%swap3A_156, %swap3A_157, %swap3A_158] {strides = array<i32>} : memref<2x2x208xi32, #tpu.memory_space<vmem>>, vector<16xi32>,
    tpu.vector_store %arg7[%swap3A_156, %swap3A_157, %swap3A_158], %gather3A {strides = array<i32>} : memref<2x2x208xi32, #tpu.memory_space<vmem>>, vector<16xi32>,
    %gather3A_160 = tpu.vector_load_idx %arg6[%shift_right_arithmetic3A_18, %and3A_21, %broadcast_in_dim3A_154] : memref<25x8x128xi32, #tpu.memory_space<vmem>>[vector<16xi32>, vector<16xi32>, vector<16xi32>], vector<16xi32>,
    %swap3A_161 = arith.constant 0 : i32
    %swap3A_162 = arith.constant 0 : i32
    %swap3A_163 = arith.index_cast %swap3A_161 : i32 to index
    %swap3A_164 = arith.index_cast %swap3A_162 : i32 to index
    %swap3A_165 = arith.constant 16 : index
    %swap3A_166 = tpu.vector_load %arg7[%swap3A_163, %swap3A_164, %swap3A_165] {strides = array<i32>} : memref<2x2x208xi32, #tpu.memory_space<vmem>>, vector<16xi32>,
    tpu.vector_store %arg7[%swap3A_163, %swap3A_164, %swap3A_165], %gather3A_160 {strides = array<i32>} : memref<2x2x208xi32, #tpu.memory_space<vmem>>, vector<16xi32>,
    %gather3A_167 = tpu.vector_load_idx %arg6[%shift_right_arithmetic3A_30, %and3A_33, %broadcast_in_dim3A_154] : memref<25x8x128xi32, #tpu.memory_space<vmem>>[vector<16xi32>, vector<16xi32>, vector<16xi32>], vector<16xi32>,
    %swap3A_168 = arith.constant 0 : i32
    %swap3A_169 = arith.constant 0 : i32
    %swap3A_170 = arith.index_cast %swap3A_168 : i32 to index
    %swap3A_171 = arith.index_cast %swap3A_169 : i32 to index
    %swap3A_172 = arith.constant 32 : index
    %swap3A_173 = tpu.vector_load %arg7[%swap3A_170, %swap3A_171, %swap3A_172] {strides = array<i32>} : memref<2x2x208xi32, #tpu.memory_space<vmem>>, vector<16xi32>,
    tpu.vector_store %arg7[%swap3A_170, %swap3A_171, %swap3A_172], %gather3A_167 {strides = array<i32>} : memref<2x2x208xi32, #tpu.memory_space<vmem>>, vector<16xi32>,
    %gather3A_174 = tpu.vector_load_idx %arg6[%shift_right_arithmetic3A_42, %and3A_45, %broadcast_in_dim3A_154] : memref<25x8x128xi32, #tpu.memory_space<vmem>>[vector<16xi32>, vector<16xi32>, vector<16xi32>], vector<16xi32>,
    %swap3A_175 = arith.constant 0 : i32
    %swap3A_176 = arith.constant 0 : i32
    %swap3A_177 = arith.index_cast %swap3A_175 : i32 to index
    %swap3A_178 = arith.index_cast %swap3A_176 : i32 to index
    %swap3A_179 = arith.constant 48 : index
    %swap3A_180 = tpu.vector_load %arg7[%swap3A_177, %swap3A_178, %swap3A_179] {strides = array<i32>} : memref<2x2x208xi32, #tpu.memory_space<vmem>>, vector<16xi32>,
    tpu.vector_store %arg7[%swap3A_177, %swap3A_178, %swap3A_179], %gather3A_174 {strides = array<i32>} : memref<2x2x208xi32, #tpu.memory_space<vmem>>, vector<16xi32>,
    %gather3A_181 = tpu.vector_load_idx %arg6[%shift_right_arithmetic3A_54, %and3A_57, %broadcast_in_dim3A_154] : memref<25x8x128xi32, #tpu.memory_space<vmem>>[vector<16xi32>, vector<16xi32>, vector<16xi32>], vector<16xi32>,
    %swap3A_182 = arith.constant 0 : i32
    %swap3A_183 = arith.constant 0 : i32
    %swap3A_184 = arith.index_cast %swap3A_182 : i32 to index
    %swap3A_185 = arith.index_cast %swap3A_183 : i32 to index
    %swap3A_186 = arith.constant 64 : index
    %swap3A_187 = tpu.vector_load %arg7[%swap3A_184, %swap3A_185, %swap3A_186] {strides = array<i32>} : memref<2x2x208xi32, #tpu.memory_space<vmem>>, vector<16xi32>,
    tpu.vector_store %arg7[%swap3A_184, %swap3A_185, %swap3A_186], %gather3A_181 {strides = array<i32>} : memref<2x2x208xi32, #tpu.memory_space<vmem>>, vector<16xi32>,
    %gather3A_188 = tpu.vector_load_idx %arg6[%shift_right_arithmetic3A_66, %and3A_69, %broadcast_in_dim3A_154] : memref<25x8x128xi32, #tpu.memory_space<vmem>>[vector<16xi32>, vector<16xi32>, vector<16xi32>], vector<16xi32>,
    %swap3A_189 = arith.constant 0 : i32
    %swap3A_190 = arith.constant 0 : i32
    %swap3A_191 = arith.index_cast %swap3A_189 : i32 to index
    %swap3A_192 = arith.index_cast %swap3A_190 : i32 to index
    %swap3A_193 = arith.constant 80 : index
    %swap3A_194 = tpu.vector_load %arg7[%swap3A_191, %swap3A_192, %swap3A_193] {strides = array<i32>} : memref<2x2x208xi32, #tpu.memory_space<vmem>>, vector<16xi32>,
    tpu.vector_store %arg7[%swap3A_191, %swap3A_192, %swap3A_193], %gather3A_188 {strides = array<i32>} : memref<2x2x208xi32, #tpu.memory_space<vmem>>, vector<16xi32>,
    %gather3A_195 = tpu.vector_load_idx %arg6[%shift_right_arithmetic3A_78, %and3A_81, %broadcast_in_dim3A_154] : memref<25x8x128xi32, #tpu.memory_space<vmem>>[vector<16xi32>, vector<16xi32>, vector<16xi32>], vector<16xi32>,
    %swap3A_196 = arith.constant 0 : i32
    %swap3A_197 = arith.constant 0 : i32
    %swap3A_198 = arith.index_cast %swap3A_196 : i32 to index
    %swap3A_199 = arith.index_cast %swap3A_197 : i32 to index
    %swap3A_200 = arith.constant 96 : index
    %swap3A_201 = tpu.vector_load %arg7[%swap3A_198, %swap3A_199, %swap3A_200] {strides = array<i32>} : memref<2x2x208xi32, #tpu.memory_space<vmem>>, vector<16xi32>,
    tpu.vector_store %arg7[%swap3A_198, %swap3A_199, %swap3A_200], %gather3A_195 {strides = array<i32>} : memref<2x2x208xi32, #tpu.memory_space<vmem>>, vector<16xi32>,
    %gather3A_202 = tpu.vector_load_idx %arg6[%shift_right_arithmetic3A_90, %and3A_93, %broadcast_in_dim3A_154] : memref<25x8x128xi32, #tpu.memory_space<vmem>>[vector<16xi32>, vector<16xi32>, vector<16xi32>], vector<16xi32>,
    %swap3A_203 = arith.constant 0 : i32
    %swap3A_204 = arith.constant 0 : i32
    %swap3A_205 = arith.index_cast %swap3A_203 : i32 to index
    %swap3A_206 = arith.index_cast %swap3A_204 : i32 to index
    %swap3A_207 = arith.constant 112 : index
    %swap3A_208 = tpu.vector_load %arg7[%swap3A_205, %swap3A_206, %swap3A_207] {strides = array<i32>} : memref<2x2x208xi32, #tpu.memory_space<vmem>>, vector<16xi32>,
    tpu.vector_store %arg7[%swap3A_205, %swap3A_206, %swap3A_207], %gather3A_202 {strides = array<i32>} : memref<2x2x208xi32, #tpu.memory_space<vmem>>, vector<16xi32>,
    %gather3A_209 = tpu.vector_load_idx %arg6[%shift_right_arithmetic3A_102, %and3A_105, %broadcast_in_dim3A_154] : memref<25x8x128xi32, #tpu.memory_space<vmem>>[vector<16xi32>, vector<16xi32>, vector<16xi32>], vector<16xi32>,
    %swap3A_210 = arith.constant 0 : i32
    %swap3A_211 = arith.constant 0 : i32
    %swap3A_212 = arith.index_cast %swap3A_210 : i32 to index
    %swap3A_213 = arith.index_cast %swap3A_211 : i32 to index
    %swap3A_214 = arith.constant 128 : index
    %swap3A_215 = tpu.vector_load %arg7[%swap3A_212, %swap3A_213, %swap3A_214] {strides = array<i32>} : memref<2x2x208xi32, #tpu.memory_space<vmem>>, vector<16xi32>,
    tpu.vector_store %arg7[%swap3A_212, %swap3A_213, %swap3A_214], %gather3A_209 {strides = array<i32>} : memref<2x2x208xi32, #tpu.memory_space<vmem>>, vector<16xi32>,
    %gather3A_216 = tpu.vector_load_idx %arg6[%shift_right_arithmetic3A_114, %and3A_117, %broadcast_in_dim3A_154] : memref<25x8x128xi32, #tpu.memory_space<vmem>>[vector<16xi32>, vector<16xi32>, vector<16xi32>], vector<16xi32>,
    %swap3A_217 = arith.constant 0 : i32
    %swap3A_218 = arith.constant 0 : i32
    %swap3A_219 = arith.index_cast %swap3A_217 : i32 to index
    %swap3A_220 = arith.index_cast %swap3A_218 : i32 to index
    %swap3A_221 = arith.constant 144 : index
    %swap3A_222 = tpu.vector_load %arg7[%swap3A_219, %swap3A_220, %swap3A_221] {strides = array<i32>} : memref<2x2x208xi32, #tpu.memory_space<vmem>>, vector<16xi32>,
    tpu.vector_store %arg7[%swap3A_219, %swap3A_220, %swap3A_221], %gather3A_216 {strides = array<i32>} : memref<2x2x208xi32, #tpu.memory_space<vmem>>, vector<16xi32>,
    %gather3A_223 = tpu.vector_load_idx %arg6[%shift_right_arithmetic3A_126, %and3A_129, %broadcast_in_dim3A_154] : memref<25x8x128xi32, #tpu.memory_space<vmem>>[vector<16xi32>, vector<16xi32>, vector<16xi32>], vector<16xi32>,
    %swap3A_224 = arith.constant 0 : i32
    %swap3A_225 = arith.constant 0 : i32
    %swap3A_226 = arith.index_cast %swap3A_224 : i32 to index
    %swap3A_227 = arith.index_cast %swap3A_225 : i32 to index
    %swap3A_228 = arith.constant 160 : index
    %swap3A_229 = tpu.vector_load %arg7[%swap3A_226, %swap3A_227, %swap3A_228] {strides = array<i32>} : memref<2x2x208xi32, #tpu.memory_space<vmem>>, vector<16xi32>,
    tpu.vector_store %arg7[%swap3A_226, %swap3A_227, %swap3A_228], %gather3A_223 {strides = array<i32>} : memref<2x2x208xi32, #tpu.memory_space<vmem>>, vector<16xi32>,
    %gather3A_230 = tpu.vector_load_idx %arg6[%shift_right_arithmetic3A_138, %and3A_141, %broadcast_in_dim3A_154] : memref<25x8x128xi32, #tpu.memory_space<vmem>>[vector<16xi32>, vector<16xi32>, vector<16xi32>], vector<16xi32>,
    %swap3A_231 = arith.constant 0 : i32
    %swap3A_232 = arith.constant 0 : i32
    %swap3A_233 = arith.index_cast %swap3A_231 : i32 to index
    %swap3A_234 = arith.index_cast %swap3A_232 : i32 to index
    %swap3A_235 = arith.constant 176 : index
    %swap3A_236 = tpu.vector_load %arg7[%swap3A_233, %swap3A_234, %swap3A_235] {strides = array<i32>} : memref<2x2x208xi32, #tpu.memory_space<vmem>>, vector<16xi32>,
    tpu.vector_store %arg7[%swap3A_233, %swap3A_234, %swap3A_235], %gather3A_230 {strides = array<i32>} : memref<2x2x208xi32, #tpu.memory_space<vmem>>, vector<16xi32>,
    %gather3A_237 = tpu.vector_load_idx %arg6[%shift_right_arithmetic3A_150, %and3A_153, %broadcast_in_dim3A_154] : memref<25x8x128xi32, #tpu.memory_space<vmem>>[vector<16xi32>, vector<16xi32>, vector<16xi32>], vector<16xi32>,
    %swap3A_238 = arith.constant 0 : i32
    %swap3A_239 = arith.constant 0 : i32
    %swap3A_240 = arith.index_cast %swap3A_238 : i32 to index
    %swap3A_241 = arith.index_cast %swap3A_239 : i32 to index
    %swap3A_242 = arith.constant 192 : index
    %swap3A_243 = tpu.vector_load %arg7[%swap3A_240, %swap3A_241, %swap3A_242] {strides = array<i32>} : memref<2x2x208xi32, #tpu.memory_space<vmem>>, vector<16xi32>,
    tpu.vector_store %arg7[%swap3A_240, %swap3A_241, %swap3A_242], %gather3A_237 {strides = array<i32>} : memref<2x2x208xi32, #tpu.memory_space<vmem>>, vector<16xi32>,
    %broadcast_in_dim3A_244 = arith.constant 1 : i32
    %broadcast_in_dim3A_245 = vector.broadcast %broadcast_in_dim3A_244 : i32 to vector<16xi32>
    %gather3A_246 = tpu.vector_load_idx %arg6[%shift_right_arithmetic3A_7, %and3A_9, %broadcast_in_dim3A_245] : memref<25x8x128xi32, #tpu.memory_space<vmem>>[vector<16xi32>, vector<16xi32>, vector<16xi32>], vector<16xi32>,
    %swap3A_247 = arith.constant 0 : i32
    %swap3A_248 = arith.constant 1 : i32
    %swap3A_249 = arith.index_cast %swap3A_247 : i32 to index
    %swap3A_250 = arith.index_cast %swap3A_248 : i32 to index
    %swap3A_251 = arith.constant 0 : index
    %swap3A_252 = tpu.vector_load %arg7[%swap3A_249, %swap3A_250, %swap3A_251] {strides = array<i32>} : memref<2x2x208xi32, #tpu.memory_space<vmem>>, vector<16xi32>,
    tpu.vector_store %arg7[%swap3A_249, %swap3A_250, %swap3A_251], %gather3A_246 {strides = array<i32>} : memref<2x2x208xi32, #tpu.memory_space<vmem>>, vector<16xi32>,
    %gather3A_253 = tpu.vector_load_idx %arg6[%shift_right_arithmetic3A_18, %and3A_21, %broadcast_in_dim3A_245] : memref<25x8x128xi32, #tpu.memory_space<vmem>>[vector<16xi32>, vector<16xi32>, vector<16xi32>], vector<16xi32>,
    %swap3A_254 = arith.constant 0 : i32
    %swap3A_255 = arith.constant 1 : i32
    %swap3A_256 = arith.index_cast %swap3A_254 : i32 to index
    %swap3A_257 = arith.index_cast %swap3A_255 : i32 to index
    %swap3A_258 = arith.constant 16 : index
    %swap3A_259 = tpu.vector_load %arg7[%swap3A_256, %swap3A_257, %swap3A_258] {strides = array<i32>} : memref<2x2x208xi32, #tpu.memory_space<vmem>>, vector<16xi32>,
    tpu.vector_store %arg7[%swap3A_256, %swap3A_257, %swap3A_258], %gather3A_253 {strides = array<i32>} : memref<2x2x208xi32, #tpu.memory_space<vmem>>, vector<16xi32>,
    %gather3A_260 = tpu.vector_load_idx %arg6[%shift_right_arithmetic3A_30, %and3A_33, %broadcast_in_dim3A_245] : memref<25x8x128xi32, #tpu.memory_space<vmem>>[vector<16xi32>, vector<16xi32>, vector<16xi32>], vector<16xi32>,
    %swap3A_261 = arith.constant 0 : i32
    %swap3A_262 = arith.constant 1 : i32
    %swap3A_263 = arith.index_cast %swap3A_261 : i32 to index
    %swap3A_264 = arith.index_cast %swap3A_262 : i32 to index
    %swap3A_265 = arith.constant 32 : index
    %swap3A_266 = tpu.vector_load %arg7[%swap3A_263, %swap3A_264, %swap3A_265] {strides = array<i32>} : memref<2x2x208xi32, #tpu.memory_space<vmem>>, vector<16xi32>,
    tpu.vector_store %arg7[%swap3A_263, %swap3A_264, %swap3A_265], %gather3A_260 {strides = array<i32>} : memref<2x2x208xi32, #tpu.memory_space<vmem>>, vector<16xi32>,
    %gather3A_267 = tpu.vector_load_idx %arg6[%shift_right_arithmetic3A_42, %and3A_45, %broadcast_in_dim3A_245] : memref<25x8x128xi32, #tpu.memory_space<vmem>>[vector<16xi32>, vector<16xi32>, vector<16xi32>], vector<16xi32>,
    %swap3A_268 = arith.constant 0 : i32
    %swap3A_269 = arith.constant 1 : i32
    %swap3A_270 = arith.index_cast %swap3A_268 : i32 to index
    %swap3A_271 = arith.index_cast %swap3A_269 : i32 to index
    %swap3A_272 = arith.constant 48 : index
    %swap3A_273 = tpu.vector_load %arg7[%swap3A_270, %swap3A_271, %swap3A_272] {strides = array<i32>} : memref<2x2x208xi32, #tpu.memory_space<vmem>>, vector<16xi32>,
    tpu.vector_store %arg7[%swap3A_270, %swap3A_271, %swap3A_272], %gather3A_267 {strides = array<i32>} : memref<2x2x208xi32, #tpu.memory_space<vmem>>, vector<16xi32>,
    %gather3A_274 = tpu.vector_load_idx %arg6[%shift_right_arithmetic3A_54, %and3A_57, %broadcast_in_dim3A_245] : memref<25x8x128xi32, #tpu.memory_space<vmem>>[vector<16xi32>, vector<16xi32>, vector<16xi32>], vector<16xi32>,
    %swap3A_275 = arith.constant 0 : i32
    %swap3A_276 = arith.constant 1 : i32
    %swap3A_277 = arith.index_cast %swap3A_275 : i32 to index
    %swap3A_278 = arith.index_cast %swap3A_276 : i32 to index
    %swap3A_279 = arith.constant 64 : index
    %swap3A_280 = tpu.vector_load %arg7[%swap3A_277, %swap3A_278, %swap3A_279] {strides = array<i32>} : memref<2x2x208xi32, #tpu.memory_space<vmem>>, vector<16xi32>,
    tpu.vector_store %arg7[%swap3A_277, %swap3A_278, %swap3A_279], %gather3A_274 {strides = array<i32>} : memref<2x2x208xi32, #tpu.memory_space<vmem>>, vector<16xi32>,
    %gather3A_281 = tpu.vector_load_idx %arg6[%shift_right_arithmetic3A_66, %and3A_69, %broadcast_in_dim3A_245] : memref<25x8x128xi32, #tpu.memory_space<vmem>>[vector<16xi32>, vector<16xi32>, vector<16xi32>], vector<16xi32>,
    %swap3A_282 = arith.constant 0 : i32
    %swap3A_283 = arith.constant 1 : i32
    %swap3A_284 = arith.index_cast %swap3A_282 : i32 to index
    %swap3A_285 = arith.index_cast %swap3A_283 : i32 to index
    %swap3A_286 = arith.constant 80 : index
    %swap3A_287 = tpu.vector_load %arg7[%swap3A_284, %swap3A_285, %swap3A_286] {strides = array<i32>} : memref<2x2x208xi32, #tpu.memory_space<vmem>>, vector<16xi32>,
    tpu.vector_store %arg7[%swap3A_284, %swap3A_285, %swap3A_286], %gather3A_281 {strides = array<i32>} : memref<2x2x208xi32, #tpu.memory_space<vmem>>, vector<16xi32>,
    %gather3A_288 = tpu.vector_load_idx %arg6[%shift_right_arithmetic3A_78, %and3A_81, %broadcast_in_dim3A_245] : memref<25x8x128xi32, #tpu.memory_space<vmem>>[vector<16xi32>, vector<16xi32>, vector<16xi32>], vector<16xi32>,
    %swap3A_289 = arith.constant 0 : i32
    %swap3A_290 = arith.constant 1 : i32
    %swap3A_291 = arith.index_cast %swap3A_289 : i32 to index
    %swap3A_292 = arith.index_cast %swap3A_290 : i32 to index
    %swap3A_293 = arith.constant 96 : index
    %swap3A_294 = tpu.vector_load %arg7[%swap3A_291, %swap3A_292, %swap3A_293] {strides = array<i32>} : memref<2x2x208xi32, #tpu.memory_space<vmem>>, vector<16xi32>,
    tpu.vector_store %arg7[%swap3A_291, %swap3A_292, %swap3A_293], %gather3A_288 {strides = array<i32>} : memref<2x2x208xi32, #tpu.memory_space<vmem>>, vector<16xi32>,
    %gather3A_295 = tpu.vector_load_idx %arg6[%shift_right_arithmetic3A_90, %and3A_93, %broadcast_in_dim3A_245] : memref<25x8x128xi32, #tpu.memory_space<vmem>>[vector<16xi32>, vector<16xi32>, vector<16xi32>], vector<16xi32>,
    %swap3A_296 = arith.constant 0 : i32
    %swap3A_297 = arith.constant 1 : i32
    %swap3A_298 = arith.index_cast %swap3A_296 : i32 to index
    %swap3A_299 = arith.index_cast %swap3A_297 : i32 to index
    %swap3A_300 = arith.constant 112 : index
    %swap3A_301 = tpu.vector_load %arg7[%swap3A_298, %swap3A_299, %swap3A_300] {strides = array<i32>} : memref<2x2x208xi32, #tpu.memory_space<vmem>>, vector<16xi32>,
    tpu.vector_store %arg7[%swap3A_298, %swap3A_299, %swap3A_300], %gather3A_295 {strides = array<i32>} : memref<2x2x208xi32, #tpu.memory_space<vmem>>, vector<16xi32>,
    %gather3A_302 = tpu.vector_load_idx %arg6[%shift_right_arithmetic3A_102, %and3A_105, %broadcast_in_dim3A_245] : memref<25x8x128xi32, #tpu.memory_space<vmem>>[vector<16xi32>, vector<16xi32>, vector<16xi32>], vector<16xi32>,
    %swap3A_303 = arith.constant 0 : i32
    %swap3A_304 = arith.constant 1 : i32
    %swap3A_305 = arith.index_cast %swap3A_303 : i32 to index
    %swap3A_306 = arith.index_cast %swap3A_304 : i32 to index
    %swap3A_307 = arith.constant 128 : index
    %swap3A_308 = tpu.vector_load %arg7[%swap3A_305, %swap3A_306, %swap3A_307] {strides = array<i32>} : memref<2x2x208xi32, #tpu.memory_space<vmem>>, vector<16xi32>,
    tpu.vector_store %arg7[%swap3A_305, %swap3A_306, %swap3A_307], %gather3A_302 {strides = array<i32>} : memref<2x2x208xi32, #tpu.memory_space<vmem>>, vector<16xi32>,
    %gather3A_309 = tpu.vector_load_idx %arg6[%shift_right_arithmetic3A_114, %and3A_117, %broadcast_in_dim3A_245] : memref<25x8x128xi32, #tpu.memory_space<vmem>>[vector<16xi32>, vector<16xi32>, vector<16xi32>], vector<16xi32>,
    %swap3A_310 = arith.constant 0 : i32
    %swap3A_311 = arith.constant 1 : i32
    %swap3A_312 = arith.index_cast %swap3A_310 : i32 to index
    %swap3A_313 = arith.index_cast %swap3A_311 : i32 to index
    %swap3A_314 = arith.constant 144 : index
    %swap3A_315 = tpu.vector_load %arg7[%swap3A_312, %swap3A_313, %swap3A_314] {strides = array<i32>} : memref<2x2x208xi32, #tpu.memory_space<vmem>>, vector<16xi32>,
    tpu.vector_store %arg7[%swap3A_312, %swap3A_313, %swap3A_314], %gather3A_309 {strides = array<i32>} : memref<2x2x208xi32, #tpu.memory_space<vmem>>, vector<16xi32>,
    %gather3A_316 = tpu.vector_load_idx %arg6[%shift_right_arithmetic3A_126, %and3A_129, %broadcast_in_dim3A_245] : memref<25x8x128xi32, #tpu.memory_space<vmem>>[vector<16xi32>, vector<16xi32>, vector<16xi32>], vector<16xi32>,
    %swap3A_317 = arith.constant 0 : i32
    %swap3A_318 = arith.constant 1 : i32
    %swap3A_319 = arith.index_cast %swap3A_317 : i32 to index
    %swap3A_320 = arith.index_cast %swap3A_318 : i32 to index
    %swap3A_321 = arith.constant 160 : index
    %swap3A_322 = tpu.vector_load %arg7[%swap3A_319, %swap3A_320, %swap3A_321] {strides = array<i32>} : memref<2x2x208xi32, #tpu.memory_space<vmem>>, vector<16xi32>,
    tpu.vector_store %arg7[%swap3A_319, %swap3A_320, %swap3A_321], %gather3A_316 {strides = array<i32>} : memref<2x2x208xi32, #tpu.memory_space<vmem>>, vector<16xi32>,
    %gather3A_323 = tpu.vector_load_idx %arg6[%shift_right_arithmetic3A_138, %and3A_141, %broadcast_in_dim3A_245] : memref<25x8x128xi32, #tpu.memory_space<vmem>>[vector<16xi32>, vector<16xi32>, vector<16xi32>], vector<16xi32>,
    %swap3A_324 = arith.constant 0 : i32
    %swap3A_325 = arith.constant 1 : i32
    %swap3A_326 = arith.index_cast %swap3A_324 : i32 to index
    %swap3A_327 = arith.index_cast %swap3A_325 : i32 to index
    %swap3A_328 = arith.constant 176 : index
    %swap3A_329 = tpu.vector_load %arg7[%swap3A_326, %swap3A_327, %swap3A_328] {strides = array<i32>} : memref<2x2x208xi32, #tpu.memory_space<vmem>>, vector<16xi32>,
    tpu.vector_store %arg7[%swap3A_326, %swap3A_327, %swap3A_328], %gather3A_323 {strides = array<i32>} : memref<2x2x208xi32, #tpu.memory_space<vmem>>, vector<16xi32>,
    %gather3A_330 = tpu.vector_load_idx %arg6[%shift_right_arithmetic3A_150, %and3A_153, %broadcast_in_dim3A_245] : memref<25x8x128xi32, #tpu.memory_space<vmem>>[vector<16xi32>, vector<16xi32>, vector<16xi32>], vector<16xi32>,
    %swap3A_331 = arith.constant 0 : i32
    %swap3A_332 = arith.constant 1 : i32
    %swap3A_333 = arith.index_cast %swap3A_331 : i32 to index
    %swap3A_334 = arith.index_cast %swap3A_332 : i32 to index
    %swap3A_335 = arith.constant 192 : index
    %swap3A_336 = tpu.vector_load %arg7[%swap3A_333, %swap3A_334, %swap3A_335] {strides = array<i32>} : memref<2x2x208xi32, #tpu.memory_space<vmem>>, vector<16xi32>,
    tpu.vector_store %arg7[%swap3A_333, %swap3A_334, %swap3A_335], %gather3A_330 {strides = array<i32>} : memref<2x2x208xi32, #tpu.memory_space<vmem>>, vector<16xi32>,
    %dma_start3A = arith.constant 0 : i32
    %dma_start3A_337 = arith.constant 0 : i32
    %dma_start3A_338 = arith.constant 0 : i32
    %dma_start3A_339 = arith.constant 0 : i32
    %dma_start3A_340 = tpu.memref_slice %arg8[%dma_start3A_338, %dma_start3A_339] : memref<400x64xf32, #tpu.memory_space<vmem>> -> memref<104x64xf32, #tpu.memory_space<vmem>>
    %dma_start3A_341 = arith.constant 0 : i32
    %dma_start3A_342 = tpu.memref_slice %arg7[%dma_start3A, %dma_start3A_337, %dma_start3A_341] : memref<2x2x208xi32, #tpu.memory_space<vmem>> -> memref<1x1x104xi32, #tpu.memory_space<vmem>>
    %dma_start3A_343 = tpu.memref_squeeze %dma_start3A_342 : memref<1x1x104xi32, #tpu.memory_space<vmem>> -> memref<104xi32, #tpu.memory_space<vmem>>
    %dma_start3A_344 = arith.constant 0 : i32
    %dma_start3A_345 = arith.constant 0 : i32
    %dma_start3A_346 = tpu.memref_slice %arg3[%dma_start3A_344, %dma_start3A_345] : memref<1000000x64xf32, #tpu.memory_space<hbm>> -> memref<1000000x64xf32, #tpu.memory_space<hbm>>
    tpu.enqueue_indirect_dma source(%dma_start3A_346 : memref<1000000x64xf32, #tpu.memory_space<hbm>>) target(%dma_start3A_340 : memref<104x64xf32, #tpu.memory_space<vmem>>) offsets(%dma_start3A_343 : memref<104xi32, #tpu.memory_space<vmem>>) semaphore(%arg11 : memref<!tpu.dma_semaphore, #tpu.memory_space<semaphore_mem>>)
    %dma_start3A_347 = arith.constant 0 : i32
    %dma_start3A_348 = arith.constant 0 : i32
    %dma_start3A_349 = arith.constant 104 : i32
    %dma_start3A_350 = arith.constant 0 : i32
    %dma_start3A_351 = tpu.memref_slice %arg8[%dma_start3A_349, %dma_start3A_350] : memref<400x64xf32, #tpu.memory_space<vmem>> -> memref<96x64xf32, #tpu.memory_space<vmem>>
    %dma_start3A_352 = arith.constant 104 : i32
    %dma_start3A_353 = tpu.memref_slice %arg7[%dma_start3A_347, %dma_start3A_348, %dma_start3A_352] : memref<2x2x208xi32, #tpu.memory_space<vmem>> -> memref<1x1x96xi32, #tpu.memory_space<vmem>>
    %dma_start3A_354 = tpu.memref_squeeze %dma_start3A_353 : memref<1x1x96xi32, #tpu.memory_space<vmem>> -> memref<96xi32, #tpu.memory_space<vmem>>
    %dma_start3A_355 = arith.constant 0 : i32
    %dma_start3A_356 = arith.constant 0 : i32
    %dma_start3A_357 = tpu.memref_slice %arg3[%dma_start3A_355, %dma_start3A_356] : memref<1000000x64xf32, #tpu.memory_space<hbm>> -> memref<1000000x64xf32, #tpu.memory_space<hbm>>
    tpu.enqueue_indirect_dma source(%dma_start3A_357 : memref<1000000x64xf32, #tpu.memory_space<hbm>>) target(%dma_start3A_351 : memref<96x64xf32, #tpu.memory_space<vmem>>) offsets(%dma_start3A_354 : memref<96xi32, #tpu.memory_space<vmem>>) semaphore(%arg11 : memref<!tpu.dma_semaphore, #tpu.memory_space<semaphore_mem>>)
    %dma_start3A_358 = arith.constant 0 : i32
    %dma_start3A_359 = arith.constant 1 : i32
    %dma_start3A_360 = arith.constant 200 : i32
    %dma_start3A_361 = arith.constant 0 : i32
    %dma_start3A_362 = tpu.memref_slice %arg8[%dma_start3A_360, %dma_start3A_361] : memref<400x64xf32, #tpu.memory_space<vmem>> -> memref<104x64xf32, #tpu.memory_space<vmem>>
    %dma_start3A_363 = arith.constant 0 : i32
    %dma_start3A_364 = tpu.memref_slice %arg7[%dma_start3A_358, %dma_start3A_359, %dma_start3A_363] : memref<2x2x208xi32, #tpu.memory_space<vmem>> -> memref<1x1x104xi32, #tpu.memory_space<vmem>>
    %dma_start3A_365 = tpu.memref_squeeze %dma_start3A_364 : memref<1x1x104xi32, #tpu.memory_space<vmem>> -> memref<104xi32, #tpu.memory_space<vmem>>
    %dma_start3A_366 = arith.constant 0 : i32
    %dma_start3A_367 = arith.constant 0 : i32
    %dma_start3A_368 = tpu.memref_slice %arg3[%dma_start3A_366, %dma_start3A_367] : memref<1000000x64xf32, #tpu.memory_space<hbm>> -> memref<1000000x64xf32, #tpu.memory_space<hbm>>
    tpu.enqueue_indirect_dma source(%dma_start3A_368 : memref<1000000x64xf32, #tpu.memory_space<hbm>>) target(%dma_start3A_362 : memref<104x64xf32, #tpu.memory_space<vmem>>) offsets(%dma_start3A_365 : memref<104xi32, #tpu.memory_space<vmem>>) semaphore(%arg11 : memref<!tpu.dma_semaphore, #tpu.memory_space<semaphore_mem>>)
    %dma_start3A_369 = arith.constant 0 : i32
    %dma_start3A_370 = arith.constant 1 : i32
    %dma_start3A_371 = arith.constant 304 : i32
    %dma_start3A_372 = arith.constant 0 : i32
    %dma_start3A_373 = tpu.memref_slice %arg8[%dma_start3A_371, %dma_start3A_372] : memref<400x64xf32, #tpu.memory_space<vmem>> -> memref<96x64xf32, #tpu.memory_space<vmem>>
    %dma_start3A_374 = arith.constant 104 : i32
    %dma_start3A_375 = tpu.memref_slice %arg7[%dma_start3A_369, %dma_start3A_370, %dma_start3A_374] : memref<2x2x208xi32, #tpu.memory_space<vmem>> -> memref<1x1x96xi32, #tpu.memory_space<vmem>>
    %dma_start3A_376 = tpu.memref_squeeze %dma_start3A_375 : memref<1x1x96xi32, #tpu.memory_space<vmem>> -> memref<96xi32, #tpu.memory_space<vmem>>
    %dma_start3A_377 = arith.constant 0 : i32
    %dma_start3A_378 = arith.constant 0 : i32
    %dma_start3A_379 = tpu.memref_slice %arg3[%dma_start3A_377, %dma_start3A_378] : memref<1000000x64xf32, #tpu.memory_space<hbm>> -> memref<1000000x64xf32, #tpu.memory_space<hbm>>
    tpu.enqueue_indirect_dma source(%dma_start3A_379 : memref<1000000x64xf32, #tpu.memory_space<hbm>>) target(%dma_start3A_373 : memref<96x64xf32, #tpu.memory_space<vmem>>) offsets(%dma_start3A_376 : memref<96xi32, #tpu.memory_space<vmem>>) semaphore(%arg11 : memref<!tpu.dma_semaphore, #tpu.memory_space<semaphore_mem>>)
    %broadcast_in_dim3A_380 = arith.constant 2 : i32
    %broadcast_in_dim3A_381 = vector.broadcast %broadcast_in_dim3A_380 : i32 to vector<16xi32>
    %gather3A_382 = tpu.vector_load_idx %arg6[%shift_right_arithmetic3A_7, %and3A_9, %broadcast_in_dim3A_381] : memref<25x8x128xi32, #tpu.memory_space<vmem>>[vector<16xi32>, vector<16xi32>, vector<16xi32>], vector<16xi32>,
    %swap3A_383 = arith.constant 1 : i32
    %swap3A_384 = arith.constant 0 : i32
    %swap3A_385 = arith.index_cast %swap3A_383 : i32 to index
    %swap3A_386 = arith.index_cast %swap3A_384 : i32 to index
    %swap3A_387 = arith.constant 0 : index
    %swap3A_388 = tpu.vector_load %arg7[%swap3A_385, %swap3A_386, %swap3A_387] {strides = array<i32>} : memref<2x2x208xi32, #tpu.memory_space<vmem>>, vector<16xi32>,
    tpu.vector_store %arg7[%swap3A_385, %swap3A_386, %swap3A_387], %gather3A_382 {strides = array<i32>} : memref<2x2x208xi32, #tpu.memory_space<vmem>>, vector<16xi32>,
    %gather3A_389 = tpu.vector_load_idx %arg6[%shift_right_arithmetic3A_18, %and3A_21, %broadcast_in_dim3A_381] : memref<25x8x128xi32, #tpu.memory_space<vmem>>[vector<16xi32>, vector<16xi32>, vector<16xi32>], vector<16xi32>,
    %swap3A_390 = arith.constant 1 : i32
    %swap3A_391 = arith.constant 0 : i32
    %swap3A_392 = arith.index_cast %swap3A_390 : i32 to index
    %swap3A_393 = arith.index_cast %swap3A_391 : i32 to index
    %swap3A_394 = arith.constant 16 : index
    %swap3A_395 = tpu.vector_load %arg7[%swap3A_392, %swap3A_393, %swap3A_394] {strides = array<i32>} : memref<2x2x208xi32, #tpu.memory_space<vmem>>, vector<16xi32>,
    tpu.vector_store %arg7[%swap3A_392, %swap3A_393, %swap3A_394], %gather3A_389 {strides = array<i32>} : memref<2x2x208xi32, #tpu.memory_space<vmem>>, vector<16xi32>,
    %gather3A_396 = tpu.vector_load_idx %arg6[%shift_right_arithmetic3A_30, %and3A_33, %broadcast_in_dim3A_381] : memref<25x8x128xi32, #tpu.memory_space<vmem>>[vector<16xi32>, vector<16xi32>, vector<16xi32>], vector<16xi32>,
    %swap3A_397 = arith.constant 1 : i32
    %swap3A_398 = arith.constant 0 : i32
    %swap3A_399 = arith.index_cast %swap3A_397 : i32 to index
    %swap3A_400 = arith.index_cast %swap3A_398 : i32 to index
    %swap3A_401 = arith.constant 32 : index
    %swap3A_402 = tpu.vector_load %arg7[%swap3A_399, %swap3A_400, %swap3A_401] {strides = array<i32>} : memref<2x2x208xi32, #tpu.memory_space<vmem>>, vector<16xi32>,
    tpu.vector_store %arg7[%swap3A_399, %swap3A_400, %swap3A_401], %gather3A_396 {strides = array<i32>} : memref<2x2x208xi32, #tpu.memory_space<vmem>>, vector<16xi32>,
    %gather3A_403 = tpu.vector_load_idx %arg6[%shift_right_arithmetic3A_42, %and3A_45, %broadcast_in_dim3A_381] : memref<25x8x128xi32, #tpu.memory_space<vmem>>[vector<16xi32>, vector<16xi32>, vector<16xi32>], vector<16xi32>,
    %swap3A_404 = arith.constant 1 : i32
    %swap3A_405 = arith.constant 0 : i32
    %swap3A_406 = arith.index_cast %swap3A_404 : i32 to index
    %swap3A_407 = arith.index_cast %swap3A_405 : i32 to index
    %swap3A_408 = arith.constant 48 : index
    %swap3A_409 = tpu.vector_load %arg7[%swap3A_406, %swap3A_407, %swap3A_408] {strides = array<i32>} : memref<2x2x208xi32, #tpu.memory_space<vmem>>, vector<16xi32>,
    tpu.vector_store %arg7[%swap3A_406, %swap3A_407, %swap3A_408], %gather3A_403 {strides = array<i32>} : memref<2x2x208xi32, #tpu.memory_space<vmem>>, vector<16xi32>,
    %gather3A_410 = tpu.vector_load_idx %arg6[%shift_right_arithmetic3A_54, %and3A_57, %broadcast_in_dim3A_381] : memref<25x8x128xi32, #tpu.memory_space<vmem>>[vector<16xi32>, vector<16xi32>, vector<16xi32>], vector<16xi32>,
    %swap3A_411 = arith.constant 1 : i32
    %swap3A_412 = arith.constant 0 : i32
    %swap3A_413 = arith.index_cast %swap3A_411 : i32 to index
    %swap3A_414 = arith.index_cast %swap3A_412 : i32 to index
    %swap3A_415 = arith.constant 64 : index
    %swap3A_416 = tpu.vector_load %arg7[%swap3A_413, %swap3A_414, %swap3A_415] {strides = array<i32>} : memref<2x2x208xi32, #tpu.memory_space<vmem>>, vector<16xi32>,
    tpu.vector_store %arg7[%swap3A_413, %swap3A_414, %swap3A_415], %gather3A_410 {strides = array<i32>} : memref<2x2x208xi32, #tpu.memory_space<vmem>>, vector<16xi32>,
    %gather3A_417 = tpu.vector_load_idx %arg6[%shift_right_arithmetic3A_66, %and3A_69, %broadcast_in_dim3A_381] : memref<25x8x128xi32, #tpu.memory_space<vmem>>[vector<16xi32>, vector<16xi32>, vector<16xi32>], vector<16xi32>,
    %swap3A_418 = arith.constant 1 : i32
    %swap3A_419 = arith.constant 0 : i32
    %swap3A_420 = arith.index_cast %swap3A_418 : i32 to index
    %swap3A_421 = arith.index_cast %swap3A_419 : i32 to index
    %swap3A_422 = arith.constant 80 : index
    %swap3A_423 = tpu.vector_load %arg7[%swap3A_420, %swap3A_421, %swap3A_422] {strides = array<i32>} : memref<2x2x208xi32, #tpu.memory_space<vmem>>, vector<16xi32>,
    tpu.vector_store %arg7[%swap3A_420, %swap3A_421, %swap3A_422], %gather3A_417 {strides = array<i32>} : memref<2x2x208xi32, #tpu.memory_space<vmem>>, vector<16xi32>,
    %gather3A_424 = tpu.vector_load_idx %arg6[%shift_right_arithmetic3A_78, %and3A_81, %broadcast_in_dim3A_381] : memref<25x8x128xi32, #tpu.memory_space<vmem>>[vector<16xi32>, vector<16xi32>, vector<16xi32>], vector<16xi32>,
    %swap3A_425 = arith.constant 1 : i32
    %swap3A_426 = arith.constant 0 : i32
    %swap3A_427 = arith.index_cast %swap3A_425 : i32 to index
    %swap3A_428 = arith.index_cast %swap3A_426 : i32 to index
    %swap3A_429 = arith.constant 96 : index
    %swap3A_430 = tpu.vector_load %arg7[%swap3A_427, %swap3A_428, %swap3A_429] {strides = array<i32>} : memref<2x2x208xi32, #tpu.memory_space<vmem>>, vector<16xi32>,
    tpu.vector_store %arg7[%swap3A_427, %swap3A_428, %swap3A_429], %gather3A_424 {strides = array<i32>} : memref<2x2x208xi32, #tpu.memory_space<vmem>>, vector<16xi32>,
    %gather3A_431 = tpu.vector_load_idx %arg6[%shift_right_arithmetic3A_90, %and3A_93, %broadcast_in_dim3A_381] : memref<25x8x128xi32, #tpu.memory_space<vmem>>[vector<16xi32>, vector<16xi32>, vector<16xi32>], vector<16xi32>,
    %swap3A_432 = arith.constant 1 : i32
    %swap3A_433 = arith.constant 0 : i32
    %swap3A_434 = arith.index_cast %swap3A_432 : i32 to index
    %swap3A_435 = arith.index_cast %swap3A_433 : i32 to index
    %swap3A_436 = arith.constant 112 : index
    %swap3A_437 = tpu.vector_load %arg7[%swap3A_434, %swap3A_435, %swap3A_436] {strides = array<i32>} : memref<2x2x208xi32, #tpu.memory_space<vmem>>, vector<16xi32>,
    tpu.vector_store %arg7[%swap3A_434, %swap3A_435, %swap3A_436], %gather3A_431 {strides = array<i32>} : memref<2x2x208xi32, #tpu.memory_space<vmem>>, vector<16xi32>,
    %gather3A_438 = tpu.vector_load_idx %arg6[%shift_right_arithmetic3A_102, %and3A_105, %broadcast_in_dim3A_381] : memref<25x8x128xi32, #tpu.memory_space<vmem>>[vector<16xi32>, vector<16xi32>, vector<16xi32>], vector<16xi32>,
    %swap3A_439 = arith.constant 1 : i32
    %swap3A_440 = arith.constant 0 : i32
    %swap3A_441 = arith.index_cast %swap3A_439 : i32 to index
    %swap3A_442 = arith.index_cast %swap3A_440 : i32 to index
    %swap3A_443 = arith.constant 128 : index
    %swap3A_444 = tpu.vector_load %arg7[%swap3A_441, %swap3A_442, %swap3A_443] {strides = array<i32>} : memref<2x2x208xi32, #tpu.memory_space<vmem>>, vector<16xi32>,
    tpu.vector_store %arg7[%swap3A_441, %swap3A_442, %swap3A_443], %gather3A_438 {strides = array<i32>} : memref<2x2x208xi32, #tpu.memory_space<vmem>>, vector<16xi32>,
    %gather3A_445 = tpu.vector_load_idx %arg6[%shift_right_arithmetic3A_114, %and3A_117, %broadcast_in_dim3A_381] : memref<25x8x128xi32, #tpu.memory_space<vmem>>[vector<16xi32>, vector<16xi32>, vector<16xi32>], vector<16xi32>,
    %swap3A_446 = arith.constant 1 : i32
    %swap3A_447 = arith.constant 0 : i32
    %swap3A_448 = arith.index_cast %swap3A_446 : i32 to index
    %swap3A_449 = arith.index_cast %swap3A_447 : i32 to index
    %swap3A_450 = arith.constant 144 : index
    %swap3A_451 = tpu.vector_load %arg7[%swap3A_448, %swap3A_449, %swap3A_450] {strides = array<i32>} : memref<2x2x208xi32, #tpu.memory_space<vmem>>, vector<16xi32>,
    tpu.vector_store %arg7[%swap3A_448, %swap3A_449, %swap3A_450], %gather3A_445 {strides = array<i32>} : memref<2x2x208xi32, #tpu.memory_space<vmem>>, vector<16xi32>,
    %gather3A_452 = tpu.vector_load_idx %arg6[%shift_right_arithmetic3A_126, %and3A_129, %broadcast_in_dim3A_381] : memref<25x8x128xi32, #tpu.memory_space<vmem>>[vector<16xi32>, vector<16xi32>, vector<16xi32>], vector<16xi32>,
    %swap3A_453 = arith.constant 1 : i32
    %swap3A_454 = arith.constant 0 : i32
    %swap3A_455 = arith.index_cast %swap3A_453 : i32 to index
    %swap3A_456 = arith.index_cast %swap3A_454 : i32 to index
    %swap3A_457 = arith.constant 160 : index
    %swap3A_458 = tpu.vector_load %arg7[%swap3A_455, %swap3A_456, %swap3A_457] {strides = array<i32>} : memref<2x2x208xi32, #tpu.memory_space<vmem>>, vector<16xi32>,
    tpu.vector_store %arg7[%swap3A_455, %swap3A_456, %swap3A_457], %gather3A_452 {strides = array<i32>} : memref<2x2x208xi32, #tpu.memory_space<vmem>>, vector<16xi32>,
    %gather3A_459 = tpu.vector_load_idx %arg6[%shift_right_arithmetic3A_138, %and3A_141, %broadcast_in_dim3A_381] : memref<25x8x128xi32, #tpu.memory_space<vmem>>[vector<16xi32>, vector<16xi32>, vector<16xi32>], vector<16xi32>,
    %swap3A_460 = arith.constant 1 : i32
    %swap3A_461 = arith.constant 0 : i32
    %swap3A_462 = arith.index_cast %swap3A_460 : i32 to index
    %swap3A_463 = arith.index_cast %swap3A_461 : i32 to index
    %swap3A_464 = arith.constant 176 : index
    %swap3A_465 = tpu.vector_load %arg7[%swap3A_462, %swap3A_463, %swap3A_464] {strides = array<i32>} : memref<2x2x208xi32, #tpu.memory_space<vmem>>, vector<16xi32>,
    tpu.vector_store %arg7[%swap3A_462, %swap3A_463, %swap3A_464], %gather3A_459 {strides = array<i32>} : memref<2x2x208xi32, #tpu.memory_space<vmem>>, vector<16xi32>,
    %gather3A_466 = tpu.vector_load_idx %arg6[%shift_right_arithmetic3A_150, %and3A_153, %broadcast_in_dim3A_381] : memref<25x8x128xi32, #tpu.memory_space<vmem>>[vector<16xi32>, vector<16xi32>, vector<16xi32>], vector<16xi32>,
    %swap3A_467 = arith.constant 1 : i32
    %swap3A_468 = arith.constant 0 : i32
    %swap3A_469 = arith.index_cast %swap3A_467 : i32 to index
    %swap3A_470 = arith.index_cast %swap3A_468 : i32 to index
    %swap3A_471 = arith.constant 192 : index
    %swap3A_472 = tpu.vector_load %arg7[%swap3A_469, %swap3A_470, %swap3A_471] {strides = array<i32>} : memref<2x2x208xi32, #tpu.memory_space<vmem>>, vector<16xi32>,
    tpu.vector_store %arg7[%swap3A_469, %swap3A_470, %swap3A_471], %gather3A_466 {strides = array<i32>} : memref<2x2x208xi32, #tpu.memory_space<vmem>>, vector<16xi32>,
    %broadcast_in_dim3A_473 = arith.constant 3 : i32
    %broadcast_in_dim3A_474 = vector.broadcast %broadcast_in_dim3A_473 : i32 to vector<16xi32>
    %gather3A_475 = tpu.vector_load_idx %arg6[%shift_right_arithmetic3A_7, %and3A_9, %broadcast_in_dim3A_474] : memref<25x8x128xi32, #tpu.memory_space<vmem>>[vector<16xi32>, vector<16xi32>, vector<16xi32>], vector<16xi32>,
    %swap3A_476 = arith.constant 1 : i32
    %swap3A_477 = arith.constant 1 : i32
    %swap3A_478 = arith.index_cast %swap3A_476 : i32 to index
    %swap3A_479 = arith.index_cast %swap3A_477 : i32 to index
    %swap3A_480 = arith.constant 0 : index
    %swap3A_481 = tpu.vector_load %arg7[%swap3A_478, %swap3A_479, %swap3A_480] {strides = array<i32>} : memref<2x2x208xi32, #tpu.memory_space<vmem>>, vector<16xi32>,
    tpu.vector_store %arg7[%swap3A_478, %swap3A_479, %swap3A_480], %gather3A_475 {strides = array<i32>} : memref<2x2x208xi32, #tpu.memory_space<vmem>>, vector<16xi32>,
    %gather3A_482 = tpu.vector_load_idx %arg6[%shift_right_arithmetic3A_18, %and3A_21, %broadcast_in_dim3A_474] : memref<25x8x128xi32, #tpu.memory_space<vmem>>[vector<16xi32>, vector<16xi32>, vector<16xi32>], vector<16xi32>,
    %swap3A_483 = arith.constant 1 : i32
    %swap3A_484 = arith.constant 1 : i32
    %swap3A_485 = arith.index_cast %swap3A_483 : i32 to index
    %swap3A_486 = arith.index_cast %swap3A_484 : i32 to index
    %swap3A_487 = arith.constant 16 : index
    %swap3A_488 = tpu.vector_load %arg7[%swap3A_485, %swap3A_486, %swap3A_487] {strides = array<i32>} : memref<2x2x208xi32, #tpu.memory_space<vmem>>, vector<16xi32>,
    tpu.vector_store %arg7[%swap3A_485, %swap3A_486, %swap3A_487], %gather3A_482 {strides = array<i32>} : memref<2x2x208xi32, #tpu.memory_space<vmem>>, vector<16xi32>,
    %gather3A_489 = tpu.vector_load_idx %arg6[%shift_right_arithmetic3A_30, %and3A_33, %broadcast_in_dim3A_474] : memref<25x8x128xi32, #tpu.memory_space<vmem>>[vector<16xi32>, vector<16xi32>, vector<16xi32>], vector<16xi32>,
    %swap3A_490 = arith.constant 1 : i32
    %swap3A_491 = arith.constant 1 : i32
    %swap3A_492 = arith.index_cast %swap3A_490 : i32 to index
    %swap3A_493 = arith.index_cast %swap3A_491 : i32 to index
    %swap3A_494 = arith.constant 32 : index
    %swap3A_495 = tpu.vector_load %arg7[%swap3A_492, %swap3A_493, %swap3A_494] {strides = array<i32>} : memref<2x2x208xi32, #tpu.memory_space<vmem>>, vector<16xi32>,
    tpu.vector_store %arg7[%swap3A_492, %swap3A_493, %swap3A_494], %gather3A_489 {strides = array<i32>} : memref<2x2x208xi32, #tpu.memory_space<vmem>>, vector<16xi32>,
    %gather3A_496 = tpu.vector_load_idx %arg6[%shift_right_arithmetic3A_42, %and3A_45, %broadcast_in_dim3A_474] : memref<25x8x128xi32, #tpu.memory_space<vmem>>[vector<16xi32>, vector<16xi32>, vector<16xi32>], vector<16xi32>,
    %swap3A_497 = arith.constant 1 : i32
    %swap3A_498 = arith.constant 1 : i32
    %swap3A_499 = arith.index_cast %swap3A_497 : i32 to index
    %swap3A_500 = arith.index_cast %swap3A_498 : i32 to index
    %swap3A_501 = arith.constant 48 : index
    %swap3A_502 = tpu.vector_load %arg7[%swap3A_499, %swap3A_500, %swap3A_501] {strides = array<i32>} : memref<2x2x208xi32, #tpu.memory_space<vmem>>, vector<16xi32>,
    tpu.vector_store %arg7[%swap3A_499, %swap3A_500, %swap3A_501], %gather3A_496 {strides = array<i32>} : memref<2x2x208xi32, #tpu.memory_space<vmem>>, vector<16xi32>,
    %gather3A_503 = tpu.vector_load_idx %arg6[%shift_right_arithmetic3A_54, %and3A_57, %broadcast_in_dim3A_474] : memref<25x8x128xi32, #tpu.memory_space<vmem>>[vector<16xi32>, vector<16xi32>, vector<16xi32>], vector<16xi32>,
    %swap3A_504 = arith.constant 1 : i32
    %swap3A_505 = arith.constant 1 : i32
    %swap3A_506 = arith.index_cast %swap3A_504 : i32 to index
    %swap3A_507 = arith.index_cast %swap3A_505 : i32 to index
    %swap3A_508 = arith.constant 64 : index
    %swap3A_509 = tpu.vector_load %arg7[%swap3A_506, %swap3A_507, %swap3A_508] {strides = array<i32>} : memref<2x2x208xi32, #tpu.memory_space<vmem>>, vector<16xi32>,
    tpu.vector_store %arg7[%swap3A_506, %swap3A_507, %swap3A_508], %gather3A_503 {strides = array<i32>} : memref<2x2x208xi32, #tpu.memory_space<vmem>>, vector<16xi32>,
    %gather3A_510 = tpu.vector_load_idx %arg6[%shift_right_arithmetic3A_66, %and3A_69, %broadcast_in_dim3A_474] : memref<25x8x128xi32, #tpu.memory_space<vmem>>[vector<16xi32>, vector<16xi32>, vector<16xi32>], vector<16xi32>,
    %swap3A_511 = arith.constant 1 : i32
    %swap3A_512 = arith.constant 1 : i32
    %swap3A_513 = arith.index_cast %swap3A_511 : i32 to index
    %swap3A_514 = arith.index_cast %swap3A_512 : i32 to index
    %swap3A_515 = arith.constant 80 : index
    %swap3A_516 = tpu.vector_load %arg7[%swap3A_513, %swap3A_514, %swap3A_515] {strides = array<i32>} : memref<2x2x208xi32, #tpu.memory_space<vmem>>, vector<16xi32>,
    tpu.vector_store %arg7[%swap3A_513, %swap3A_514, %swap3A_515], %gather3A_510 {strides = array<i32>} : memref<2x2x208xi32, #tpu.memory_space<vmem>>, vector<16xi32>,
    %gather3A_517 = tpu.vector_load_idx %arg6[%shift_right_arithmetic3A_78, %and3A_81, %broadcast_in_dim3A_474] : memref<25x8x128xi32, #tpu.memory_space<vmem>>[vector<16xi32>, vector<16xi32>, vector<16xi32>], vector<16xi32>,
    %swap3A_518 = arith.constant 1 : i32
    %swap3A_519 = arith.constant 1 : i32
    %swap3A_520 = arith.index_cast %swap3A_518 : i32 to index
    %swap3A_521 = arith.index_cast %swap3A_519 : i32 to index
    %swap3A_522 = arith.constant 96 : index
    %swap3A_523 = tpu.vector_load %arg7[%swap3A_520, %swap3A_521, %swap3A_522] {strides = array<i32>} : memref<2x2x208xi32, #tpu.memory_space<vmem>>, vector<16xi32>,
    tpu.vector_store %arg7[%swap3A_520, %swap3A_521, %swap3A_522], %gather3A_517 {strides = array<i32>} : memref<2x2x208xi32, #tpu.memory_space<vmem>>, vector<16xi32>,
    %gather3A_524 = tpu.vector_load_idx %arg6[%shift_right_arithmetic3A_90, %and3A_93, %broadcast_in_dim3A_474] : memref<25x8x128xi32, #tpu.memory_space<vmem>>[vector<16xi32>, vector<16xi32>, vector<16xi32>], vector<16xi32>,
    %swap3A_525 = arith.constant 1 : i32
    %swap3A_526 = arith.constant 1 : i32
    %swap3A_527 = arith.index_cast %swap3A_525 : i32 to index
    %swap3A_528 = arith.index_cast %swap3A_526 : i32 to index
    %swap3A_529 = arith.constant 112 : index
    %swap3A_530 = tpu.vector_load %arg7[%swap3A_527, %swap3A_528, %swap3A_529] {strides = array<i32>} : memref<2x2x208xi32, #tpu.memory_space<vmem>>, vector<16xi32>,
    tpu.vector_store %arg7[%swap3A_527, %swap3A_528, %swap3A_529], %gather3A_524 {strides = array<i32>} : memref<2x2x208xi32, #tpu.memory_space<vmem>>, vector<16xi32>,
    %gather3A_531 = tpu.vector_load_idx %arg6[%shift_right_arithmetic3A_102, %and3A_105, %broadcast_in_dim3A_474] : memref<25x8x128xi32, #tpu.memory_space<vmem>>[vector<16xi32>, vector<16xi32>, vector<16xi32>], vector<16xi32>,
    %swap3A_532 = arith.constant 1 : i32
    %swap3A_533 = arith.constant 1 : i32
    %swap3A_534 = arith.index_cast %swap3A_532 : i32 to index
    %swap3A_535 = arith.index_cast %swap3A_533 : i32 to index
    %swap3A_536 = arith.constant 128 : index
    %swap3A_537 = tpu.vector_load %arg7[%swap3A_534, %swap3A_535, %swap3A_536] {strides = array<i32>} : memref<2x2x208xi32, #tpu.memory_space<vmem>>, vector<16xi32>,
    tpu.vector_store %arg7[%swap3A_534, %swap3A_535, %swap3A_536], %gather3A_531 {strides = array<i32>} : memref<2x2x208xi32, #tpu.memory_space<vmem>>, vector<16xi32>,
    %gather3A_538 = tpu.vector_load_idx %arg6[%shift_right_arithmetic3A_114, %and3A_117, %broadcast_in_dim3A_474] : memref<25x8x128xi32, #tpu.memory_space<vmem>>[vector<16xi32>, vector<16xi32>, vector<16xi32>], vector<16xi32>,
    %swap3A_539 = arith.constant 1 : i32
    %swap3A_540 = arith.constant 1 : i32
    %swap3A_541 = arith.index_cast %swap3A_539 : i32 to index
    %swap3A_542 = arith.index_cast %swap3A_540 : i32 to index
    %swap3A_543 = arith.constant 144 : index
    %swap3A_544 = tpu.vector_load %arg7[%swap3A_541, %swap3A_542, %swap3A_543] {strides = array<i32>} : memref<2x2x208xi32, #tpu.memory_space<vmem>>, vector<16xi32>,
    tpu.vector_store %arg7[%swap3A_541, %swap3A_542, %swap3A_543], %gather3A_538 {strides = array<i32>} : memref<2x2x208xi32, #tpu.memory_space<vmem>>, vector<16xi32>,
    %gather3A_545 = tpu.vector_load_idx %arg6[%shift_right_arithmetic3A_126, %and3A_129, %broadcast_in_dim3A_474] : memref<25x8x128xi32, #tpu.memory_space<vmem>>[vector<16xi32>, vector<16xi32>, vector<16xi32>], vector<16xi32>,
    %swap3A_546 = arith.constant 1 : i32
    %swap3A_547 = arith.constant 1 : i32
    %swap3A_548 = arith.index_cast %swap3A_546 : i32 to index
    %swap3A_549 = arith.index_cast %swap3A_547 : i32 to index
    %swap3A_550 = arith.constant 160 : index
    %swap3A_551 = tpu.vector_load %arg7[%swap3A_548, %swap3A_549, %swap3A_550] {strides = array<i32>} : memref<2x2x208xi32, #tpu.memory_space<vmem>>, vector<16xi32>,
    tpu.vector_store %arg7[%swap3A_548, %swap3A_549, %swap3A_550], %gather3A_545 {strides = array<i32>} : memref<2x2x208xi32, #tpu.memory_space<vmem>>, vector<16xi32>,
    %gather3A_552 = tpu.vector_load_idx %arg6[%shift_right_arithmetic3A_138, %and3A_141, %broadcast_in_dim3A_474] : memref<25x8x128xi32, #tpu.memory_space<vmem>>[vector<16xi32>, vector<16xi32>, vector<16xi32>], vector<16xi32>,
    %swap3A_553 = arith.constant 1 : i32
    %swap3A_554 = arith.constant 1 : i32
    %swap3A_555 = arith.index_cast %swap3A_553 : i32 to index
    %swap3A_556 = arith.index_cast %swap3A_554 : i32 to index
    %swap3A_557 = arith.constant 176 : index
    %swap3A_558 = tpu.vector_load %arg7[%swap3A_555, %swap3A_556, %swap3A_557] {strides = array<i32>} : memref<2x2x208xi32, #tpu.memory_space<vmem>>, vector<16xi32>,
    tpu.vector_store %arg7[%swap3A_555, %swap3A_556, %swap3A_557], %gather3A_552 {strides = array<i32>} : memref<2x2x208xi32, #tpu.memory_space<vmem>>, vector<16xi32>,
    %gather3A_559 = tpu.vector_load_idx %arg6[%shift_right_arithmetic3A_150, %and3A_153, %broadcast_in_dim3A_474] : memref<25x8x128xi32, #tpu.memory_space<vmem>>[vector<16xi32>, vector<16xi32>, vector<16xi32>], vector<16xi32>,
    %swap3A_560 = arith.constant 1 : i32
    %swap3A_561 = arith.constant 1 : i32
    %swap3A_562 = arith.index_cast %swap3A_560 : i32 to index
    %swap3A_563 = arith.index_cast %swap3A_561 : i32 to index
    %swap3A_564 = arith.constant 192 : index
    %swap3A_565 = tpu.vector_load %arg7[%swap3A_562, %swap3A_563, %swap3A_564] {strides = array<i32>} : memref<2x2x208xi32, #tpu.memory_space<vmem>>, vector<16xi32>,
    tpu.vector_store %arg7[%swap3A_562, %swap3A_563, %swap3A_564], %gather3A_559 {strides = array<i32>} : memref<2x2x208xi32, #tpu.memory_space<vmem>>, vector<16xi32>,
    %dma_start3A_566 = arith.constant 1 : i32
    %dma_start3A_567 = arith.constant 0 : i32
    %dma_start3A_568 = arith.constant 0 : i32
    %dma_start3A_569 = arith.constant 0 : i32
    %dma_start3A_570 = tpu.memref_slice %arg9[%dma_start3A_568, %dma_start3A_569] : memref<400x64xf32, #tpu.memory_space<vmem>> -> memref<104x64xf32, #tpu.memory_space<vmem>>
    %dma_start3A_571 = arith.constant 0 : i32
    %dma_start3A_572 = tpu.memref_slice %arg7[%dma_start3A_566, %dma_start3A_567, %dma_start3A_571] : memref<2x2x208xi32, #tpu.memory_space<vmem>> -> memref<1x1x104xi32, #tpu.memory_space<vmem>>
    %dma_start3A_573 = tpu.memref_squeeze %dma_start3A_572 : memref<1x1x104xi32, #tpu.memory_space<vmem>> -> memref<104xi32, #tpu.memory_space<vmem>>
    %dma_start3A_574 = arith.constant 0 : i32
    %dma_start3A_575 = arith.constant 0 : i32
    %dma_start3A_576 = tpu.memref_slice %arg3[%dma_start3A_574, %dma_start3A_575] : memref<1000000x64xf32, #tpu.memory_space<hbm>> -> memref<1000000x64xf32, #tpu.memory_space<hbm>>
    tpu.enqueue_indirect_dma source(%dma_start3A_576 : memref<1000000x64xf32, #tpu.memory_space<hbm>>) target(%dma_start3A_570 : memref<104x64xf32, #tpu.memory_space<vmem>>) offsets(%dma_start3A_573 : memref<104xi32, #tpu.memory_space<vmem>>) semaphore(%arg12 : memref<!tpu.dma_semaphore, #tpu.memory_space<semaphore_mem>>)
    %dma_start3A_577 = arith.constant 1 : i32
    %dma_start3A_578 = arith.constant 0 : i32
    %dma_start3A_579 = arith.constant 104 : i32
    %dma_start3A_580 = arith.constant 0 : i32
    %dma_start3A_581 = tpu.memref_slice %arg9[%dma_start3A_579, %dma_start3A_580] : memref<400x64xf32, #tpu.memory_space<vmem>> -> memref<96x64xf32, #tpu.memory_space<vmem>>
    %dma_start3A_582 = arith.constant 104 : i32
    %dma_start3A_583 = tpu.memref_slice %arg7[%dma_start3A_577, %dma_start3A_578, %dma_start3A_582] : memref<2x2x208xi32, #tpu.memory_space<vmem>> -> memref<1x1x96xi32, #tpu.memory_space<vmem>>
    %dma_start3A_584 = tpu.memref_squeeze %dma_start3A_583 : memref<1x1x96xi32, #tpu.memory_space<vmem>> -> memref<96xi32, #tpu.memory_space<vmem>>
    %dma_start3A_585 = arith.constant 0 : i32
    %dma_start3A_586 = arith.constant 0 : i32
    %dma_start3A_587 = tpu.memref_slice %arg3[%dma_start3A_585, %dma_start3A_586] : memref<1000000x64xf32, #tpu.memory_space<hbm>> -> memref<1000000x64xf32, #tpu.memory_space<hbm>>
    tpu.enqueue_indirect_dma source(%dma_start3A_587 : memref<1000000x64xf32, #tpu.memory_space<hbm>>) target(%dma_start3A_581 : memref<96x64xf32, #tpu.memory_space<vmem>>) offsets(%dma_start3A_584 : memref<96xi32, #tpu.memory_space<vmem>>) semaphore(%arg12 : memref<!tpu.dma_semaphore, #tpu.memory_space<semaphore_mem>>)
    %dma_start3A_588 = arith.constant 1 : i32
    %dma_start3A_589 = arith.constant 1 : i32
    %dma_start3A_590 = arith.constant 200 : i32
    %dma_start3A_591 = arith.constant 0 : i32
    %dma_start3A_592 = tpu.memref_slice %arg9[%dma_start3A_590, %dma_start3A_591] : memref<400x64xf32, #tpu.memory_space<vmem>> -> memref<104x64xf32, #tpu.memory_space<vmem>>
    %dma_start3A_593 = arith.constant 0 : i32
    %dma_start3A_594 = tpu.memref_slice %arg7[%dma_start3A_588, %dma_start3A_589, %dma_start3A_593] : memref<2x2x208xi32, #tpu.memory_space<vmem>> -> memref<1x1x104xi32, #tpu.memory_space<vmem>>
    %dma_start3A_595 = tpu.memref_squeeze %dma_start3A_594 : memref<1x1x104xi32, #tpu.memory_space<vmem>> -> memref<104xi32, #tpu.memory_space<vmem>>
    %dma_start3A_596 = arith.constant 0 : i32
    %dma_start3A_597 = arith.constant 0 : i32
    %dma_start3A_598 = tpu.memref_slice %arg3[%dma_start3A_596, %dma_start3A_597] : memref<1000000x64xf32, #tpu.memory_space<hbm>> -> memref<1000000x64xf32, #tpu.memory_space<hbm>>
    tpu.enqueue_indirect_dma source(%dma_start3A_598 : memref<1000000x64xf32, #tpu.memory_space<hbm>>) target(%dma_start3A_592 : memref<104x64xf32, #tpu.memory_space<vmem>>) offsets(%dma_start3A_595 : memref<104xi32, #tpu.memory_space<vmem>>) semaphore(%arg12 : memref<!tpu.dma_semaphore, #tpu.memory_space<semaphore_mem>>)
    %dma_start3A_599 = arith.constant 1 : i32
    %dma_start3A_600 = arith.constant 1 : i32
    %dma_start3A_601 = arith.constant 304 : i32
    %dma_start3A_602 = arith.constant 0 : i32
    %dma_start3A_603 = tpu.memref_slice %arg9[%dma_start3A_601, %dma_start3A_602] : memref<400x64xf32, #tpu.memory_space<vmem>> -> memref<96x64xf32, #tpu.memory_space<vmem>>
    %dma_start3A_604 = arith.constant 104 : i32
    %dma_start3A_605 = tpu.memref_slice %arg7[%dma_start3A_599, %dma_start3A_600, %dma_start3A_604] : memref<2x2x208xi32, #tpu.memory_space<vmem>> -> memref<1x1x96xi32, #tpu.memory_space<vmem>>
    %dma_start3A_606 = tpu.memref_squeeze %dma_start3A_605 : memref<1x1x96xi32, #tpu.memory_space<vmem>> -> memref<96xi32, #tpu.memory_space<vmem>>
    %dma_start3A_607 = arith.constant 0 : i32
    %dma_start3A_608 = arith.constant 0 : i32
    %dma_start3A_609 = tpu.memref_slice %arg3[%dma_start3A_607, %dma_start3A_608] : memref<1000000x64xf32, #tpu.memory_space<hbm>> -> memref<1000000x64xf32, #tpu.memory_space<hbm>>
    tpu.enqueue_indirect_dma source(%dma_start3A_609 : memref<1000000x64xf32, #tpu.memory_space<hbm>>) target(%dma_start3A_603 : memref<96x64xf32, #tpu.memory_space<vmem>>) offsets(%dma_start3A_606 : memref<96xi32, #tpu.memory_space<vmem>>) semaphore(%arg12 : memref<!tpu.dma_semaphore, #tpu.memory_space<semaphore_mem>>)
    %scan3A = arith.constant 0 : i32
    %scan3A_610 = arith.constant 0 : i32
    %scan3A_611 = arith.constant 32 : i32
    %scan3A_612 = arith.addi %scan3A_610, %scan3A_611 : i32
    %scan3A_613 = arith.constant 1 : i32
    scf.for %scan3A_634 = %scan3A_610 to %scan3A_612 step %scan3A_613  : i32 {
      %mul3A_635 = arith.constant 2 : i32
      %mul3A_636 = arith.muli %scan3A_634, %mul3A_635 : i32
      %dma_wait3A_637 = arith.constant 0 : i32
      %dma_wait3A_638 = arith.constant 0 : i32
      %dma_wait3A_639 = tpu.memref_slice %arg8[%dma_wait3A_637, %dma_wait3A_638] : memref<400x64xf32, #tpu.memory_space<vmem>> -> memref<104x64xf32, #tpu.memory_space<vmem>>
      %dma_wait3A_640 = arith.constant 0 : i32
      %dma_wait3A_641 = arith.constant 0 : i32
      %dma_wait3A_642 = tpu.memref_slice %arg3[%dma_wait3A_640, %dma_wait3A_641] : memref<1000000x64xf32, #tpu.memory_space<hbm>> -> memref<104x64xf32, #tpu.memory_space<hbm>>
      %dma_wait3A_643 = arith.constant 0 : i32
      %dma_wait3A_644 = arith.constant 0 : i32
      %dma_wait3A_645 = tpu.memref_slice %arg8[%dma_wait3A_643, %dma_wait3A_644] : memref<400x64xf32, #tpu.memory_space<vmem>> -> memref<104x64xf32, #tpu.memory_space<vmem>>
      %dma_wait3A_646 = arith.constant 0 : i32
      %dma_wait3A_647 = arith.constant 0 : i32
      %dma_wait3A_648 = tpu.memref_slice %arg3[%dma_wait3A_646, %dma_wait3A_647] : memref<1000000x64xf32, #tpu.memory_space<hbm>> -> memref<104x64xf32, #tpu.memory_space<hbm>>
      tpu.wait_dma2 semaphore(%arg11 : memref<!tpu.dma_semaphore, #tpu.memory_space<semaphore_mem>>) src(%dma_wait3A_648 : memref<104x64xf32, #tpu.memory_space<hbm>>) dst(%dma_wait3A_645 : memref<104x64xf32, #tpu.memory_space<vmem>>)
      %dma_wait3A_649 = arith.constant 104 : i32
      %dma_wait3A_650 = arith.constant 0 : i32
      %dma_wait3A_651 = tpu.memref_slice %arg8[%dma_wait3A_649, %dma_wait3A_650] : memref<400x64xf32, #tpu.memory_space<vmem>> -> memref<96x64xf32, #tpu.memory_space<vmem>>
      %dma_wait3A_652 = arith.constant 0 : i32
      %dma_wait3A_653 = arith.constant 0 : i32
      %dma_wait3A_654 = tpu.memref_slice %arg3[%dma_wait3A_652, %dma_wait3A_653] : memref<1000000x64xf32, #tpu.memory_space<hbm>> -> memref<96x64xf32, #tpu.memory_space<hbm>>
      %dma_wait3A_655 = arith.constant 104 : i32
      %dma_wait3A_656 = arith.constant 0 : i32
      %dma_wait3A_657 = tpu.memref_slice %arg8[%dma_wait3A_655, %dma_wait3A_656] : memref<400x64xf32, #tpu.memory_space<vmem>> -> memref<96x64xf32, #tpu.memory_space<vmem>>
      %dma_wait3A_658 = arith.constant 0 : i32
      %dma_wait3A_659 = arith.constant 0 : i32
      %dma_wait3A_660 = tpu.memref_slice %arg3[%dma_wait3A_658, %dma_wait3A_659] : memref<1000000x64xf32, #tpu.memory_space<hbm>> -> memref<96x64xf32, #tpu.memory_space<hbm>>
      tpu.wait_dma2 semaphore(%arg11 : memref<!tpu.dma_semaphore, #tpu.memory_space<semaphore_mem>>) src(%dma_wait3A_660 : memref<96x64xf32, #tpu.memory_space<hbm>>) dst(%dma_wait3A_657 : memref<96x64xf32, #tpu.memory_space<vmem>>)
      %dma_wait3A_661 = arith.constant 200 : i32
      %dma_wait3A_662 = arith.constant 0 : i32
      %dma_wait3A_663 = tpu.memref_slice %arg8[%dma_wait3A_661, %dma_wait3A_662] : memref<400x64xf32, #tpu.memory_space<vmem>> -> memref<104x64xf32, #tpu.memory_space<vmem>>
      %dma_wait3A_664 = arith.constant 0 : i32
      %dma_wait3A_665 = arith.constant 0 : i32
      %dma_wait3A_666 = tpu.memref_slice %arg3[%dma_wait3A_664, %dma_wait3A_665] : memref<1000000x64xf32, #tpu.memory_space<hbm>> -> memref<104x64xf32, #tpu.memory_space<hbm>>
      %dma_wait3A_667 = arith.constant 200 : i32
      %dma_wait3A_668 = arith.constant 0 : i32
      %dma_wait3A_669 = tpu.memref_slice %arg8[%dma_wait3A_667, %dma_wait3A_668] : memref<400x64xf32, #tpu.memory_space<vmem>> -> memref<104x64xf32, #tpu.memory_space<vmem>>
      %dma_wait3A_670 = arith.constant 0 : i32
      %dma_wait3A_671 = arith.constant 0 : i32
      %dma_wait3A_672 = tpu.memref_slice %arg3[%dma_wait3A_670, %dma_wait3A_671] : memref<1000000x64xf32, #tpu.memory_space<hbm>> -> memref<104x64xf32, #tpu.memory_space<hbm>>
      tpu.wait_dma2 semaphore(%arg11 : memref<!tpu.dma_semaphore, #tpu.memory_space<semaphore_mem>>) src(%dma_wait3A_672 : memref<104x64xf32, #tpu.memory_space<hbm>>) dst(%dma_wait3A_669 : memref<104x64xf32, #tpu.memory_space<vmem>>)
      %dma_wait3A_673 = arith.constant 304 : i32
      %dma_wait3A_674 = arith.constant 0 : i32
      %dma_wait3A_675 = tpu.memref_slice %arg8[%dma_wait3A_673, %dma_wait3A_674] : memref<400x64xf32, #tpu.memory_space<vmem>> -> memref<96x64xf32, #tpu.memory_space<vmem>>
      %dma_wait3A_676 = arith.constant 0 : i32
      %dma_wait3A_677 = arith.constant 0 : i32
      %dma_wait3A_678 = tpu.memref_slice %arg3[%dma_wait3A_676, %dma_wait3A_677] : memref<1000000x64xf32, #tpu.memory_space<hbm>> -> memref<96x64xf32, #tpu.memory_space<hbm>>
      %dma_wait3A_679 = arith.constant 304 : i32
      %dma_wait3A_680 = arith.constant 0 : i32
      %dma_wait3A_681 = tpu.memref_slice %arg8[%dma_wait3A_679, %dma_wait3A_680] : memref<400x64xf32, #tpu.memory_space<vmem>> -> memref<96x64xf32, #tpu.memory_space<vmem>>
      %dma_wait3A_682 = arith.constant 0 : i32
      %dma_wait3A_683 = arith.constant 0 : i32
      %dma_wait3A_684 = tpu.memref_slice %arg3[%dma_wait3A_682, %dma_wait3A_683] : memref<1000000x64xf32, #tpu.memory_space<hbm>> -> memref<96x64xf32, #tpu.memory_space<hbm>>
      tpu.wait_dma2 semaphore(%arg11 : memref<!tpu.dma_semaphore, #tpu.memory_space<semaphore_mem>>) src(%dma_wait3A_684 : memref<96x64xf32, #tpu.memory_space<hbm>>) dst(%dma_wait3A_681 : memref<96x64xf32, #tpu.memory_space<vmem>>)
      %scan3A_685 = arith.constant 0 : i32
      %scan3A_686 = arith.constant 0 : i32
      %scan3A_687 = arith.constant 200 : i32
      %scan3A_688 = arith.addi %scan3A_686, %scan3A_687 : i32
      %scan3A_689 = arith.constant 1 : i32
      scf.for %scan3A_771 = %scan3A_686 to %scan3A_688 step %scan3A_689  : i32 {
        %get3A = arith.index_cast %scan3A_771 : i32 to index
        %get3A_772 = arith.constant 0 : index
        %get3A_773 = tpu.vector_load %arg10[%get3A, %get3A_772] {strides = array<i32>} : memref<200x64xf32, #tpu.memory_space<vmem>>, vector<16xf32>,
        %add3A_774 = arith.constant 0 : i32
        %add3A_775 = arith.addi %add3A_774, %scan3A_771 : i32
        %get3A_776 = arith.index_cast %add3A_775 : i32 to index
        %get3A_777 = arith.constant 0 : index
        %get3A_778 = tpu.vector_load %arg8[%get3A_776, %get3A_777] {strides = array<i32>} : memref<400x64xf32, #tpu.memory_space<vmem>>, vector<16xf32>,
        %add3A_779 = arith.addf %get3A_778, %get3A_773 : vector<16xf32>
        %add3A_780 = arith.constant 0 : i32
        %add3A_781 = arith.addi %add3A_780, %scan3A_771 : i32
        %swap3A_782 = arith.index_cast %add3A_781 : i32 to index
        %swap3A_783 = arith.constant 0 : index
        %swap3A_784 = tpu.vector_load %arg8[%swap3A_782, %swap3A_783] {strides = array<i32>} : memref<400x64xf32, #tpu.memory_space<vmem>>, vector<16xf32>,
        tpu.vector_store %arg8[%swap3A_782, %swap3A_783], %add3A_779 {strides = array<i32>} : memref<400x64xf32, #tpu.memory_space<vmem>>, vector<16xf32>,
        %add3A_785 = arith.constant 200 : i32
        %add3A_786 = arith.addi %add3A_785, %scan3A_771 : i32
        %get3A_787 = arith.index_cast %add3A_786 : i32 to index
        %get3A_788 = arith.constant 0 : index
        %get3A_789 = tpu.vector_load %arg8[%get3A_787, %get3A_788] {strides = array<i32>} : memref<400x64xf32, #tpu.memory_space<vmem>>, vector<16xf32>,
        %add3A_790 = arith.addf %get3A_789, %get3A_773 : vector<16xf32>
        %add3A_791 = arith.constant 200 : i32
        %add3A_792 = arith.addi %add3A_791, %scan3A_771 : i32
        %swap3A_793 = arith.index_cast %add3A_792 : i32 to index
        %swap3A_794 = arith.constant 0 : index
        %swap3A_795 = tpu.vector_load %arg8[%swap3A_793, %swap3A_794] {strides = array<i32>} : memref<400x64xf32, #tpu.memory_space<vmem>>, vector<16xf32>,
        tpu.vector_store %arg8[%swap3A_793, %swap3A_794], %add3A_790 {strides = array<i32>} : memref<400x64xf32, #tpu.memory_space<vmem>>, vector<16xf32>,
        %get3A_796 = arith.index_cast %scan3A_771 : i32 to index
        %get3A_797 = arith.constant 16 : index
        %get3A_798 = tpu.vector_load %arg10[%get3A_796, %get3A_797] {strides = array<i32>} : memref<200x64xf32, #tpu.memory_space<vmem>>, vector<16xf32>,
        %add3A_799 = arith.constant 0 : i32
        %add3A_800 = arith.addi %add3A_799, %scan3A_771 : i32
        %get3A_801 = arith.index_cast %add3A_800 : i32 to index
        %get3A_802 = arith.constant 16 : index
        %get3A_803 = tpu.vector_load %arg8[%get3A_801, %get3A_802] {strides = array<i32>} : memref<400x64xf32, #tpu.memory_space<vmem>>, vector<16xf32>,
        %add3A_804 = arith.addf %get3A_803, %get3A_798 : vector<16xf32>
        %add3A_805 = arith.constant 0 : i32
        %add3A_806 = arith.addi %add3A_805, %scan3A_771 : i32
        %swap3A_807 = arith.index_cast %add3A_806 : i32 to index
        %swap3A_808 = arith.constant 16 : index
        %swap3A_809 = tpu.vector_load %arg8[%swap3A_807, %swap3A_808] {strides = array<i32>} : memref<400x64xf32, #tpu.memory_space<vmem>>, vector<16xf32>,
        tpu.vector_store %arg8[%swap3A_807, %swap3A_808], %add3A_804 {strides = array<i32>} : memref<400x64xf32, #tpu.memory_space<vmem>>, vector<16xf32>,
        %add3A_810 = arith.constant 200 : i32
        %add3A_811 = arith.addi %add3A_810, %scan3A_771 : i32
        %get3A_812 = arith.index_cast %add3A_811 : i32 to index
        %get3A_813 = arith.constant 16 : index
        %get3A_814 = tpu.vector_load %arg8[%get3A_812, %get3A_813] {strides = array<i32>} : memref<400x64xf32, #tpu.memory_space<vmem>>, vector<16xf32>,
        %add3A_815 = arith.addf %get3A_814, %get3A_798 : vector<16xf32>
        %add3A_816 = arith.constant 200 : i32
        %add3A_817 = arith.addi %add3A_816, %scan3A_771 : i32
        %swap3A_818 = arith.index_cast %add3A_817 : i32 to index
        %swap3A_819 = arith.constant 16 : index
        %swap3A_820 = tpu.vector_load %arg8[%swap3A_818, %swap3A_819] {strides = array<i32>} : memref<400x64xf32, #tpu.memory_space<vmem>>, vector<16xf32>,
        tpu.vector_store %arg8[%swap3A_818, %swap3A_819], %add3A_815 {strides = array<i32>} : memref<400x64xf32, #tpu.memory_space<vmem>>, vector<16xf32>,
        %get3A_821 = arith.index_cast %scan3A_771 : i32 to index
        %get3A_822 = arith.constant 32 : index
        %get3A_823 = tpu.vector_load %arg10[%get3A_821, %get3A_822] {strides = array<i32>} : memref<200x64xf32, #tpu.memory_space<vmem>>, vector<16xf32>,
        %add3A_824 = arith.constant 0 : i32
        %add3A_825 = arith.addi %add3A_824, %scan3A_771 : i32
        %get3A_826 = arith.index_cast %add3A_825 : i32 to index
        %get3A_827 = arith.constant 32 : index
        %get3A_828 = tpu.vector_load %arg8[%get3A_826, %get3A_827] {strides = array<i32>} : memref<400x64xf32, #tpu.memory_space<vmem>>, vector<16xf32>,
        %add3A_829 = arith.addf %get3A_828, %get3A_823 : vector<16xf32>
        %add3A_830 = arith.constant 0 : i32
        %add3A_831 = arith.addi %add3A_830, %scan3A_771 : i32
        %swap3A_832 = arith.index_cast %add3A_831 : i32 to index
        %swap3A_833 = arith.constant 32 : index
        %swap3A_834 = tpu.vector_load %arg8[%swap3A_832, %swap3A_833] {strides = array<i32>} : memref<400x64xf32, #tpu.memory_space<vmem>>, vector<16xf32>,
        tpu.vector_store %arg8[%swap3A_832, %swap3A_833], %add3A_829 {strides = array<i32>} : memref<400x64xf32, #tpu.memory_space<vmem>>, vector<16xf32>,
        %add3A_835 = arith.constant 200 : i32
        %add3A_836 = arith.addi %add3A_835, %scan3A_771 : i32
        %get3A_837 = arith.index_cast %add3A_836 : i32 to index
        %get3A_838 = arith.constant 32 : index
        %get3A_839 = tpu.vector_load %arg8[%get3A_837, %get3A_838] {strides = array<i32>} : memref<400x64xf32, #tpu.memory_space<vmem>>, vector<16xf32>,
        %add3A_840 = arith.addf %get3A_839, %get3A_823 : vector<16xf32>
        %add3A_841 = arith.constant 200 : i32
        %add3A_842 = arith.addi %add3A_841, %scan3A_771 : i32
        %swap3A_843 = arith.index_cast %add3A_842 : i32 to index
        %swap3A_844 = arith.constant 32 : index
        %swap3A_845 = tpu.vector_load %arg8[%swap3A_843, %swap3A_844] {strides = array<i32>} : memref<400x64xf32, #tpu.memory_space<vmem>>, vector<16xf32>,
        tpu.vector_store %arg8[%swap3A_843, %swap3A_844], %add3A_840 {strides = array<i32>} : memref<400x64xf32, #tpu.memory_space<vmem>>, vector<16xf32>,
        %get3A_846 = arith.index_cast %scan3A_771 : i32 to index
        %get3A_847 = arith.constant 48 : index
        %get3A_848 = tpu.vector_load %arg10[%get3A_846, %get3A_847] {strides = array<i32>} : memref<200x64xf32, #tpu.memory_space<vmem>>, vector<16xf32>,
        %add3A_849 = arith.constant 0 : i32
        %add3A_850 = arith.addi %add3A_849, %scan3A_771 : i32
        %get3A_851 = arith.index_cast %add3A_850 : i32 to index
        %get3A_852 = arith.constant 48 : index
        %get3A_853 = tpu.vector_load %arg8[%get3A_851, %get3A_852] {strides = array<i32>} : memref<400x64xf32, #tpu.memory_space<vmem>>, vector<16xf32>,
        %add3A_854 = arith.addf %get3A_853, %get3A_848 : vector<16xf32>
        %add3A_855 = arith.constant 0 : i32
        %add3A_856 = arith.addi %add3A_855, %scan3A_771 : i32
        %swap3A_857 = arith.index_cast %add3A_856 : i32 to index
        %swap3A_858 = arith.constant 48 : index
        %swap3A_859 = tpu.vector_load %arg8[%swap3A_857, %swap3A_858] {strides = array<i32>} : memref<400x64xf32, #tpu.memory_space<vmem>>, vector<16xf32>,
        tpu.vector_store %arg8[%swap3A_857, %swap3A_858], %add3A_854 {strides = array<i32>} : memref<400x64xf32, #tpu.memory_space<vmem>>, vector<16xf32>,
        %add3A_860 = arith.constant 200 : i32
        %add3A_861 = arith.addi %add3A_860, %scan3A_771 : i32
        %get3A_862 = arith.index_cast %add3A_861 : i32 to index
        %get3A_863 = arith.constant 48 : index
        %get3A_864 = tpu.vector_load %arg8[%get3A_862, %get3A_863] {strides = array<i32>} : memref<400x64xf32, #tpu.memory_space<vmem>>, vector<16xf32>,
        %add3A_865 = arith.addf %get3A_864, %get3A_848 : vector<16xf32>
        %add3A_866 = arith.constant 200 : i32
        %add3A_867 = arith.addi %add3A_866, %scan3A_771 : i32
        %swap3A_868 = arith.index_cast %add3A_867 : i32 to index
        %swap3A_869 = arith.constant 48 : index
        %swap3A_870 = tpu.vector_load %arg8[%swap3A_868, %swap3A_869] {strides = array<i32>} : memref<400x64xf32, #tpu.memory_space<vmem>>, vector<16xf32>,
        tpu.vector_store %arg8[%swap3A_868, %swap3A_869], %add3A_865 {strides = array<i32>} : memref<400x64xf32, #tpu.memory_space<vmem>>, vector<16xf32>,
      }
      %scan3A_690 = arith.constant 200 : i32
      %mul3A_691 = arith.constant 128 : i32
      %mul3A_692 = arith.muli %add3A, %mul3A_691 : i32
      %mul3A_693 = arith.constant 2 : i32
      %mul3A_694 = arith.muli %mul3A_636, %mul3A_693 : i32
      %add3A_695 = arith.addi %mul3A_692, %mul3A_694 : i32
      %mul3A_696 = arith.constant 200 : i32
      %mul3A_697 = arith.muli %add3A_695, %mul3A_696 : i32
      %dma_start3A_698 = arith.constant 0 : i32
      %dma_start3A_699 = tpu.memref_slice %arg5[%mul3A_697, %dma_start3A_698] : memref<819200x128xf32, #tpu.memory_space<hbm>> -> memref<400x64xf32, #tpu.memory_space<hbm>>
      %dma_start3A_700 = arith.constant 0 : i32
      %dma_start3A_701 = tpu.memref_slice %arg5[%mul3A_697, %dma_start3A_700] : memref<819200x128xf32, #tpu.memory_space<hbm>> -> memref<400x64xf32, #tpu.memory_space<hbm>>
      tpu.enqueue_dma source(%arg8 : memref<400x64xf32, #tpu.memory_space<vmem>>) target(%dma_start3A_701 : memref<400x64xf32, #tpu.memory_space<hbm>>) target_semaphore(%arg13 : memref<!tpu.dma_semaphore, #tpu.memory_space<semaphore_mem>>)
      %dma_wait3A_702 = arith.constant 0 : i32
      %dma_wait3A_703 = arith.constant 0 : i32
      %dma_wait3A_704 = tpu.memref_slice %arg9[%dma_wait3A_702, %dma_wait3A_703] : memref<400x64xf32, #tpu.memory_space<vmem>> -> memref<104x64xf32, #tpu.memory_space<vmem>>
      %dma_wait3A_705 = arith.constant 0 : i32
      %dma_wait3A_706 = arith.constant 0 : i32
      %dma_wait3A_707 = tpu.memref_slice %arg3[%dma_wait3A_705, %dma_wait3A_706] : memref<1000000x64xf32, #tpu.memory_space<hbm>> -> memref<104x64xf32, #tpu.memory_space<hbm>>
      %dma_wait3A_708 = arith.constant 0 : i32
      %dma_wait3A_709 = arith.constant 0 : i32
      %dma_wait3A_710 = tpu.memref_slice %arg9[%dma_wait3A_708, %dma_wait3A_709] : memref<400x64xf32, #tpu.memory_space<vmem>> -> memref<104x64xf32, #tpu.memory_space<vmem>>
      %dma_wait3A_711 = arith.constant 0 : i32
      %dma_wait3A_712 = arith.constant 0 : i32
      %dma_wait3A_713 = tpu.memref_slice %arg3[%dma_wait3A_711, %dma_wait3A_712] : memref<1000000x64xf32, #tpu.memory_space<hbm>> -> memref<104x64xf32, #tpu.memory_space<hbm>>
      tpu.wait_dma2 semaphore(%arg12 : memref<!tpu.dma_semaphore, #tpu.memory_space<semaphore_mem>>) src(%dma_wait3A_713 : memref<104x64xf32, #tpu.memory_space<hbm>>) dst(%dma_wait3A_710 : memref<104x64xf32, #tpu.memory_space<vmem>>)
      %dma_wait3A_714 = arith.constant 104 : i32
      %dma_wait3A_715 = arith.constant 0 : i32
      %dma_wait3A_716 = tpu.memref_slice %arg9[%dma_wait3A_714, %dma_wait3A_715] : memref<400x64xf32, #tpu.memory_space<vmem>> -> memref<96x64xf32, #tpu.memory_space<vmem>>
      %dma_wait3A_717 = arith.constant 0 : i32
      %dma_wait3A_718 = arith.constant 0 : i32
      %dma_wait3A_719 = tpu.memref_slice %arg3[%dma_wait3A_717, %dma_wait3A_718] : memref<1000000x64xf32, #tpu.memory_space<hbm>> -> memref<96x64xf32, #tpu.memory_space<hbm>>
      %dma_wait3A_720 = arith.constant 104 : i32
      %dma_wait3A_721 = arith.constant 0 : i32
      %dma_wait3A_722 = tpu.memref_slice %arg9[%dma_wait3A_720, %dma_wait3A_721] : memref<400x64xf32, #tpu.memory_space<vmem>> -> memref<96x64xf32, #tpu.memory_space<vmem>>
      %dma_wait3A_723 = arith.constant 0 : i32
      %dma_wait3A_724 = arith.constant 0 : i32
      %dma_wait3A_725 = tpu.memref_slice %arg3[%dma_wait3A_723, %dma_wait3A_724] : memref<1000000x64xf32, #tpu.memory_space<hbm>> -> memref<96x64xf32, #tpu.memory_space<hbm>>
      tpu.wait_dma2 semaphore(%arg12 : memref<!tpu.dma_semaphore, #tpu.memory_space<semaphore_mem>>) src(%dma_wait3A_725 : memref<96x64xf32, #tpu.memory_space<hbm>>) dst(%dma_wait3A_722 : memref<96x64xf32, #tpu.memory_space<vmem>>)
      %dma_wait3A_726 = arith.constant 200 : i32
      %dma_wait3A_727 = arith.constant 0 : i32
      %dma_wait3A_728 = tpu.memref_slice %arg9[%dma_wait3A_726, %dma_wait3A_727] : memref<400x64xf32, #tpu.memory_space<vmem>> -> memref<104x64xf32, #tpu.memory_space<vmem>>
      %dma_wait3A_729 = arith.constant 0 : i32
      %dma_wait3A_730 = arith.constant 0 : i32
      %dma_wait3A_731 = tpu.memref_slice %arg3[%dma_wait3A_729, %dma_wait3A_730] : memref<1000000x64xf32, #tpu.memory_space<hbm>> -> memref<104x64xf32, #tpu.memory_space<hbm>>
      %dma_wait3A_732 = arith.constant 200 : i32
      %dma_wait3A_733 = arith.constant 0 : i32
      %dma_wait3A_734 = tpu.memref_slice %arg9[%dma_wait3A_732, %dma_wait3A_733] : memref<400x64xf32, #tpu.memory_space<vmem>> -> memref<104x64xf32, #tpu.memory_space<vmem>>
      %dma_wait3A_735 = arith.constant 0 : i32
      %dma_wait3A_736 = arith.constant 0 : i32
      %dma_wait3A_737 = tpu.memref_slice %arg3[%dma_wait3A_735, %dma_wait3A_736] : memref<1000000x64xf32, #tpu.memory_space<hbm>> -> memref<104x64xf32, #tpu.memory_space<hbm>>
      tpu.wait_dma2 semaphore(%arg12 : memref<!tpu.dma_semaphore, #tpu.memory_space<semaphore_mem>>) src(%dma_wait3A_737 : memref<104x64xf32, #tpu.memory_space<hbm>>) dst(%dma_wait3A_734 : memref<104x64xf32, #tpu.memory_space<vmem>>)
      %dma_wait3A_738 = arith.constant 304 : i32
      %dma_wait3A_739 = arith.constant 0 : i32
      %dma_wait3A_740 = tpu.memref_slice %arg9[%dma_wait3A_738, %dma_wait3A_739] : memref<400x64xf32, #tpu.memory_space<vmem>> -> memref<96x64xf32, #tpu.memory_space<vmem>>
      %dma_wait3A_741 = arith.constant 0 : i32
      %dma_wait3A_742 = arith.constant 0 : i32
      %dma_wait3A_743 = tpu.memref_slice %arg3[%dma_wait3A_741, %dma_wait3A_742] : memref<1000000x64xf32, #tpu.memory_space<hbm>> -> memref<96x64xf32, #tpu.memory_space<hbm>>
      %dma_wait3A_744 = arith.constant 304 : i32
      %dma_wait3A_745 = arith.constant 0 : i32
      %dma_wait3A_746 = tpu.memref_slice %arg9[%dma_wait3A_744, %dma_wait3A_745] : memref<400x64xf32, #tpu.memory_space<vmem>> -> memref<96x64xf32, #tpu.memory_space<vmem>>
      %dma_wait3A_747 = arith.constant 0 : i32
      %dma_wait3A_748 = arith.constant 0 : i32
      %dma_wait3A_749 = tpu.memref_slice %arg3[%dma_wait3A_747, %dma_wait3A_748] : memref<1000000x64xf32, #tpu.memory_space<hbm>> -> memref<96x64xf32, #tpu.memory_space<hbm>>
      tpu.wait_dma2 semaphore(%arg12 : memref<!tpu.dma_semaphore, #tpu.memory_space<semaphore_mem>>) src(%dma_wait3A_749 : memref<96x64xf32, #tpu.memory_space<hbm>>) dst(%dma_wait3A_746 : memref<96x64xf32, #tpu.memory_space<vmem>>)
      %scan3A_750 = arith.constant 0 : i32
      %scan3A_751 = arith.constant 0 : i32
      %scan3A_752 = arith.constant 200 : i32
      %scan3A_753 = arith.addi %scan3A_751, %scan3A_752 : i32
      %scan3A_754 = arith.constant 1 : i32
      scf.for %scan3A_771 = %scan3A_751 to %scan3A_753 step %scan3A_754  : i32 {
        %get3A = arith.index_cast %scan3A_771 : i32 to index
        %get3A_772 = arith.constant 0 : index
        %get3A_773 = tpu.vector_load %arg10[%get3A, %get3A_772] {strides = array<i32>} : memref<200x64xf32, #tpu.memory_space<vmem>>, vector<16xf32>,
        %add3A_774 = arith.constant 0 : i32
        %add3A_775 = arith.addi %add3A_774, %scan3A_771 : i32
        %get3A_776 = arith.index_cast %add3A_775 : i32 to index
        %get3A_777 = arith.constant 0 : index
        %get3A_778 = tpu.vector_load %arg9[%get3A_776, %get3A_777] {strides = array<i32>} : memref<400x64xf32, #tpu.memory_space<vmem>>, vector<16xf32>,
        %add3A_779 = arith.addf %get3A_778, %get3A_773 : vector<16xf32>
        %add3A_780 = arith.constant 0 : i32
        %add3A_781 = arith.addi %add3A_780, %scan3A_771 : i32
        %swap3A_782 = arith.index_cast %add3A_781 : i32 to index
        %swap3A_783 = arith.constant 0 : index
        %swap3A_784 = tpu.vector_load %arg9[%swap3A_782, %swap3A_783] {strides = array<i32>} : memref<400x64xf32, #tpu.memory_space<vmem>>, vector<16xf32>,
        tpu.vector_store %arg9[%swap3A_782, %swap3A_783], %add3A_779 {strides = array<i32>} : memref<400x64xf32, #tpu.memory_space<vmem>>, vector<16xf32>,
        %add3A_785 = arith.constant 200 : i32
        %add3A_786 = arith.addi %add3A_785, %scan3A_771 : i32
        %get3A_787 = arith.index_cast %add3A_786 : i32 to index
        %get3A_788 = arith.constant 0 : index
        %get3A_789 = tpu.vector_load %arg9[%get3A_787, %get3A_788] {strides = array<i32>} : memref<400x64xf32, #tpu.memory_space<vmem>>, vector<16xf32>,
        %add3A_790 = arith.addf %get3A_789, %get3A_773 : vector<16xf32>
        %add3A_791 = arith.constant 200 : i32
        %add3A_792 = arith.addi %add3A_791, %scan3A_771 : i32
        %swap3A_793 = arith.index_cast %add3A_792 : i32 to index
        %swap3A_794 = arith.constant 0 : index
        %swap3A_795 = tpu.vector_load %arg9[%swap3A_793, %swap3A_794] {strides = array<i32>} : memref<400x64xf32, #tpu.memory_space<vmem>>, vector<16xf32>,
        tpu.vector_store %arg9[%swap3A_793, %swap3A_794], %add3A_790 {strides = array<i32>} : memref<400x64xf32, #tpu.memory_space<vmem>>, vector<16xf32>,
        %get3A_796 = arith.index_cast %scan3A_771 : i32 to index
        %get3A_797 = arith.constant 16 : index
        %get3A_798 = tpu.vector_load %arg10[%get3A_796, %get3A_797] {strides = array<i32>} : memref<200x64xf32, #tpu.memory_space<vmem>>, vector<16xf32>,
        %add3A_799 = arith.constant 0 : i32
        %add3A_800 = arith.addi %add3A_799, %scan3A_771 : i32
        %get3A_801 = arith.index_cast %add3A_800 : i32 to index
        %get3A_802 = arith.constant 16 : index
        %get3A_803 = tpu.vector_load %arg9[%get3A_801, %get3A_802] {strides = array<i32>} : memref<400x64xf32, #tpu.memory_space<vmem>>, vector<16xf32>,
        %add3A_804 = arith.addf %get3A_803, %get3A_798 : vector<16xf32>
        %add3A_805 = arith.constant 0 : i32
        %add3A_806 = arith.addi %add3A_805, %scan3A_771 : i32
        %swap3A_807 = arith.index_cast %add3A_806 : i32 to index
        %swap3A_808 = arith.constant 16 : index
        %swap3A_809 = tpu.vector_load %arg9[%swap3A_807, %swap3A_808] {strides = array<i32>} : memref<400x64xf32, #tpu.memory_space<vmem>>, vector<16xf32>,
        tpu.vector_store %arg9[%swap3A_807, %swap3A_808], %add3A_804 {strides = array<i32>} : memref<400x64xf32, #tpu.memory_space<vmem>>, vector<16xf32>,
        %add3A_810 = arith.constant 200 : i32
        %add3A_811 = arith.addi %add3A_810, %scan3A_771 : i32
        %get3A_812 = arith.index_cast %add3A_811 : i32 to index
        %get3A_813 = arith.constant 16 : index
        %get3A_814 = tpu.vector_load %arg9[%get3A_812, %get3A_813] {strides = array<i32>} : memref<400x64xf32, #tpu.memory_space<vmem>>, vector<16xf32>,
        %add3A_815 = arith.addf %get3A_814, %get3A_798 : vector<16xf32>
        %add3A_816 = arith.constant 200 : i32
        %add3A_817 = arith.addi %add3A_816, %scan3A_771 : i32
        %swap3A_818 = arith.index_cast %add3A_817 : i32 to index
        %swap3A_819 = arith.constant 16 : index
        %swap3A_820 = tpu.vector_load %arg9[%swap3A_818, %swap3A_819] {strides = array<i32>} : memref<400x64xf32, #tpu.memory_space<vmem>>, vector<16xf32>,
        tpu.vector_store %arg9[%swap3A_818, %swap3A_819], %add3A_815 {strides = array<i32>} : memref<400x64xf32, #tpu.memory_space<vmem>>, vector<16xf32>,
        %get3A_821 = arith.index_cast %scan3A_771 : i32 to index
        %get3A_822 = arith.constant 32 : index
        %get3A_823 = tpu.vector_load %arg10[%get3A_821, %get3A_822] {strides = array<i32>} : memref<200x64xf32, #tpu.memory_space<vmem>>, vector<16xf32>,
        %add3A_824 = arith.constant 0 : i32
        %add3A_825 = arith.addi %add3A_824, %scan3A_771 : i32
        %get3A_826 = arith.index_cast %add3A_825 : i32 to index
        %get3A_827 = arith.constant 32 : index
        %get3A_828 = tpu.vector_load %arg9[%get3A_826, %get3A_827] {strides = array<i32>} : memref<400x64xf32, #tpu.memory_space<vmem>>, vector<16xf32>,
        %add3A_829 = arith.addf %get3A_828, %get3A_823 : vector<16xf32>
        %add3A_830 = arith.constant 0 : i32
        %add3A_831 = arith.addi %add3A_830, %scan3A_771 : i32
        %swap3A_832 = arith.index_cast %add3A_831 : i32 to index
        %swap3A_833 = arith.constant 32 : index
        %swap3A_834 = tpu.vector_load %arg9[%swap3A_832, %swap3A_833] {strides = array<i32>} : memref<400x64xf32, #tpu.memory_space<vmem>>, vector<16xf32>,
        tpu.vector_store %arg9[%swap3A_832, %swap3A_833], %add3A_829 {strides = array<i32>} : memref<400x64xf32, #tpu.memory_space<vmem>>, vector<16xf32>,
        %add3A_835 = arith.constant 200 : i32
        %add3A_836 = arith.addi %add3A_835, %scan3A_771 : i32
        %get3A_837 = arith.index_cast %add3A_836 : i32 to index
        %get3A_838 = arith.constant 32 : index
        %get3A_839 = tpu.vector_load %arg9[%get3A_837, %get3A_838] {strides = array<i32>} : memref<400x64xf32, #tpu.memory_space<vmem>>, vector<16xf32>,
        %add3A_840 = arith.addf %get3A_839, %get3A_823 : vector<16xf32>
        %add3A_841 = arith.constant 200 : i32
        %add3A_842 = arith.addi %add3A_841, %scan3A_771 : i32
        %swap3A_843 = arith.index_cast %add3A_842 : i32 to index
        %swap3A_844 = arith.constant 32 : index
        %swap3A_845 = tpu.vector_load %arg9[%swap3A_843, %swap3A_844] {strides = array<i32>} : memref<400x64xf32, #tpu.memory_space<vmem>>, vector<16xf32>,
        tpu.vector_store %arg9[%swap3A_843, %swap3A_844], %add3A_840 {strides = array<i32>} : memref<400x64xf32, #tpu.memory_space<vmem>>, vector<16xf32>,
        %get3A_846 = arith.index_cast %scan3A_771 : i32 to index
        %get3A_847 = arith.constant 48 : index
        %get3A_848 = tpu.vector_load %arg10[%get3A_846, %get3A_847] {strides = array<i32>} : memref<200x64xf32, #tpu.memory_space<vmem>>, vector<16xf32>,
        %add3A_849 = arith.constant 0 : i32
        %add3A_850 = arith.addi %add3A_849, %scan3A_771 : i32
        %get3A_851 = arith.index_cast %add3A_850 : i32 to index
        %get3A_852 = arith.constant 48 : index
        %get3A_853 = tpu.vector_load %arg9[%get3A_851, %get3A_852] {strides = array<i32>} : memref<400x64xf32, #tpu.memory_space<vmem>>, vector<16xf32>,
        %add3A_854 = arith.addf %get3A_853, %get3A_848 : vector<16xf32>
        %add3A_855 = arith.constant 0 : i32
        %add3A_856 = arith.addi %add3A_855, %scan3A_771 : i32
        %swap3A_857 = arith.index_cast %add3A_856 : i32 to index
        %swap3A_858 = arith.constant 48 : index
        %swap3A_859 = tpu.vector_load %arg9[%swap3A_857, %swap3A_858] {strides = array<i32>} : memref<400x64xf32, #tpu.memory_space<vmem>>, vector<16xf32>,
        tpu.vector_store %arg9[%swap3A_857, %swap3A_858], %add3A_854 {strides = array<i32>} : memref<400x64xf32, #tpu.memory_space<vmem>>, vector<16xf32>,
        %add3A_860 = arith.constant 200 : i32
        %add3A_861 = arith.addi %add3A_860, %scan3A_771 : i32
        %get3A_862 = arith.index_cast %add3A_861 : i32 to index
        %get3A_863 = arith.constant 48 : index
        %get3A_864 = tpu.vector_load %arg9[%get3A_862, %get3A_863] {strides = array<i32>} : memref<400x64xf32, #tpu.memory_space<vmem>>, vector<16xf32>,
        %add3A_865 = arith.addf %get3A_864, %get3A_848 : vector<16xf32>
        %add3A_866 = arith.constant 200 : i32
        %add3A_867 = arith.addi %add3A_866, %scan3A_771 : i32
        %swap3A_868 = arith.index_cast %add3A_867 : i32 to index
        %swap3A_869 = arith.constant 48 : index
        %swap3A_870 = tpu.vector_load %arg9[%swap3A_868, %swap3A_869] {strides = array<i32>} : memref<400x64xf32, #tpu.memory_space<vmem>>, vector<16xf32>,
        tpu.vector_store %arg9[%swap3A_868, %swap3A_869], %add3A_865 {strides = array<i32>} : memref<400x64xf32, #tpu.memory_space<vmem>>, vector<16xf32>,
      }
      %scan3A_755 = arith.constant 200 : i32
      %add3A_756 = arith.constant 1 : i32
      %add3A_757 = arith.addi %mul3A_636, %add3A_756 : i32
      %mul3A_758 = arith.constant 128 : i32
      %mul3A_759 = arith.muli %add3A, %mul3A_758 : i32
      %mul3A_760 = arith.constant 2 : i32
      %mul3A_761 = arith.muli %add3A_757, %mul3A_760 : i32
      %add3A_762 = arith.addi %mul3A_759, %mul3A_761 : i32
      %mul3A_763 = arith.constant 200 : i32
      %mul3A_764 = arith.muli %add3A_762, %mul3A_763 : i32
      %dma_start3A_765 = arith.constant 0 : i32
      %dma_start3A_766 = tpu.memref_slice %arg5[%mul3A_764, %dma_start3A_765] : memref<819200x128xf32, #tpu.memory_space<hbm>> -> memref<400x64xf32, #tpu.memory_space<hbm>>
      %dma_start3A_767 = arith.constant 0 : i32
      %dma_start3A_768 = tpu.memref_slice %arg5[%mul3A_764, %dma_start3A_767] : memref<819200x128xf32, #tpu.memory_space<hbm>> -> memref<400x64xf32, #tpu.memory_space<hbm>>
      tpu.enqueue_dma source(%arg9 : memref<400x64xf32, #tpu.memory_space<vmem>>) target(%dma_start3A_768 : memref<400x64xf32, #tpu.memory_space<hbm>>) target_semaphore(%arg14 : memref<!tpu.dma_semaphore, #tpu.memory_space<semaphore_mem>>)
      %lt3A = arith.constant 31 : i32
      %lt3A_769 = arith.cmpi slt, %scan3A_634, %lt3A : i32
      %convert_element_type3A = arith.extui %lt3A_769 : i1 to i32
      %cond3A = arith.constant 0 : i32
      %cond3A_770 = arith.cmpi ne, %convert_element_type3A, %cond3A : i32
      scf.if %cond3A_770 {
        %mul3A_771 = arith.constant 128 : i32
        %mul3A_772 = arith.muli %add3A, %mul3A_771 : i32
        %add3A_773 = arith.constant 0 : i32
        %add3A_774 = arith.addi %mul3A_772, %add3A_773 : i32
        %mul3A_775 = arith.constant 200 : i32
        %mul3A_776 = arith.muli %add3A_774, %mul3A_775 : i32
        %dma_wait3A_777 = arith.constant 0 : i32
        %dma_wait3A_778 = tpu.memref_slice %arg5[%mul3A_776, %dma_wait3A_777] : memref<819200x128xf32, #tpu.memory_space<hbm>> -> memref<400x64xf32, #tpu.memory_space<hbm>>
        %dma_wait3A_779 = arith.constant 0 : i32
        %dma_wait3A_780 = tpu.memref_slice %arg5[%mul3A_776, %dma_wait3A_779] : memref<819200x128xf32, #tpu.memory_space<hbm>> -> memref<400x64xf32, #tpu.memory_space<hbm>>
        tpu.wait_dma2 semaphore(%arg13 : memref<!tpu.dma_semaphore, #tpu.memory_space<semaphore_mem>>) src(%arg8 : memref<400x64xf32, #tpu.memory_space<vmem>>) dst(%dma_wait3A_780 : memref<400x64xf32, #tpu.memory_space<hbm>>)
        %add3A_781 = arith.constant 2 : i32
        %add3A_782 = arith.addi %mul3A_636, %add3A_781 : i32
        %mul3A_783 = arith.constant 2 : i32
        %mul3A_784 = arith.muli %add3A_782, %mul3A_783 : i32
        %add3A_785 = arith.constant 0 : i32
        %add3A_786 = arith.addi %mul3A_784, %add3A_785 : i32
        %broadcast_in_dim3A_787 = vector.broadcast %add3A_786 : i32 to vector<16xi32>
        %gather3A_788 = tpu.vector_load_idx %arg6[%shift_right_arithmetic3A_7, %and3A_9, %broadcast_in_dim3A_787] : memref<25x8x128xi32, #tpu.memory_space<vmem>>[vector<16xi32>, vector<16xi32>, vector<16xi32>], vector<16xi32>,
        %swap3A_789 = arith.constant 0 : i32
        %swap3A_790 = arith.constant 0 : i32
        %swap3A_791 = arith.index_cast %swap3A_789 : i32 to index
        %swap3A_792 = arith.index_cast %swap3A_790 : i32 to index
        %swap3A_793 = arith.constant 0 : index
        %swap3A_794 = tpu.vector_load %arg7[%swap3A_791, %swap3A_792, %swap3A_793] {strides = array<i32>} : memref<2x2x208xi32, #tpu.memory_space<vmem>>, vector<16xi32>,
        tpu.vector_store %arg7[%swap3A_791, %swap3A_792, %swap3A_793], %gather3A_788 {strides = array<i32>} : memref<2x2x208xi32, #tpu.memory_space<vmem>>, vector<16xi32>,
        %gather3A_795 = tpu.vector_load_idx %arg6[%shift_right_arithmetic3A_18, %and3A_21, %broadcast_in_dim3A_787] : memref<25x8x128xi32, #tpu.memory_space<vmem>>[vector<16xi32>, vector<16xi32>, vector<16xi32>], vector<16xi32>,
        %swap3A_796 = arith.constant 0 : i32
        %swap3A_797 = arith.constant 0 : i32
        %swap3A_798 = arith.index_cast %swap3A_796 : i32 to index
        %swap3A_799 = arith.index_cast %swap3A_797 : i32 to index
        %swap3A_800 = arith.constant 16 : index
        %swap3A_801 = tpu.vector_load %arg7[%swap3A_798, %swap3A_799, %swap3A_800] {strides = array<i32>} : memref<2x2x208xi32, #tpu.memory_space<vmem>>, vector<16xi32>,
        tpu.vector_store %arg7[%swap3A_798, %swap3A_799, %swap3A_800], %gather3A_795 {strides = array<i32>} : memref<2x2x208xi32, #tpu.memory_space<vmem>>, vector<16xi32>,
        %gather3A_802 = tpu.vector_load_idx %arg6[%shift_right_arithmetic3A_30, %and3A_33, %broadcast_in_dim3A_787] : memref<25x8x128xi32, #tpu.memory_space<vmem>>[vector<16xi32>, vector<16xi32>, vector<16xi32>], vector<16xi32>,
        %swap3A_803 = arith.constant 0 : i32
        %swap3A_804 = arith.constant 0 : i32
        %swap3A_805 = arith.index_cast %swap3A_803 : i32 to index
        %swap3A_806 = arith.index_cast %swap3A_804 : i32 to index
        %swap3A_807 = arith.constant 32 : index
        %swap3A_808 = tpu.vector_load %arg7[%swap3A_805, %swap3A_806, %swap3A_807] {strides = array<i32>} : memref<2x2x208xi32, #tpu.memory_space<vmem>>, vector<16xi32>,
        tpu.vector_store %arg7[%swap3A_805, %swap3A_806, %swap3A_807], %gather3A_802 {strides = array<i32>} : memref<2x2x208xi32, #tpu.memory_space<vmem>>, vector<16xi32>,
        %gather3A_809 = tpu.vector_load_idx %arg6[%shift_right_arithmetic3A_42, %and3A_45, %broadcast_in_dim3A_787] : memref<25x8x128xi32, #tpu.memory_space<vmem>>[vector<16xi32>, vector<16xi32>, vector<16xi32>], vector<16xi32>,
        %swap3A_810 = arith.constant 0 : i32
        %swap3A_811 = arith.constant 0 : i32
        %swap3A_812 = arith.index_cast %swap3A_810 : i32 to index
        %swap3A_813 = arith.index_cast %swap3A_811 : i32 to index
        %swap3A_814 = arith.constant 48 : index
        %swap3A_815 = tpu.vector_load %arg7[%swap3A_812, %swap3A_813, %swap3A_814] {strides = array<i32>} : memref<2x2x208xi32, #tpu.memory_space<vmem>>, vector<16xi32>,
        tpu.vector_store %arg7[%swap3A_812, %swap3A_813, %swap3A_814], %gather3A_809 {strides = array<i32>} : memref<2x2x208xi32, #tpu.memory_space<vmem>>, vector<16xi32>,
        %gather3A_816 = tpu.vector_load_idx %arg6[%shift_right_arithmetic3A_54, %and3A_57, %broadcast_in_dim3A_787] : memref<25x8x128xi32, #tpu.memory_space<vmem>>[vector<16xi32>, vector<16xi32>, vector<16xi32>], vector<16xi32>,
        %swap3A_817 = arith.constant 0 : i32
        %swap3A_818 = arith.constant 0 : i32
        %swap3A_819 = arith.index_cast %swap3A_817 : i32 to index
        %swap3A_820 = arith.index_cast %swap3A_818 : i32 to index
        %swap3A_821 = arith.constant 64 : index
        %swap3A_822 = tpu.vector_load %arg7[%swap3A_819, %swap3A_820, %swap3A_821] {strides = array<i32>} : memref<2x2x208xi32, #tpu.memory_space<vmem>>, vector<16xi32>,
        tpu.vector_store %arg7[%swap3A_819, %swap3A_820, %swap3A_821], %gather3A_816 {strides = array<i32>} : memref<2x2x208xi32, #tpu.memory_space<vmem>>, vector<16xi32>,
        %gather3A_823 = tpu.vector_load_idx %arg6[%shift_right_arithmetic3A_66, %and3A_69, %broadcast_in_dim3A_787] : memref<25x8x128xi32, #tpu.memory_space<vmem>>[vector<16xi32>, vector<16xi32>, vector<16xi32>], vector<16xi32>,
        %swap3A_824 = arith.constant 0 : i32
        %swap3A_825 = arith.constant 0 : i32
        %swap3A_826 = arith.index_cast %swap3A_824 : i32 to index
        %swap3A_827 = arith.index_cast %swap3A_825 : i32 to index
        %swap3A_828 = arith.constant 80 : index
        %swap3A_829 = tpu.vector_load %arg7[%swap3A_826, %swap3A_827, %swap3A_828] {strides = array<i32>} : memref<2x2x208xi32, #tpu.memory_space<vmem>>, vector<16xi32>,
        tpu.vector_store %arg7[%swap3A_826, %swap3A_827, %swap3A_828], %gather3A_823 {strides = array<i32>} : memref<2x2x208xi32, #tpu.memory_space<vmem>>, vector<16xi32>,
        %gather3A_830 = tpu.vector_load_idx %arg6[%shift_right_arithmetic3A_78, %and3A_81, %broadcast_in_dim3A_787] : memref<25x8x128xi32, #tpu.memory_space<vmem>>[vector<16xi32>, vector<16xi32>, vector<16xi32>], vector<16xi32>,
        %swap3A_831 = arith.constant 0 : i32
        %swap3A_832 = arith.constant 0 : i32
        %swap3A_833 = arith.index_cast %swap3A_831 : i32 to index
        %swap3A_834 = arith.index_cast %swap3A_832 : i32 to index
        %swap3A_835 = arith.constant 96 : index
        %swap3A_836 = tpu.vector_load %arg7[%swap3A_833, %swap3A_834, %swap3A_835] {strides = array<i32>} : memref<2x2x208xi32, #tpu.memory_space<vmem>>, vector<16xi32>,
        tpu.vector_store %arg7[%swap3A_833, %swap3A_834, %swap3A_835], %gather3A_830 {strides = array<i32>} : memref<2x2x208xi32, #tpu.memory_space<vmem>>, vector<16xi32>,
        %gather3A_837 = tpu.vector_load_idx %arg6[%shift_right_arithmetic3A_90, %and3A_93, %broadcast_in_dim3A_787] : memref<25x8x128xi32, #tpu.memory_space<vmem>>[vector<16xi32>, vector<16xi32>, vector<16xi32>], vector<16xi32>,
        %swap3A_838 = arith.constant 0 : i32
        %swap3A_839 = arith.constant 0 : i32
        %swap3A_840 = arith.index_cast %swap3A_838 : i32 to index
        %swap3A_841 = arith.index_cast %swap3A_839 : i32 to index
        %swap3A_842 = arith.constant 112 : index
        %swap3A_843 = tpu.vector_load %arg7[%swap3A_840, %swap3A_841, %swap3A_842] {strides = array<i32>} : memref<2x2x208xi32, #tpu.memory_space<vmem>>, vector<16xi32>,
        tpu.vector_store %arg7[%swap3A_840, %swap3A_841, %swap3A_842], %gather3A_837 {strides = array<i32>} : memref<2x2x208xi32, #tpu.memory_space<vmem>>, vector<16xi32>,
        %gather3A_844 = tpu.vector_load_idx %arg6[%shift_right_arithmetic3A_102, %and3A_105, %broadcast_in_dim3A_787] : memref<25x8x128xi32, #tpu.memory_space<vmem>>[vector<16xi32>, vector<16xi32>, vector<16xi32>], vector<16xi32>,
        %swap3A_845 = arith.constant 0 : i32
        %swap3A_846 = arith.constant 0 : i32
        %swap3A_847 = arith.index_cast %swap3A_845 : i32 to index
        %swap3A_848 = arith.index_cast %swap3A_846 : i32 to index
        %swap3A_849 = arith.constant 128 : index
        %swap3A_850 = tpu.vector_load %arg7[%swap3A_847, %swap3A_848, %swap3A_849] {strides = array<i32>} : memref<2x2x208xi32, #tpu.memory_space<vmem>>, vector<16xi32>,
        tpu.vector_store %arg7[%swap3A_847, %swap3A_848, %swap3A_849], %gather3A_844 {strides = array<i32>} : memref<2x2x208xi32, #tpu.memory_space<vmem>>, vector<16xi32>,
        %gather3A_851 = tpu.vector_load_idx %arg6[%shift_right_arithmetic3A_114, %and3A_117, %broadcast_in_dim3A_787] : memref<25x8x128xi32, #tpu.memory_space<vmem>>[vector<16xi32>, vector<16xi32>, vector<16xi32>], vector<16xi32>,
        %swap3A_852 = arith.constant 0 : i32
        %swap3A_853 = arith.constant 0 : i32
        %swap3A_854 = arith.index_cast %swap3A_852 : i32 to index
        %swap3A_855 = arith.index_cast %swap3A_853 : i32 to index
        %swap3A_856 = arith.constant 144 : index
        %swap3A_857 = tpu.vector_load %arg7[%swap3A_854, %swap3A_855, %swap3A_856] {strides = array<i32>} : memref<2x2x208xi32, #tpu.memory_space<vmem>>, vector<16xi32>,
        tpu.vector_store %arg7[%swap3A_854, %swap3A_855, %swap3A_856], %gather3A_851 {strides = array<i32>} : memref<2x2x208xi32, #tpu.memory_space<vmem>>, vector<16xi32>,
        %gather3A_858 = tpu.vector_load_idx %arg6[%shift_right_arithmetic3A_126, %and3A_129, %broadcast_in_dim3A_787] : memref<25x8x128xi32, #tpu.memory_space<vmem>>[vector<16xi32>, vector<16xi32>, vector<16xi32>], vector<16xi32>,
        %swap3A_859 = arith.constant 0 : i32
        %swap3A_860 = arith.constant 0 : i32
        %swap3A_861 = arith.index_cast %swap3A_859 : i32 to index
        %swap3A_862 = arith.index_cast %swap3A_860 : i32 to index
        %swap3A_863 = arith.constant 160 : index
        %swap3A_864 = tpu.vector_load %arg7[%swap3A_861, %swap3A_862, %swap3A_863] {strides = array<i32>} : memref<2x2x208xi32, #tpu.memory_space<vmem>>, vector<16xi32>,
        tpu.vector_store %arg7[%swap3A_861, %swap3A_862, %swap3A_863], %gather3A_858 {strides = array<i32>} : memref<2x2x208xi32, #tpu.memory_space<vmem>>, vector<16xi32>,
        %gather3A_865 = tpu.vector_load_idx %arg6[%shift_right_arithmetic3A_138, %and3A_141, %broadcast_in_dim3A_787] : memref<25x8x128xi32, #tpu.memory_space<vmem>>[vector<16xi32>, vector<16xi32>, vector<16xi32>], vector<16xi32>,
        %swap3A_866 = arith.constant 0 : i32
        %swap3A_867 = arith.constant 0 : i32
        %swap3A_868 = arith.index_cast %swap3A_866 : i32 to index
        %swap3A_869 = arith.index_cast %swap3A_867 : i32 to index
        %swap3A_870 = arith.constant 176 : index
        %swap3A_871 = tpu.vector_load %arg7[%swap3A_868, %swap3A_869, %swap3A_870] {strides = array<i32>} : memref<2x2x208xi32, #tpu.memory_space<vmem>>, vector<16xi32>,
        tpu.vector_store %arg7[%swap3A_868, %swap3A_869, %swap3A_870], %gather3A_865 {strides = array<i32>} : memref<2x2x208xi32, #tpu.memory_space<vmem>>, vector<16xi32>,
        %gather3A_872 = tpu.vector_load_idx %arg6[%shift_right_arithmetic3A_150, %and3A_153, %broadcast_in_dim3A_787] : memref<25x8x128xi32, #tpu.memory_space<vmem>>[vector<16xi32>, vector<16xi32>, vector<16xi32>], vector<16xi32>,
        %swap3A_873 = arith.constant 0 : i32
        %swap3A_874 = arith.constant 0 : i32
        %swap3A_875 = arith.index_cast %swap3A_873 : i32 to index
        %swap3A_876 = arith.index_cast %swap3A_874 : i32 to index
        %swap3A_877 = arith.constant 192 : index
        %swap3A_878 = tpu.vector_load %arg7[%swap3A_875, %swap3A_876, %swap3A_877] {strides = array<i32>} : memref<2x2x208xi32, #tpu.memory_space<vmem>>, vector<16xi32>,
        tpu.vector_store %arg7[%swap3A_875, %swap3A_876, %swap3A_877], %gather3A_872 {strides = array<i32>} : memref<2x2x208xi32, #tpu.memory_space<vmem>>, vector<16xi32>,
        %mul3A_879 = arith.constant 2 : i32
        %mul3A_880 = arith.muli %add3A_782, %mul3A_879 : i32
        %add3A_881 = arith.constant 1 : i32
        %add3A_882 = arith.addi %mul3A_880, %add3A_881 : i32
        %broadcast_in_dim3A_883 = vector.broadcast %add3A_882 : i32 to vector<16xi32>
        %gather3A_884 = tpu.vector_load_idx %arg6[%shift_right_arithmetic3A_7, %and3A_9, %broadcast_in_dim3A_883] : memref<25x8x128xi32, #tpu.memory_space<vmem>>[vector<16xi32>, vector<16xi32>, vector<16xi32>], vector<16xi32>,
        %swap3A_885 = arith.constant 0 : i32
        %swap3A_886 = arith.constant 1 : i32
        %swap3A_887 = arith.index_cast %swap3A_885 : i32 to index
        %swap3A_888 = arith.index_cast %swap3A_886 : i32 to index
        %swap3A_889 = arith.constant 0 : index
        %swap3A_890 = tpu.vector_load %arg7[%swap3A_887, %swap3A_888, %swap3A_889] {strides = array<i32>} : memref<2x2x208xi32, #tpu.memory_space<vmem>>, vector<16xi32>,
        tpu.vector_store %arg7[%swap3A_887, %swap3A_888, %swap3A_889], %gather3A_884 {strides = array<i32>} : memref<2x2x208xi32, #tpu.memory_space<vmem>>, vector<16xi32>,
        %gather3A_891 = tpu.vector_load_idx %arg6[%shift_right_arithmetic3A_18, %and3A_21, %broadcast_in_dim3A_883] : memref<25x8x128xi32, #tpu.memory_space<vmem>>[vector<16xi32>, vector<16xi32>, vector<16xi32>], vector<16xi32>,
        %swap3A_892 = arith.constant 0 : i32
        %swap3A_893 = arith.constant 1 : i32
        %swap3A_894 = arith.index_cast %swap3A_892 : i32 to index
        %swap3A_895 = arith.index_cast %swap3A_893 : i32 to index
        %swap3A_896 = arith.constant 16 : index
        %swap3A_897 = tpu.vector_load %arg7[%swap3A_894, %swap3A_895, %swap3A_896] {strides = array<i32>} : memref<2x2x208xi32, #tpu.memory_space<vmem>>, vector<16xi32>,
        tpu.vector_store %arg7[%swap3A_894, %swap3A_895, %swap3A_896], %gather3A_891 {strides = array<i32>} : memref<2x2x208xi32, #tpu.memory_space<vmem>>, vector<16xi32>,
        %gather3A_898 = tpu.vector_load_idx %arg6[%shift_right_arithmetic3A_30, %and3A_33, %broadcast_in_dim3A_883] : memref<25x8x128xi32, #tpu.memory_space<vmem>>[vector<16xi32>, vector<16xi32>, vector<16xi32>], vector<16xi32>,
        %swap3A_899 = arith.constant 0 : i32
        %swap3A_900 = arith.constant 1 : i32
        %swap3A_901 = arith.index_cast %swap3A_899 : i32 to index
        %swap3A_902 = arith.index_cast %swap3A_900 : i32 to index
        %swap3A_903 = arith.constant 32 : index
        %swap3A_904 = tpu.vector_load %arg7[%swap3A_901, %swap3A_902, %swap3A_903] {strides = array<i32>} : memref<2x2x208xi32, #tpu.memory_space<vmem>>, vector<16xi32>,
        tpu.vector_store %arg7[%swap3A_901, %swap3A_902, %swap3A_903], %gather3A_898 {strides = array<i32>} : memref<2x2x208xi32, #tpu.memory_space<vmem>>, vector<16xi32>,
        %gather3A_905 = tpu.vector_load_idx %arg6[%shift_right_arithmetic3A_42, %and3A_45, %broadcast_in_dim3A_883] : memref<25x8x128xi32, #tpu.memory_space<vmem>>[vector<16xi32>, vector<16xi32>, vector<16xi32>], vector<16xi32>,
        %swap3A_906 = arith.constant 0 : i32
        %swap3A_907 = arith.constant 1 : i32
        %swap3A_908 = arith.index_cast %swap3A_906 : i32 to index
        %swap3A_909 = arith.index_cast %swap3A_907 : i32 to index
        %swap3A_910 = arith.constant 48 : index
        %swap3A_911 = tpu.vector_load %arg7[%swap3A_908, %swap3A_909, %swap3A_910] {strides = array<i32>} : memref<2x2x208xi32, #tpu.memory_space<vmem>>, vector<16xi32>,
        tpu.vector_store %arg7[%swap3A_908, %swap3A_909, %swap3A_910], %gather3A_905 {strides = array<i32>} : memref<2x2x208xi32, #tpu.memory_space<vmem>>, vector<16xi32>,
        %gather3A_912 = tpu.vector_load_idx %arg6[%shift_right_arithmetic3A_54, %and3A_57, %broadcast_in_dim3A_883] : memref<25x8x128xi32, #tpu.memory_space<vmem>>[vector<16xi32>, vector<16xi32>, vector<16xi32>], vector<16xi32>,
        %swap3A_913 = arith.constant 0 : i32
        %swap3A_914 = arith.constant 1 : i32
        %swap3A_915 = arith.index_cast %swap3A_913 : i32 to index
        %swap3A_916 = arith.index_cast %swap3A_914 : i32 to index
        %swap3A_917 = arith.constant 64 : index
        %swap3A_918 = tpu.vector_load %arg7[%swap3A_915, %swap3A_916, %swap3A_917] {strides = array<i32>} : memref<2x2x208xi32, #tpu.memory_space<vmem>>, vector<16xi32>,
        tpu.vector_store %arg7[%swap3A_915, %swap3A_916, %swap3A_917], %gather3A_912 {strides = array<i32>} : memref<2x2x208xi32, #tpu.memory_space<vmem>>, vector<16xi32>,
        %gather3A_919 = tpu.vector_load_idx %arg6[%shift_right_arithmetic3A_66, %and3A_69, %broadcast_in_dim3A_883] : memref<25x8x128xi32, #tpu.memory_space<vmem>>[vector<16xi32>, vector<16xi32>, vector<16xi32>], vector<16xi32>,
        %swap3A_920 = arith.constant 0 : i32
        %swap3A_921 = arith.constant 1 : i32
        %swap3A_922 = arith.index_cast %swap3A_920 : i32 to index
        %swap3A_923 = arith.index_cast %swap3A_921 : i32 to index
        %swap3A_924 = arith.constant 80 : index
        %swap3A_925 = tpu.vector_load %arg7[%swap3A_922, %swap3A_923, %swap3A_924] {strides = array<i32>} : memref<2x2x208xi32, #tpu.memory_space<vmem>>, vector<16xi32>,
        tpu.vector_store %arg7[%swap3A_922, %swap3A_923, %swap3A_924], %gather3A_919 {strides = array<i32>} : memref<2x2x208xi32, #tpu.memory_space<vmem>>, vector<16xi32>,
        %gather3A_926 = tpu.vector_load_idx %arg6[%shift_right_arithmetic3A_78, %and3A_81, %broadcast_in_dim3A_883] : memref<25x8x128xi32, #tpu.memory_space<vmem>>[vector<16xi32>, vector<16xi32>, vector<16xi32>], vector<16xi32>,
        %swap3A_927 = arith.constant 0 : i32
        %swap3A_928 = arith.constant 1 : i32
        %swap3A_929 = arith.index_cast %swap3A_927 : i32 to index
        %swap3A_930 = arith.index_cast %swap3A_928 : i32 to index
        %swap3A_931 = arith.constant 96 : index
        %swap3A_932 = tpu.vector_load %arg7[%swap3A_929, %swap3A_930, %swap3A_931] {strides = array<i32>} : memref<2x2x208xi32, #tpu.memory_space<vmem>>, vector<16xi32>,
        tpu.vector_store %arg7[%swap3A_929, %swap3A_930, %swap3A_931], %gather3A_926 {strides = array<i32>} : memref<2x2x208xi32, #tpu.memory_space<vmem>>, vector<16xi32>,
        %gather3A_933 = tpu.vector_load_idx %arg6[%shift_right_arithmetic3A_90, %and3A_93, %broadcast_in_dim3A_883] : memref<25x8x128xi32, #tpu.memory_space<vmem>>[vector<16xi32>, vector<16xi32>, vector<16xi32>], vector<16xi32>,
        %swap3A_934 = arith.constant 0 : i32
        %swap3A_935 = arith.constant 1 : i32
        %swap3A_936 = arith.index_cast %swap3A_934 : i32 to index
        %swap3A_937 = arith.index_cast %swap3A_935 : i32 to index
        %swap3A_938 = arith.constant 112 : index
        %swap3A_939 = tpu.vector_load %arg7[%swap3A_936, %swap3A_937, %swap3A_938] {strides = array<i32>} : memref<2x2x208xi32, #tpu.memory_space<vmem>>, vector<16xi32>,
        tpu.vector_store %arg7[%swap3A_936, %swap3A_937, %swap3A_938], %gather3A_933 {strides = array<i32>} : memref<2x2x208xi32, #tpu.memory_space<vmem>>, vector<16xi32>,
        %gather3A_940 = tpu.vector_load_idx %arg6[%shift_right_arithmetic3A_102, %and3A_105, %broadcast_in_dim3A_883] : memref<25x8x128xi32, #tpu.memory_space<vmem>>[vector<16xi32>, vector<16xi32>, vector<16xi32>], vector<16xi32>,
        %swap3A_941 = arith.constant 0 : i32
        %swap3A_942 = arith.constant 1 : i32
        %swap3A_943 = arith.index_cast %swap3A_941 : i32 to index
        %swap3A_944 = arith.index_cast %swap3A_942 : i32 to index
        %swap3A_945 = arith.constant 128 : index
        %swap3A_946 = tpu.vector_load %arg7[%swap3A_943, %swap3A_944, %swap3A_945] {strides = array<i32>} : memref<2x2x208xi32, #tpu.memory_space<vmem>>, vector<16xi32>,
        tpu.vector_store %arg7[%swap3A_943, %swap3A_944, %swap3A_945], %gather3A_940 {strides = array<i32>} : memref<2x2x208xi32, #tpu.memory_space<vmem>>, vector<16xi32>,
        %gather3A_947 = tpu.vector_load_idx %arg6[%shift_right_arithmetic3A_114, %and3A_117, %broadcast_in_dim3A_883] : memref<25x8x128xi32, #tpu.memory_space<vmem>>[vector<16xi32>, vector<16xi32>, vector<16xi32>], vector<16xi32>,
        %swap3A_948 = arith.constant 0 : i32
        %swap3A_949 = arith.constant 1 : i32
        %swap3A_950 = arith.index_cast %swap3A_948 : i32 to index
        %swap3A_951 = arith.index_cast %swap3A_949 : i32 to index
        %swap3A_952 = arith.constant 144 : index
        %swap3A_953 = tpu.vector_load %arg7[%swap3A_950, %swap3A_951, %swap3A_952] {strides = array<i32>} : memref<2x2x208xi32, #tpu.memory_space<vmem>>, vector<16xi32>,
        tpu.vector_store %arg7[%swap3A_950, %swap3A_951, %swap3A_952], %gather3A_947 {strides = array<i32>} : memref<2x2x208xi32, #tpu.memory_space<vmem>>, vector<16xi32>,
        %gather3A_954 = tpu.vector_load_idx %arg6[%shift_right_arithmetic3A_126, %and3A_129, %broadcast_in_dim3A_883] : memref<25x8x128xi32, #tpu.memory_space<vmem>>[vector<16xi32>, vector<16xi32>, vector<16xi32>], vector<16xi32>,
        %swap3A_955 = arith.constant 0 : i32
        %swap3A_956 = arith.constant 1 : i32
        %swap3A_957 = arith.index_cast %swap3A_955 : i32 to index
        %swap3A_958 = arith.index_cast %swap3A_956 : i32 to index
        %swap3A_959 = arith.constant 160 : index
        %swap3A_960 = tpu.vector_load %arg7[%swap3A_957, %swap3A_958, %swap3A_959] {strides = array<i32>} : memref<2x2x208xi32, #tpu.memory_space<vmem>>, vector<16xi32>,
        tpu.vector_store %arg7[%swap3A_957, %swap3A_958, %swap3A_959], %gather3A_954 {strides = array<i32>} : memref<2x2x208xi32, #tpu.memory_space<vmem>>, vector<16xi32>,
        %gather3A_961 = tpu.vector_load_idx %arg6[%shift_right_arithmetic3A_138, %and3A_141, %broadcast_in_dim3A_883] : memref<25x8x128xi32, #tpu.memory_space<vmem>>[vector<16xi32>, vector<16xi32>, vector<16xi32>], vector<16xi32>,
        %swap3A_962 = arith.constant 0 : i32
        %swap3A_963 = arith.constant 1 : i32
        %swap3A_964 = arith.index_cast %swap3A_962 : i32 to index
        %swap3A_965 = arith.index_cast %swap3A_963 : i32 to index
        %swap3A_966 = arith.constant 176 : index
        %swap3A_967 = tpu.vector_load %arg7[%swap3A_964, %swap3A_965, %swap3A_966] {strides = array<i32>} : memref<2x2x208xi32, #tpu.memory_space<vmem>>, vector<16xi32>,
        tpu.vector_store %arg7[%swap3A_964, %swap3A_965, %swap3A_966], %gather3A_961 {strides = array<i32>} : memref<2x2x208xi32, #tpu.memory_space<vmem>>, vector<16xi32>,
        %gather3A_968 = tpu.vector_load_idx %arg6[%shift_right_arithmetic3A_150, %and3A_153, %broadcast_in_dim3A_883] : memref<25x8x128xi32, #tpu.memory_space<vmem>>[vector<16xi32>, vector<16xi32>, vector<16xi32>], vector<16xi32>,
        %swap3A_969 = arith.constant 0 : i32
        %swap3A_970 = arith.constant 1 : i32
        %swap3A_971 = arith.index_cast %swap3A_969 : i32 to index
        %swap3A_972 = arith.index_cast %swap3A_970 : i32 to index
        %swap3A_973 = arith.constant 192 : index
        %swap3A_974 = tpu.vector_load %arg7[%swap3A_971, %swap3A_972, %swap3A_973] {strides = array<i32>} : memref<2x2x208xi32, #tpu.memory_space<vmem>>, vector<16xi32>,
        tpu.vector_store %arg7[%swap3A_971, %swap3A_972, %swap3A_973], %gather3A_968 {strides = array<i32>} : memref<2x2x208xi32, #tpu.memory_space<vmem>>, vector<16xi32>,
        %dma_start3A_975 = arith.constant 0 : i32
        %dma_start3A_976 = arith.constant 0 : i32
        %dma_start3A_977 = arith.constant 0 : i32
        %dma_start3A_978 = arith.constant 0 : i32
        %dma_start3A_979 = tpu.memref_slice %arg8[%dma_start3A_977, %dma_start3A_978] : memref<400x64xf32, #tpu.memory_space<vmem>> -> memref<104x64xf32, #tpu.memory_space<vmem>>
        %dma_start3A_980 = arith.constant 0 : i32
        %dma_start3A_981 = tpu.memref_slice %arg7[%dma_start3A_975, %dma_start3A_976, %dma_start3A_980] : memref<2x2x208xi32, #tpu.memory_space<vmem>> -> memref<1x1x104xi32, #tpu.memory_space<vmem>>
        %dma_start3A_982 = tpu.memref_squeeze %dma_start3A_981 : memref<1x1x104xi32, #tpu.memory_space<vmem>> -> memref<104xi32, #tpu.memory_space<vmem>>
        %dma_start3A_983 = arith.constant 0 : i32
        %dma_start3A_984 = arith.constant 0 : i32
        %dma_start3A_985 = tpu.memref_slice %arg3[%dma_start3A_983, %dma_start3A_984] : memref<1000000x64xf32, #tpu.memory_space<hbm>> -> memref<1000000x64xf32, #tpu.memory_space<hbm>>
        tpu.enqueue_indirect_dma source(%dma_start3A_985 : memref<1000000x64xf32, #tpu.memory_space<hbm>>) target(%dma_start3A_979 : memref<104x64xf32, #tpu.memory_space<vmem>>) offsets(%dma_start3A_982 : memref<104xi32, #tpu.memory_space<vmem>>) semaphore(%arg11 : memref<!tpu.dma_semaphore, #tpu.memory_space<semaphore_mem>>)
        %dma_start3A_986 = arith.constant 0 : i32
        %dma_start3A_987 = arith.constant 0 : i32
        %dma_start3A_988 = arith.constant 104 : i32
        %dma_start3A_989 = arith.constant 0 : i32
        %dma_start3A_990 = tpu.memref_slice %arg8[%dma_start3A_988, %dma_start3A_989] : memref<400x64xf32, #tpu.memory_space<vmem>> -> memref<96x64xf32, #tpu.memory_space<vmem>>
        %dma_start3A_991 = arith.constant 104 : i32
        %dma_start3A_992 = tpu.memref_slice %arg7[%dma_start3A_986, %dma_start3A_987, %dma_start3A_991] : memref<2x2x208xi32, #tpu.memory_space<vmem>> -> memref<1x1x96xi32, #tpu.memory_space<vmem>>
        %dma_start3A_993 = tpu.memref_squeeze %dma_start3A_992 : memref<1x1x96xi32, #tpu.memory_space<vmem>> -> memref<96xi32, #tpu.memory_space<vmem>>
        %dma_start3A_994 = arith.constant 0 : i32
        %dma_start3A_995 = arith.constant 0 : i32
        %dma_start3A_996 = tpu.memref_slice %arg3[%dma_start3A_994, %dma_start3A_995] : memref<1000000x64xf32, #tpu.memory_space<hbm>> -> memref<1000000x64xf32, #tpu.memory_space<hbm>>
        tpu.enqueue_indirect_dma source(%dma_start3A_996 : memref<1000000x64xf32, #tpu.memory_space<hbm>>) target(%dma_start3A_990 : memref<96x64xf32, #tpu.memory_space<vmem>>) offsets(%dma_start3A_993 : memref<96xi32, #tpu.memory_space<vmem>>) semaphore(%arg11 : memref<!tpu.dma_semaphore, #tpu.memory_space<semaphore_mem>>)
        %dma_start3A_997 = arith.constant 0 : i32
        %dma_start3A_998 = arith.constant 1 : i32
        %dma_start3A_999 = arith.constant 200 : i32
        %dma_start3A_1000 = arith.constant 0 : i32
        %dma_start3A_1001 = tpu.memref_slice %arg8[%dma_start3A_999, %dma_start3A_1000] : memref<400x64xf32, #tpu.memory_space<vmem>> -> memref<104x64xf32, #tpu.memory_space<vmem>>
        %dma_start3A_1002 = arith.constant 0 : i32
        %dma_start3A_1003 = tpu.memref_slice %arg7[%dma_start3A_997, %dma_start3A_998, %dma_start3A_1002] : memref<2x2x208xi32, #tpu.memory_space<vmem>> -> memref<1x1x104xi32, #tpu.memory_space<vmem>>
        %dma_start3A_1004 = tpu.memref_squeeze %dma_start3A_1003 : memref<1x1x104xi32, #tpu.memory_space<vmem>> -> memref<104xi32, #tpu.memory_space<vmem>>
        %dma_start3A_1005 = arith.constant 0 : i32
        %dma_start3A_1006 = arith.constant 0 : i32
        %dma_start3A_1007 = tpu.memref_slice %arg3[%dma_start3A_1005, %dma_start3A_1006] : memref<1000000x64xf32, #tpu.memory_space<hbm>> -> memref<1000000x64xf32, #tpu.memory_space<hbm>>
        tpu.enqueue_indirect_dma source(%dma_start3A_1007 : memref<1000000x64xf32, #tpu.memory_space<hbm>>) target(%dma_start3A_1001 : memref<104x64xf32, #tpu.memory_space<vmem>>) offsets(%dma_start3A_1004 : memref<104xi32, #tpu.memory_space<vmem>>) semaphore(%arg11 : memref<!tpu.dma_semaphore, #tpu.memory_space<semaphore_mem>>)
        %dma_start3A_1008 = arith.constant 0 : i32
        %dma_start3A_1009 = arith.constant 1 : i32
        %dma_start3A_1010 = arith.constant 304 : i32
        %dma_start3A_1011 = arith.constant 0 : i32
        %dma_start3A_1012 = tpu.memref_slice %arg8[%dma_start3A_1010, %dma_start3A_1011] : memref<400x64xf32, #tpu.memory_space<vmem>> -> memref<96x64xf32, #tpu.memory_space<vmem>>
        %dma_start3A_1013 = arith.constant 104 : i32
        %dma_start3A_1014 = tpu.memref_slice %arg7[%dma_start3A_1008, %dma_start3A_1009, %dma_start3A_1013] : memref<2x2x208xi32, #tpu.memory_space<vmem>> -> memref<1x1x96xi32, #tpu.memory_space<vmem>>
        %dma_start3A_1015 = tpu.memref_squeeze %dma_start3A_1014 : memref<1x1x96xi32, #tpu.memory_space<vmem>> -> memref<96xi32, #tpu.memory_space<vmem>>
        %dma_start3A_1016 = arith.constant 0 : i32
        %dma_start3A_1017 = arith.constant 0 : i32
        %dma_start3A_1018 = tpu.memref_slice %arg3[%dma_start3A_1016, %dma_start3A_1017] : memref<1000000x64xf32, #tpu.memory_space<hbm>> -> memref<1000000x64xf32, #tpu.memory_space<hbm>>
        tpu.enqueue_indirect_dma source(%dma_start3A_1018 : memref<1000000x64xf32, #tpu.memory_space<hbm>>) target(%dma_start3A_1012 : memref<96x64xf32, #tpu.memory_space<vmem>>) offsets(%dma_start3A_1015 : memref<96xi32, #tpu.memory_space<vmem>>) semaphore(%arg11 : memref<!tpu.dma_semaphore, #tpu.memory_space<semaphore_mem>>)
        %mul3A_1019 = arith.constant 128 : i32
        %mul3A_1020 = arith.muli %add3A, %mul3A_1019 : i32
        %add3A_1021 = arith.constant 0 : i32
        %add3A_1022 = arith.addi %mul3A_1020, %add3A_1021 : i32
        %mul3A_1023 = arith.constant 200 : i32
        %mul3A_1024 = arith.muli %add3A_1022, %mul3A_1023 : i32
        %dma_wait3A_1025 = arith.constant 0 : i32
        %dma_wait3A_1026 = tpu.memref_slice %arg5[%mul3A_1024, %dma_wait3A_1025] : memref<819200x128xf32, #tpu.memory_space<hbm>> -> memref<400x64xf32, #tpu.memory_space<hbm>>
        %dma_wait3A_1027 = arith.constant 0 : i32
        %dma_wait3A_1028 = tpu.memref_slice %arg5[%mul3A_1024, %dma_wait3A_1027] : memref<819200x128xf32, #tpu.memory_space<hbm>> -> memref<400x64xf32, #tpu.memory_space<hbm>>
        tpu.wait_dma2 semaphore(%arg14 : memref<!tpu.dma_semaphore, #tpu.memory_space<semaphore_mem>>) src(%arg9 : memref<400x64xf32, #tpu.memory_space<vmem>>) dst(%dma_wait3A_1028 : memref<400x64xf32, #tpu.memory_space<hbm>>)
        %add3A_1029 = arith.constant 3 : i32
        %add3A_1030 = arith.addi %mul3A_636, %add3A_1029 : i32
        %mul3A_1031 = arith.constant 2 : i32
        %mul3A_1032 = arith.muli %add3A_1030, %mul3A_1031 : i32
        %add3A_1033 = arith.constant 0 : i32
        %add3A_1034 = arith.addi %mul3A_1032, %add3A_1033 : i32
        %broadcast_in_dim3A_1035 = vector.broadcast %add3A_1034 : i32 to vector<16xi32>
        %gather3A_1036 = tpu.vector_load_idx %arg6[%shift_right_arithmetic3A_7, %and3A_9, %broadcast_in_dim3A_1035] : memref<25x8x128xi32, #tpu.memory_space<vmem>>[vector<16xi32>, vector<16xi32>, vector<16xi32>], vector<16xi32>,
        %swap3A_1037 = arith.constant 1 : i32
        %swap3A_1038 = arith.constant 0 : i32
        %swap3A_1039 = arith.index_cast %swap3A_1037 : i32 to index
        %swap3A_1040 = arith.index_cast %swap3A_1038 : i32 to index
        %swap3A_1041 = arith.constant 0 : index
        %swap3A_1042 = tpu.vector_load %arg7[%swap3A_1039, %swap3A_1040, %swap3A_1041] {strides = array<i32>} : memref<2x2x208xi32, #tpu.memory_space<vmem>>, vector<16xi32>,
        tpu.vector_store %arg7[%swap3A_1039, %swap3A_1040, %swap3A_1041], %gather3A_1036 {strides = array<i32>} : memref<2x2x208xi32, #tpu.memory_space<vmem>>, vector<16xi32>,
        %gather3A_1043 = tpu.vector_load_idx %arg6[%shift_right_arithmetic3A_18, %and3A_21, %broadcast_in_dim3A_1035] : memref<25x8x128xi32, #tpu.memory_space<vmem>>[vector<16xi32>, vector<16xi32>, vector<16xi32>], vector<16xi32>,
        %swap3A_1044 = arith.constant 1 : i32
        %swap3A_1045 = arith.constant 0 : i32
        %swap3A_1046 = arith.index_cast %swap3A_1044 : i32 to index
        %swap3A_1047 = arith.index_cast %swap3A_1045 : i32 to index
        %swap3A_1048 = arith.constant 16 : index
        %swap3A_1049 = tpu.vector_load %arg7[%swap3A_1046, %swap3A_1047, %swap3A_1048] {strides = array<i32>} : memref<2x2x208xi32, #tpu.memory_space<vmem>>, vector<16xi32>,
        tpu.vector_store %arg7[%swap3A_1046, %swap3A_1047, %swap3A_1048], %gather3A_1043 {strides = array<i32>} : memref<2x2x208xi32, #tpu.memory_space<vmem>>, vector<16xi32>,
        %gather3A_1050 = tpu.vector_load_idx %arg6[%shift_right_arithmetic3A_30, %and3A_33, %broadcast_in_dim3A_1035] : memref<25x8x128xi32, #tpu.memory_space<vmem>>[vector<16xi32>, vector<16xi32>, vector<16xi32>], vector<16xi32>,
        %swap3A_1051 = arith.constant 1 : i32
        %swap3A_1052 = arith.constant 0 : i32
        %swap3A_1053 = arith.index_cast %swap3A_1051 : i32 to index
        %swap3A_1054 = arith.index_cast %swap3A_1052 : i32 to index
        %swap3A_1055 = arith.constant 32 : index
        %swap3A_1056 = tpu.vector_load %arg7[%swap3A_1053, %swap3A_1054, %swap3A_1055] {strides = array<i32>} : memref<2x2x208xi32, #tpu.memory_space<vmem>>, vector<16xi32>,
        tpu.vector_store %arg7[%swap3A_1053, %swap3A_1054, %swap3A_1055], %gather3A_1050 {strides = array<i32>} : memref<2x2x208xi32, #tpu.memory_space<vmem>>, vector<16xi32>,
        %gather3A_1057 = tpu.vector_load_idx %arg6[%shift_right_arithmetic3A_42, %and3A_45, %broadcast_in_dim3A_1035] : memref<25x8x128xi32, #tpu.memory_space<vmem>>[vector<16xi32>, vector<16xi32>, vector<16xi32>], vector<16xi32>,
        %swap3A_1058 = arith.constant 1 : i32
        %swap3A_1059 = arith.constant 0 : i32
        %swap3A_1060 = arith.index_cast %swap3A_1058 : i32 to index
        %swap3A_1061 = arith.index_cast %swap3A_1059 : i32 to index
        %swap3A_1062 = arith.constant 48 : index
        %swap3A_1063 = tpu.vector_load %arg7[%swap3A_1060, %swap3A_1061, %swap3A_1062] {strides = array<i32>} : memref<2x2x208xi32, #tpu.memory_space<vmem>>, vector<16xi32>,
        tpu.vector_store %arg7[%swap3A_1060, %swap3A_1061, %swap3A_1062], %gather3A_1057 {strides = array<i32>} : memref<2x2x208xi32, #tpu.memory_space<vmem>>, vector<16xi32>,
        %gather3A_1064 = tpu.vector_load_idx %arg6[%shift_right_arithmetic3A_54, %and3A_57, %broadcast_in_dim3A_1035] : memref<25x8x128xi32, #tpu.memory_space<vmem>>[vector<16xi32>, vector<16xi32>, vector<16xi32>], vector<16xi32>,
        %swap3A_1065 = arith.constant 1 : i32
        %swap3A_1066 = arith.constant 0 : i32
        %swap3A_1067 = arith.index_cast %swap3A_1065 : i32 to index
        %swap3A_1068 = arith.index_cast %swap3A_1066 : i32 to index
        %swap3A_1069 = arith.constant 64 : index
        %swap3A_1070 = tpu.vector_load %arg7[%swap3A_1067, %swap3A_1068, %swap3A_1069] {strides = array<i32>} : memref<2x2x208xi32, #tpu.memory_space<vmem>>, vector<16xi32>,
        tpu.vector_store %arg7[%swap3A_1067, %swap3A_1068, %swap3A_1069], %gather3A_1064 {strides = array<i32>} : memref<2x2x208xi32, #tpu.memory_space<vmem>>, vector<16xi32>,
        %gather3A_1071 = tpu.vector_load_idx %arg6[%shift_right_arithmetic3A_66, %and3A_69, %broadcast_in_dim3A_1035] : memref<25x8x128xi32, #tpu.memory_space<vmem>>[vector<16xi32>, vector<16xi32>, vector<16xi32>], vector<16xi32>,
        %swap3A_1072 = arith.constant 1 : i32
        %swap3A_1073 = arith.constant 0 : i32
        %swap3A_1074 = arith.index_cast %swap3A_1072 : i32 to index
        %swap3A_1075 = arith.index_cast %swap3A_1073 : i32 to index
        %swap3A_1076 = arith.constant 80 : index
        %swap3A_1077 = tpu.vector_load %arg7[%swap3A_1074, %swap3A_1075, %swap3A_1076] {strides = array<i32>} : memref<2x2x208xi32, #tpu.memory_space<vmem>>, vector<16xi32>,
        tpu.vector_store %arg7[%swap3A_1074, %swap3A_1075, %swap3A_1076], %gather3A_1071 {strides = array<i32>} : memref<2x2x208xi32, #tpu.memory_space<vmem>>, vector<16xi32>,
        %gather3A_1078 = tpu.vector_load_idx %arg6[%shift_right_arithmetic3A_78, %and3A_81, %broadcast_in_dim3A_1035] : memref<25x8x128xi32, #tpu.memory_space<vmem>>[vector<16xi32>, vector<16xi32>, vector<16xi32>], vector<16xi32>,
        %swap3A_1079 = arith.constant 1 : i32
        %swap3A_1080 = arith.constant 0 : i32
        %swap3A_1081 = arith.index_cast %swap3A_1079 : i32 to index
        %swap3A_1082 = arith.index_cast %swap3A_1080 : i32 to index
        %swap3A_1083 = arith.constant 96 : index
        %swap3A_1084 = tpu.vector_load %arg7[%swap3A_1081, %swap3A_1082, %swap3A_1083] {strides = array<i32>} : memref<2x2x208xi32, #tpu.memory_space<vmem>>, vector<16xi32>,
        tpu.vector_store %arg7[%swap3A_1081, %swap3A_1082, %swap3A_1083], %gather3A_1078 {strides = array<i32>} : memref<2x2x208xi32, #tpu.memory_space<vmem>>, vector<16xi32>,
        %gather3A_1085 = tpu.vector_load_idx %arg6[%shift_right_arithmetic3A_90, %and3A_93, %broadcast_in_dim3A_1035] : memref<25x8x128xi32, #tpu.memory_space<vmem>>[vector<16xi32>, vector<16xi32>, vector<16xi32>], vector<16xi32>,
        %swap3A_1086 = arith.constant 1 : i32
        %swap3A_1087 = arith.constant 0 : i32
        %swap3A_1088 = arith.index_cast %swap3A_1086 : i32 to index
        %swap3A_1089 = arith.index_cast %swap3A_1087 : i32 to index
        %swap3A_1090 = arith.constant 112 : index
        %swap3A_1091 = tpu.vector_load %arg7[%swap3A_1088, %swap3A_1089, %swap3A_1090] {strides = array<i32>} : memref<2x2x208xi32, #tpu.memory_space<vmem>>, vector<16xi32>,
        tpu.vector_store %arg7[%swap3A_1088, %swap3A_1089, %swap3A_1090], %gather3A_1085 {strides = array<i32>} : memref<2x2x208xi32, #tpu.memory_space<vmem>>, vector<16xi32>,
        %gather3A_1092 = tpu.vector_load_idx %arg6[%shift_right_arithmetic3A_102, %and3A_105, %broadcast_in_dim3A_1035] : memref<25x8x128xi32, #tpu.memory_space<vmem>>[vector<16xi32>, vector<16xi32>, vector<16xi32>], vector<16xi32>,
        %swap3A_1093 = arith.constant 1 : i32
        %swap3A_1094 = arith.constant 0 : i32
        %swap3A_1095 = arith.index_cast %swap3A_1093 : i32 to index
        %swap3A_1096 = arith.index_cast %swap3A_1094 : i32 to index
        %swap3A_1097 = arith.constant 128 : index
        %swap3A_1098 = tpu.vector_load %arg7[%swap3A_1095, %swap3A_1096, %swap3A_1097] {strides = array<i32>} : memref<2x2x208xi32, #tpu.memory_space<vmem>>, vector<16xi32>,
        tpu.vector_store %arg7[%swap3A_1095, %swap3A_1096, %swap3A_1097], %gather3A_1092 {strides = array<i32>} : memref<2x2x208xi32, #tpu.memory_space<vmem>>, vector<16xi32>,
        %gather3A_1099 = tpu.vector_load_idx %arg6[%shift_right_arithmetic3A_114, %and3A_117, %broadcast_in_dim3A_1035] : memref<25x8x128xi32, #tpu.memory_space<vmem>>[vector<16xi32>, vector<16xi32>, vector<16xi32>], vector<16xi32>,
        %swap3A_1100 = arith.constant 1 : i32
        %swap3A_1101 = arith.constant 0 : i32
        %swap3A_1102 = arith.index_cast %swap3A_1100 : i32 to index
        %swap3A_1103 = arith.index_cast %swap3A_1101 : i32 to index
        %swap3A_1104 = arith.constant 144 : index
        %swap3A_1105 = tpu.vector_load %arg7[%swap3A_1102, %swap3A_1103, %swap3A_1104] {strides = array<i32>} : memref<2x2x208xi32, #tpu.memory_space<vmem>>, vector<16xi32>,
        tpu.vector_store %arg7[%swap3A_1102, %swap3A_1103, %swap3A_1104], %gather3A_1099 {strides = array<i32>} : memref<2x2x208xi32, #tpu.memory_space<vmem>>, vector<16xi32>,
        %gather3A_1106 = tpu.vector_load_idx %arg6[%shift_right_arithmetic3A_126, %and3A_129, %broadcast_in_dim3A_1035] : memref<25x8x128xi32, #tpu.memory_space<vmem>>[vector<16xi32>, vector<16xi32>, vector<16xi32>], vector<16xi32>,
        %swap3A_1107 = arith.constant 1 : i32
        %swap3A_1108 = arith.constant 0 : i32
        %swap3A_1109 = arith.index_cast %swap3A_1107 : i32 to index
        %swap3A_1110 = arith.index_cast %swap3A_1108 : i32 to index
        %swap3A_1111 = arith.constant 160 : index
        %swap3A_1112 = tpu.vector_load %arg7[%swap3A_1109, %swap3A_1110, %swap3A_1111] {strides = array<i32>} : memref<2x2x208xi32, #tpu.memory_space<vmem>>, vector<16xi32>,
        tpu.vector_store %arg7[%swap3A_1109, %swap3A_1110, %swap3A_1111], %gather3A_1106 {strides = array<i32>} : memref<2x2x208xi32, #tpu.memory_space<vmem>>, vector<16xi32>,
        %gather3A_1113 = tpu.vector_load_idx %arg6[%shift_right_arithmetic3A_138, %and3A_141, %broadcast_in_dim3A_1035] : memref<25x8x128xi32, #tpu.memory_space<vmem>>[vector<16xi32>, vector<16xi32>, vector<16xi32>], vector<16xi32>,
        %swap3A_1114 = arith.constant 1 : i32
        %swap3A_1115 = arith.constant 0 : i32
        %swap3A_1116 = arith.index_cast %swap3A_1114 : i32 to index
        %swap3A_1117 = arith.index_cast %swap3A_1115 : i32 to index
        %swap3A_1118 = arith.constant 176 : index
        %swap3A_1119 = tpu.vector_load %arg7[%swap3A_1116, %swap3A_1117, %swap3A_1118] {strides = array<i32>} : memref<2x2x208xi32, #tpu.memory_space<vmem>>, vector<16xi32>,
        tpu.vector_store %arg7[%swap3A_1116, %swap3A_1117, %swap3A_1118], %gather3A_1113 {strides = array<i32>} : memref<2x2x208xi32, #tpu.memory_space<vmem>>, vector<16xi32>,
        %gather3A_1120 = tpu.vector_load_idx %arg6[%shift_right_arithmetic3A_150, %and3A_153, %broadcast_in_dim3A_1035] : memref<25x8x128xi32, #tpu.memory_space<vmem>>[vector<16xi32>, vector<16xi32>, vector<16xi32>], vector<16xi32>,
        %swap3A_1121 = arith.constant 1 : i32
        %swap3A_1122 = arith.constant 0 : i32
        %swap3A_1123 = arith.index_cast %swap3A_1121 : i32 to index
        %swap3A_1124 = arith.index_cast %swap3A_1122 : i32 to index
        %swap3A_1125 = arith.constant 192 : index
        %swap3A_1126 = tpu.vector_load %arg7[%swap3A_1123, %swap3A_1124, %swap3A_1125] {strides = array<i32>} : memref<2x2x208xi32, #tpu.memory_space<vmem>>, vector<16xi32>,
        tpu.vector_store %arg7[%swap3A_1123, %swap3A_1124, %swap3A_1125], %gather3A_1120 {strides = array<i32>} : memref<2x2x208xi32, #tpu.memory_space<vmem>>, vector<16xi32>,
        %mul3A_1127 = arith.constant 2 : i32
        %mul3A_1128 = arith.muli %add3A_1030, %mul3A_1127 : i32
        %add3A_1129 = arith.constant 1 : i32
        %add3A_1130 = arith.addi %mul3A_1128, %add3A_1129 : i32
        %broadcast_in_dim3A_1131 = vector.broadcast %add3A_1130 : i32 to vector<16xi32>
        %gather3A_1132 = tpu.vector_load_idx %arg6[%shift_right_arithmetic3A_7, %and3A_9, %broadcast_in_dim3A_1131] : memref<25x8x128xi32, #tpu.memory_space<vmem>>[vector<16xi32>, vector<16xi32>, vector<16xi32>], vector<16xi32>,
        %swap3A_1133 = arith.constant 1 : i32
        %swap3A_1134 = arith.constant 1 : i32
        %swap3A_1135 = arith.index_cast %swap3A_1133 : i32 to index
        %swap3A_1136 = arith.index_cast %swap3A_1134 : i32 to index
        %swap3A_1137 = arith.constant 0 : index
        %swap3A_1138 = tpu.vector_load %arg7[%swap3A_1135, %swap3A_1136, %swap3A_1137] {strides = array<i32>} : memref<2x2x208xi32, #tpu.memory_space<vmem>>, vector<16xi32>,
        tpu.vector_store %arg7[%swap3A_1135, %swap3A_1136, %swap3A_1137], %gather3A_1132 {strides = array<i32>} : memref<2x2x208xi32, #tpu.memory_space<vmem>>, vector<16xi32>,
        %gather3A_1139 = tpu.vector_load_idx %arg6[%shift_right_arithmetic3A_18, %and3A_21, %broadcast_in_dim3A_1131] : memref<25x8x128xi32, #tpu.memory_space<vmem>>[vector<16xi32>, vector<16xi32>, vector<16xi32>], vector<16xi32>,
        %swap3A_1140 = arith.constant 1 : i32
        %swap3A_1141 = arith.constant 1 : i32
        %swap3A_1142 = arith.index_cast %swap3A_1140 : i32 to index
        %swap3A_1143 = arith.index_cast %swap3A_1141 : i32 to index
        %swap3A_1144 = arith.constant 16 : index
        %swap3A_1145 = tpu.vector_load %arg7[%swap3A_1142, %swap3A_1143, %swap3A_1144] {strides = array<i32>} : memref<2x2x208xi32, #tpu.memory_space<vmem>>, vector<16xi32>,
        tpu.vector_store %arg7[%swap3A_1142, %swap3A_1143, %swap3A_1144], %gather3A_1139 {strides = array<i32>} : memref<2x2x208xi32, #tpu.memory_space<vmem>>, vector<16xi32>,
        %gather3A_1146 = tpu.vector_load_idx %arg6[%shift_right_arithmetic3A_30, %and3A_33, %broadcast_in_dim3A_1131] : memref<25x8x128xi32, #tpu.memory_space<vmem>>[vector<16xi32>, vector<16xi32>, vector<16xi32>], vector<16xi32>,
        %swap3A_1147 = arith.constant 1 : i32
        %swap3A_1148 = arith.constant 1 : i32
        %swap3A_1149 = arith.index_cast %swap3A_1147 : i32 to index
        %swap3A_1150 = arith.index_cast %swap3A_1148 : i32 to index
        %swap3A_1151 = arith.constant 32 : index
        %swap3A_1152 = tpu.vector_load %arg7[%swap3A_1149, %swap3A_1150, %swap3A_1151] {strides = array<i32>} : memref<2x2x208xi32, #tpu.memory_space<vmem>>, vector<16xi32>,
        tpu.vector_store %arg7[%swap3A_1149, %swap3A_1150, %swap3A_1151], %gather3A_1146 {strides = array<i32>} : memref<2x2x208xi32, #tpu.memory_space<vmem>>, vector<16xi32>,
        %gather3A_1153 = tpu.vector_load_idx %arg6[%shift_right_arithmetic3A_42, %and3A_45, %broadcast_in_dim3A_1131] : memref<25x8x128xi32, #tpu.memory_space<vmem>>[vector<16xi32>, vector<16xi32>, vector<16xi32>], vector<16xi32>,
        %swap3A_1154 = arith.constant 1 : i32
        %swap3A_1155 = arith.constant 1 : i32
        %swap3A_1156 = arith.index_cast %swap3A_1154 : i32 to index
        %swap3A_1157 = arith.index_cast %swap3A_1155 : i32 to index
        %swap3A_1158 = arith.constant 48 : index
        %swap3A_1159 = tpu.vector_load %arg7[%swap3A_1156, %swap3A_1157, %swap3A_1158] {strides = array<i32>} : memref<2x2x208xi32, #tpu.memory_space<vmem>>, vector<16xi32>,
        tpu.vector_store %arg7[%swap3A_1156, %swap3A_1157, %swap3A_1158], %gather3A_1153 {strides = array<i32>} : memref<2x2x208xi32, #tpu.memory_space<vmem>>, vector<16xi32>,
        %gather3A_1160 = tpu.vector_load_idx %arg6[%shift_right_arithmetic3A_54, %and3A_57, %broadcast_in_dim3A_1131] : memref<25x8x128xi32, #tpu.memory_space<vmem>>[vector<16xi32>, vector<16xi32>, vector<16xi32>], vector<16xi32>,
        %swap3A_1161 = arith.constant 1 : i32
        %swap3A_1162 = arith.constant 1 : i32
        %swap3A_1163 = arith.index_cast %swap3A_1161 : i32 to index
        %swap3A_1164 = arith.index_cast %swap3A_1162 : i32 to index
        %swap3A_1165 = arith.constant 64 : index
        %swap3A_1166 = tpu.vector_load %arg7[%swap3A_1163, %swap3A_1164, %swap3A_1165] {strides = array<i32>} : memref<2x2x208xi32, #tpu.memory_space<vmem>>, vector<16xi32>,
        tpu.vector_store %arg7[%swap3A_1163, %swap3A_1164, %swap3A_1165], %gather3A_1160 {strides = array<i32>} : memref<2x2x208xi32, #tpu.memory_space<vmem>>, vector<16xi32>,
        %gather3A_1167 = tpu.vector_load_idx %arg6[%shift_right_arithmetic3A_66, %and3A_69, %broadcast_in_dim3A_1131] : memref<25x8x128xi32, #tpu.memory_space<vmem>>[vector<16xi32>, vector<16xi32>, vector<16xi32>], vector<16xi32>,
        %swap3A_1168 = arith.constant 1 : i32
        %swap3A_1169 = arith.constant 1 : i32
        %swap3A_1170 = arith.index_cast %swap3A_1168 : i32 to index
        %swap3A_1171 = arith.index_cast %swap3A_1169 : i32 to index
        %swap3A_1172 = arith.constant 80 : index
        %swap3A_1173 = tpu.vector_load %arg7[%swap3A_1170, %swap3A_1171, %swap3A_1172] {strides = array<i32>} : memref<2x2x208xi32, #tpu.memory_space<vmem>>, vector<16xi32>,
        tpu.vector_store %arg7[%swap3A_1170, %swap3A_1171, %swap3A_1172], %gather3A_1167 {strides = array<i32>} : memref<2x2x208xi32, #tpu.memory_space<vmem>>, vector<16xi32>,
        %gather3A_1174 = tpu.vector_load_idx %arg6[%shift_right_arithmetic3A_78, %and3A_81, %broadcast_in_dim3A_1131] : memref<25x8x128xi32, #tpu.memory_space<vmem>>[vector<16xi32>, vector<16xi32>, vector<16xi32>], vector<16xi32>,
        %swap3A_1175 = arith.constant 1 : i32
        %swap3A_1176 = arith.constant 1 : i32
        %swap3A_1177 = arith.index_cast %swap3A_1175 : i32 to index
        %swap3A_1178 = arith.index_cast %swap3A_1176 : i32 to index
        %swap3A_1179 = arith.constant 96 : index
        %swap3A_1180 = tpu.vector_load %arg7[%swap3A_1177, %swap3A_1178, %swap3A_1179] {strides = array<i32>} : memref<2x2x208xi32, #tpu.memory_space<vmem>>, vector<16xi32>,
        tpu.vector_store %arg7[%swap3A_1177, %swap3A_1178, %swap3A_1179], %gather3A_1174 {strides = array<i32>} : memref<2x2x208xi32, #tpu.memory_space<vmem>>, vector<16xi32>,
        %gather3A_1181 = tpu.vector_load_idx %arg6[%shift_right_arithmetic3A_90, %and3A_93, %broadcast_in_dim3A_1131] : memref<25x8x128xi32, #tpu.memory_space<vmem>>[vector<16xi32>, vector<16xi32>, vector<16xi32>], vector<16xi32>,
        %swap3A_1182 = arith.constant 1 : i32
        %swap3A_1183 = arith.constant 1 : i32
        %swap3A_1184 = arith.index_cast %swap3A_1182 : i32 to index
        %swap3A_1185 = arith.index_cast %swap3A_1183 : i32 to index
        %swap3A_1186 = arith.constant 112 : index
        %swap3A_1187 = tpu.vector_load %arg7[%swap3A_1184, %swap3A_1185, %swap3A_1186] {strides = array<i32>} : memref<2x2x208xi32, #tpu.memory_space<vmem>>, vector<16xi32>,
        tpu.vector_store %arg7[%swap3A_1184, %swap3A_1185, %swap3A_1186], %gather3A_1181 {strides = array<i32>} : memref<2x2x208xi32, #tpu.memory_space<vmem>>, vector<16xi32>,
        %gather3A_1188 = tpu.vector_load_idx %arg6[%shift_right_arithmetic3A_102, %and3A_105, %broadcast_in_dim3A_1131] : memref<25x8x128xi32, #tpu.memory_space<vmem>>[vector<16xi32>, vector<16xi32>, vector<16xi32>], vector<16xi32>,
        %swap3A_1189 = arith.constant 1 : i32
        %swap3A_1190 = arith.constant 1 : i32
        %swap3A_1191 = arith.index_cast %swap3A_1189 : i32 to index
        %swap3A_1192 = arith.index_cast %swap3A_1190 : i32 to index
        %swap3A_1193 = arith.constant 128 : index
        %swap3A_1194 = tpu.vector_load %arg7[%swap3A_1191, %swap3A_1192, %swap3A_1193] {strides = array<i32>} : memref<2x2x208xi32, #tpu.memory_space<vmem>>, vector<16xi32>,
        tpu.vector_store %arg7[%swap3A_1191, %swap3A_1192, %swap3A_1193], %gather3A_1188 {strides = array<i32>} : memref<2x2x208xi32, #tpu.memory_space<vmem>>, vector<16xi32>,
        %gather3A_1195 = tpu.vector_load_idx %arg6[%shift_right_arithmetic3A_114, %and3A_117, %broadcast_in_dim3A_1131] : memref<25x8x128xi32, #tpu.memory_space<vmem>>[vector<16xi32>, vector<16xi32>, vector<16xi32>], vector<16xi32>,
        %swap3A_1196 = arith.constant 1 : i32
        %swap3A_1197 = arith.constant 1 : i32
        %swap3A_1198 = arith.index_cast %swap3A_1196 : i32 to index
        %swap3A_1199 = arith.index_cast %swap3A_1197 : i32 to index
        %swap3A_1200 = arith.constant 144 : index
        %swap3A_1201 = tpu.vector_load %arg7[%swap3A_1198, %swap3A_1199, %swap3A_1200] {strides = array<i32>} : memref<2x2x208xi32, #tpu.memory_space<vmem>>, vector<16xi32>,
        tpu.vector_store %arg7[%swap3A_1198, %swap3A_1199, %swap3A_1200], %gather3A_1195 {strides = array<i32>} : memref<2x2x208xi32, #tpu.memory_space<vmem>>, vector<16xi32>,
        %gather3A_1202 = tpu.vector_load_idx %arg6[%shift_right_arithmetic3A_126, %and3A_129, %broadcast_in_dim3A_1131] : memref<25x8x128xi32, #tpu.memory_space<vmem>>[vector<16xi32>, vector<16xi32>, vector<16xi32>], vector<16xi32>,
        %swap3A_1203 = arith.constant 1 : i32
        %swap3A_1204 = arith.constant 1 : i32
        %swap3A_1205 = arith.index_cast %swap3A_1203 : i32 to index
        %swap3A_1206 = arith.index_cast %swap3A_1204 : i32 to index
        %swap3A_1207 = arith.constant 160 : index
        %swap3A_1208 = tpu.vector_load %arg7[%swap3A_1205, %swap3A_1206, %swap3A_1207] {strides = array<i32>} : memref<2x2x208xi32, #tpu.memory_space<vmem>>, vector<16xi32>,
        tpu.vector_store %arg7[%swap3A_1205, %swap3A_1206, %swap3A_1207], %gather3A_1202 {strides = array<i32>} : memref<2x2x208xi32, #tpu.memory_space<vmem>>, vector<16xi32>,
        %gather3A_1209 = tpu.vector_load_idx %arg6[%shift_right_arithmetic3A_138, %and3A_141, %broadcast_in_dim3A_1131] : memref<25x8x128xi32, #tpu.memory_space<vmem>>[vector<16xi32>, vector<16xi32>, vector<16xi32>], vector<16xi32>,
        %swap3A_1210 = arith.constant 1 : i32
        %swap3A_1211 = arith.constant 1 : i32
        %swap3A_1212 = arith.index_cast %swap3A_1210 : i32 to index
        %swap3A_1213 = arith.index_cast %swap3A_1211 : i32 to index
        %swap3A_1214 = arith.constant 176 : index
        %swap3A_1215 = tpu.vector_load %arg7[%swap3A_1212, %swap3A_1213, %swap3A_1214] {strides = array<i32>} : memref<2x2x208xi32, #tpu.memory_space<vmem>>, vector<16xi32>,
        tpu.vector_store %arg7[%swap3A_1212, %swap3A_1213, %swap3A_1214], %gather3A_1209 {strides = array<i32>} : memref<2x2x208xi32, #tpu.memory_space<vmem>>, vector<16xi32>,
        %gather3A_1216 = tpu.vector_load_idx %arg6[%shift_right_arithmetic3A_150, %and3A_153, %broadcast_in_dim3A_1131] : memref<25x8x128xi32, #tpu.memory_space<vmem>>[vector<16xi32>, vector<16xi32>, vector<16xi32>], vector<16xi32>,
        %swap3A_1217 = arith.constant 1 : i32
        %swap3A_1218 = arith.constant 1 : i32
        %swap3A_1219 = arith.index_cast %swap3A_1217 : i32 to index
        %swap3A_1220 = arith.index_cast %swap3A_1218 : i32 to index
        %swap3A_1221 = arith.constant 192 : index
        %swap3A_1222 = tpu.vector_load %arg7[%swap3A_1219, %swap3A_1220, %swap3A_1221] {strides = array<i32>} : memref<2x2x208xi32, #tpu.memory_space<vmem>>, vector<16xi32>,
        tpu.vector_store %arg7[%swap3A_1219, %swap3A_1220, %swap3A_1221], %gather3A_1216 {strides = array<i32>} : memref<2x2x208xi32, #tpu.memory_space<vmem>>, vector<16xi32>,
        %dma_start3A_1223 = arith.constant 1 : i32
        %dma_start3A_1224 = arith.constant 0 : i32
        %dma_start3A_1225 = arith.constant 0 : i32
        %dma_start3A_1226 = arith.constant 0 : i32
        %dma_start3A_1227 = tpu.memref_slice %arg9[%dma_start3A_1225, %dma_start3A_1226] : memref<400x64xf32, #tpu.memory_space<vmem>> -> memref<104x64xf32, #tpu.memory_space<vmem>>
        %dma_start3A_1228 = arith.constant 0 : i32
        %dma_start3A_1229 = tpu.memref_slice %arg7[%dma_start3A_1223, %dma_start3A_1224, %dma_start3A_1228] : memref<2x2x208xi32, #tpu.memory_space<vmem>> -> memref<1x1x104xi32, #tpu.memory_space<vmem>>
        %dma_start3A_1230 = tpu.memref_squeeze %dma_start3A_1229 : memref<1x1x104xi32, #tpu.memory_space<vmem>> -> memref<104xi32, #tpu.memory_space<vmem>>
        %dma_start3A_1231 = arith.constant 0 : i32
        %dma_start3A_1232 = arith.constant 0 : i32
        %dma_start3A_1233 = tpu.memref_slice %arg3[%dma_start3A_1231, %dma_start3A_1232] : memref<1000000x64xf32, #tpu.memory_space<hbm>> -> memref<1000000x64xf32, #tpu.memory_space<hbm>>
        tpu.enqueue_indirect_dma source(%dma_start3A_1233 : memref<1000000x64xf32, #tpu.memory_space<hbm>>) target(%dma_start3A_1227 : memref<104x64xf32, #tpu.memory_space<vmem>>) offsets(%dma_start3A_1230 : memref<104xi32, #tpu.memory_space<vmem>>) semaphore(%arg12 : memref<!tpu.dma_semaphore, #tpu.memory_space<semaphore_mem>>)
        %dma_start3A_1234 = arith.constant 1 : i32
        %dma_start3A_1235 = arith.constant 0 : i32
        %dma_start3A_1236 = arith.constant 104 : i32
        %dma_start3A_1237 = arith.constant 0 : i32
        %dma_start3A_1238 = tpu.memref_slice %arg9[%dma_start3A_1236, %dma_start3A_1237] : memref<400x64xf32, #tpu.memory_space<vmem>> -> memref<96x64xf32, #tpu.memory_space<vmem>>
        %dma_start3A_1239 = arith.constant 104 : i32
        %dma_start3A_1240 = tpu.memref_slice %arg7[%dma_start3A_1234, %dma_start3A_1235, %dma_start3A_1239] : memref<2x2x208xi32, #tpu.memory_space<vmem>> -> memref<1x1x96xi32, #tpu.memory_space<vmem>>
        %dma_start3A_1241 = tpu.memref_squeeze %dma_start3A_1240 : memref<1x1x96xi32, #tpu.memory_space<vmem>> -> memref<96xi32, #tpu.memory_space<vmem>>
        %dma_start3A_1242 = arith.constant 0 : i32
        %dma_start3A_1243 = arith.constant 0 : i32
        %dma_start3A_1244 = tpu.memref_slice %arg3[%dma_start3A_1242, %dma_start3A_1243] : memref<1000000x64xf32, #tpu.memory_space<hbm>> -> memref<1000000x64xf32, #tpu.memory_space<hbm>>
        tpu.enqueue_indirect_dma source(%dma_start3A_1244 : memref<1000000x64xf32, #tpu.memory_space<hbm>>) target(%dma_start3A_1238 : memref<96x64xf32, #tpu.memory_space<vmem>>) offsets(%dma_start3A_1241 : memref<96xi32, #tpu.memory_space<vmem>>) semaphore(%arg12 : memref<!tpu.dma_semaphore, #tpu.memory_space<semaphore_mem>>)
        %dma_start3A_1245 = arith.constant 1 : i32
        %dma_start3A_1246 = arith.constant 1 : i32
        %dma_start3A_1247 = arith.constant 200 : i32
        %dma_start3A_1248 = arith.constant 0 : i32
        %dma_start3A_1249 = tpu.memref_slice %arg9[%dma_start3A_1247, %dma_start3A_1248] : memref<400x64xf32, #tpu.memory_space<vmem>> -> memref<104x64xf32, #tpu.memory_space<vmem>>
        %dma_start3A_1250 = arith.constant 0 : i32
        %dma_start3A_1251 = tpu.memref_slice %arg7[%dma_start3A_1245, %dma_start3A_1246, %dma_start3A_1250] : memref<2x2x208xi32, #tpu.memory_space<vmem>> -> memref<1x1x104xi32, #tpu.memory_space<vmem>>
        %dma_start3A_1252 = tpu.memref_squeeze %dma_start3A_1251 : memref<1x1x104xi32, #tpu.memory_space<vmem>> -> memref<104xi32, #tpu.memory_space<vmem>>
        %dma_start3A_1253 = arith.constant 0 : i32
        %dma_start3A_1254 = arith.constant 0 : i32
        %dma_start3A_1255 = tpu.memref_slice %arg3[%dma_start3A_1253, %dma_start3A_1254] : memref<1000000x64xf32, #tpu.memory_space<hbm>> -> memref<1000000x64xf32, #tpu.memory_space<hbm>>
        tpu.enqueue_indirect_dma source(%dma_start3A_1255 : memref<1000000x64xf32, #tpu.memory_space<hbm>>) target(%dma_start3A_1249 : memref<104x64xf32, #tpu.memory_space<vmem>>) offsets(%dma_start3A_1252 : memref<104xi32, #tpu.memory_space<vmem>>) semaphore(%arg12 : memref<!tpu.dma_semaphore, #tpu.memory_space<semaphore_mem>>)
        %dma_start3A_1256 = arith.constant 1 : i32
        %dma_start3A_1257 = arith.constant 1 : i32
        %dma_start3A_1258 = arith.constant 304 : i32
        %dma_start3A_1259 = arith.constant 0 : i32
        %dma_start3A_1260 = tpu.memref_slice %arg9[%dma_start3A_1258, %dma_start3A_1259] : memref<400x64xf32, #tpu.memory_space<vmem>> -> memref<96x64xf32, #tpu.memory_space<vmem>>
        %dma_start3A_1261 = arith.constant 104 : i32
        %dma_start3A_1262 = tpu.memref_slice %arg7[%dma_start3A_1256, %dma_start3A_1257, %dma_start3A_1261] : memref<2x2x208xi32, #tpu.memory_space<vmem>> -> memref<1x1x96xi32, #tpu.memory_space<vmem>>
        %dma_start3A_1263 = tpu.memref_squeeze %dma_start3A_1262 : memref<1x1x96xi32, #tpu.memory_space<vmem>> -> memref<96xi32, #tpu.memory_space<vmem>>
        %dma_start3A_1264 = arith.constant 0 : i32
        %dma_start3A_1265 = arith.constant 0 : i32
        %dma_start3A_1266 = tpu.memref_slice %arg3[%dma_start3A_1264, %dma_start3A_1265] : memref<1000000x64xf32, #tpu.memory_space<hbm>> -> memref<1000000x64xf32, #tpu.memory_space<hbm>>
        tpu.enqueue_indirect_dma source(%dma_start3A_1266 : memref<1000000x64xf32, #tpu.memory_space<hbm>>) target(%dma_start3A_1260 : memref<96x64xf32, #tpu.memory_space<vmem>>) offsets(%dma_start3A_1263 : memref<96xi32, #tpu.memory_space<vmem>>) semaphore(%arg12 : memref<!tpu.dma_semaphore, #tpu.memory_space<semaphore_mem>>)
      } else {
      }
    }
    %scan3A_614 = arith.constant 32 : i32
    %mul3A_615 = arith.constant 128 : i32
    %mul3A_616 = arith.muli %add3A, %mul3A_615 : i32
    %add3A_617 = arith.constant 0 : i32
    %add3A_618 = arith.addi %mul3A_616, %add3A_617 : i32
    %mul3A_619 = arith.constant 200 : i32
    %mul3A_620 = arith.muli %add3A_618, %mul3A_619 : i32
    %dma_wait3A = arith.constant 0 : i32
    %dma_wait3A_621 = tpu.memref_slice %arg5[%mul3A_620, %dma_wait3A] : memref<819200x128xf32, #tpu.memory_space<hbm>> -> memref<400x64xf32, #tpu.memory_space<hbm>>
    %dma_wait3A_622 = arith.constant 0 : i32
    %dma_wait3A_623 = tpu.memref_slice %arg5[%mul3A_620, %dma_wait3A_622] : memref<819200x128xf32, #tpu.memory_space<hbm>> -> memref<400x64xf32, #tpu.memory_space<hbm>>
    tpu.wait_dma2 semaphore(%arg13 : memref<!tpu.dma_semaphore, #tpu.memory_space<semaphore_mem>>) src(%arg8 : memref<400x64xf32, #tpu.memory_space<vmem>>) dst(%dma_wait3A_623 : memref<400x64xf32, #tpu.memory_space<hbm>>)
    %mul3A_624 = arith.constant 128 : i32
    %mul3A_625 = arith.muli %add3A, %mul3A_624 : i32
    %add3A_626 = arith.constant 0 : i32
    %add3A_627 = arith.addi %mul3A_625, %add3A_626 : i32
    %mul3A_628 = arith.constant 200 : i32
    %mul3A_629 = arith.muli %add3A_627, %mul3A_628 : i32
    %dma_wait3A_630 = arith.constant 0 : i32
    %dma_wait3A_631 = tpu.memref_slice %arg5[%mul3A_629, %dma_wait3A_630] : memref<819200x128xf32, #tpu.memory_space<hbm>> -> memref<400x64xf32, #tpu.memory_space<hbm>>
    %dma_wait3A_632 = arith.constant 0 : i32
    %dma_wait3A_633 = tpu.memref_slice %arg5[%mul3A_629, %dma_wait3A_632] : memref<819200x128xf32, #tpu.memory_space<hbm>> -> memref<400x64xf32, #tpu.memory_space<hbm>>
    tpu.wait_dma2 semaphore(%arg14 : memref<!tpu.dma_semaphore, #tpu.memory_space<semaphore_mem>>) src(%arg9 : memref<400x64xf32, #tpu.memory_space<vmem>>) dst(%dma_wait3A_633 : memref<400x64xf32, #tpu.memory_space<hbm>>)
    return
  }
}

</mosaic_0001>

<sc_bundles>
// kernel: kernel.3.cloned.1.call-start
scs
__scs_entry_jumppad:
0x0: {  	(pc) =	sbr.rel $0x88, $3  }
0x1: {  	(tag) =	ssettag $0x0;
	lr =	simm.s32 $0x1  }
0x2: {  	[smem:$0x3F9E] =	sst lr;
	_ =	strace $0xD0000000  }
0x3: {  	_ = 	snop  }
0x4: {  	_ = 	snop  }
0x5: {  	_ = 	snop  }
0x6: {  	_ = 	snop  }
0x7: {  	_ = 	snop  }
__scs_overlays_trampoline_lowered:
0x8: {  	[smem:$0x3FAD] =	sst s0  }
0x9: {  	[smem:$0x3FAE] =	sst s1  }
0xa: {  	[smem:$0x3FAF] =	sst s2  }
0xb: {  	[smem:$0x3FB0] =	sst s3  }
0xc: {  	[smem:$0x3FB1] =	sst s4  }
0xd: {  	[smem:$0x3FB2] =	sst s5  }
0xe: {  	[smem:$0x3FB3] =	sst s6  }
0xf: {  	[smem:$0x3FB4] =	sst s7  }
0x10: {  	[smem:$0x3FB5] =	sst s8  }
0x11: {  	[smem:$0x3FB6] =	sst s9;
	s0 =	simm.s32 @!p0 $0x0  }
0x12: {  	s1 =	sld [smem:$0x3F9C];
	s0 =	simm.s32 @p0 $0x1  }
0x13: {  	[smem:$0x3FB7] =	sst s0;
	s0 =	simm.s32 @!p1 $0x0  }
0x14: {  	s2 =	sld [smem:$0x3F9B];
	s0 =	simm.s32 @p1 $0x1  }
0x15: {  	[smem:$0x3FB8] =	sst s0;
	s0 =	simm.s32 @!p2 $0x0  }
0x16: {  	s3 =	sld [smem:$0x3FDB];
	s0 =	simm.s32 @p2 $0x1  }
0x17: {  	s4 =	simm.s32 $0x1BF5;
	[smem:$0x3FBA] =	sst s0  }
0x18: {  	s0 =	sld [smem:$0x3F9D];
	_ =	swait.ge [sflag:s4], $0x0  }
0x19: {  	s7 =	sld [smem:$0x3F9E]  }
0x1a: {  	s8 =	sadd.s32 $0xFFFFE003, lr  }
0x1b: {  	s9 =	sadd.s32 $0xFFFFFEF7, lr;
	s5 =	simm.s32 $0xFFFFFFFF;
	p2 =	slt.u32 s8, $0xFFFFF086  }
0x1c: {  	p1 =	slt.u32 s9, $0xF7A;
	s5 =	simm.s32 @!p2 $0x0  }
0x1d: {  	s5 =	simm.s32 @p1 $0x1;
	p0 =	seq.s32 s7, s2  }
0x1e: {  	s7 =	smul.u32 @!p0 $0xF7A, s2;
	p2 =	seq.s32 @!p0 s5, $0x0  }
0x1f: {  	s9 =	smul.u32 $0xF7A, s1;
	s8 =	simm.s32 @!p0 $0x1BF5;
	p2 =	por !p2, p0  }
0x20: {  	[sflag:s8] =	ssyncset.s32 @!p0 $0xFFFFF086;
	s6 =	sadd.s32 @!p0 s3, s7;
	s7 =	simm.s32 @!p0 $0x108  }
0x21: {  	s3 =	sadd.s32 s3, s9;
	s6 =	sadd.s32 @!p0 $0x88, s6;
	s7 =	simm.s32 @p2 $0x1082  }
0x22: {  	[simem:s7], [sflag:s8] =	dma.local @!p0 [hbm:s6], $0xF7A  }
0x23: {  	s9 =	sor.u32 $0xD0000000, s2;
	s6 =	simm.s32 $0x108;
	_ =	swait.ge @!p0 [sflag:s8], $0x0  }
0x24: {  	s3 =	sadd.s32 $0x88, s3;
	s6 =	simm.s32 @!p1 $0x1082;
	[sflag:s4] =	ssyncset.s32 $0xFFFFF086  }
0x25: {  	[simem:s6], [sflag:s4] =	dma.local [hbm:s3], $0xF7A  }
0x26: {  	[smem:$0x3F9E] =	sst s1;
	(tag) =	ssettag s2;
	_ =	strace s9  }
0x27: {  	s1 =	sld [smem:$0x3FAE]  }
0x28: {  	s2 =	sld [smem:$0x3FAF]  }
0x29: {  	s4 =	sld [smem:$0x3FB1]  }
0x2a: {  	p0 =	seq.s32 s5, $0x0;
	s5 =	sld [smem:$0x3FB2]  }
0x2b: {  	s6 =	sld [smem:$0x3FB3]  }
0x2c: {  	s7 =	sld [smem:$0x3FB4]  }
0x2d: {  	s3 =	simm.s32 $0x108;
	s8 =	sld [smem:$0x3FB5]  }
0x2e: {  	s3 =	simm.s32 @!p0 $0x1082;
	s9 =	sld [smem:$0x3FB6]  }
0x2f: {  	lr =	sadd.s32 s0, s3;
	s0 =	sld [smem:$0x3FAD]  }
0x30: {  	s3 =	sld [smem:$0x3FB0]  }
0x31: {  	[smem:$0x3FB9] =	sst s10  }
0x32: {  	s10 =	sld [smem:$0x3FB7];
	_ =	sdelay $0x3  }
0x33: {  	p0 =	seq.s32 s10, $0x1;
	s10 =	sld [smem:$0x3FB9];
	_ =	sdelay $0x3  }
0x34: {  	[smem:$0x3FB9] =	sst s10  }
0x35: {  	s10 =	sld [smem:$0x3FB8];
	_ =	sdelay $0x3  }
0x36: {  	p1 =	seq.s32 s10, $0x1;
	s10 =	sld [smem:$0x3FB9];
	_ =	sdelay $0x3  }
0x37: {  	[smem:$0x3FB9] =	sst s10  }
0x38: {  	s10 =	sld [smem:$0x3FBA]  }
0x39: {  	_ = 	snop;
	(pc) =	sbr.ind lr, $3  }
0x3a: {  	_ = 	snop  }
0x3b: {  	_ = 	snop  }
0x3c: {  	p2 =	seq.s32 s10, $0x1;
	s10 =	sld [smem:$0x3FB9]  }
0x3d: {  	_ =	shalt  }
0x3e: {  	_ =	shalt  }
0x3f: {  	_ =	shalt  }
0x40: {  	_ =	shalt  }
0x41: {  	_ =	shalt  }
0x42: {  	_ =	shalt  }
0x43: {  	_ =	shalt  }
0x44: {  	_ =	shalt  }
0x45: {  	_ =	shalt  }
0x46: {  	_ =	shalt  }
0x47: {  	_ =	shalt  }
0x48: {  	_ =	shalt  }
0x49: {  	_ =	shalt  }
0x4a: {  	_ =	shalt  }
0x4b: {  	_ =	shalt  }
0x4c: {  	_ =	shalt  }
0x4d: {  	_ =	shalt  }
0x4e: {  	_ =	shalt  }
0x4f: {  	_ =	shalt  }
0x50: {  	_ =	shalt  }
0x51: {  	_ =	shalt  }
0x52: {  	_ =	shalt  }
0x53: {  	_ =	shalt  }
0x54: {  	_ =	shalt  }
0x55: {  	_ =	shalt  }
0x56: {  	_ =	shalt  }
0x57: {  	_ =	shalt  }
0x58: {  	_ =	shalt  }
0x59: {  	_ =	shalt  }
0x5a: {  	_ =	shalt  }
0x5b: {  	_ =	shalt  }
0x5c: {  	_ =	shalt  }
0x5d: {  	_ =	shalt  }
0x5e: {  	_ =	shalt  }
0x5f: {  	_ =	shalt  }
0x60: {  	_ =	shalt  }
0x61: {  	_ =	shalt  }
0x62: {  	_ =	shalt  }
0x63: {  	_ =	shalt  }
0x64: {  	_ =	shalt  }
0x65: {  	_ =	shalt  }
0x66: {  	_ =	shalt  }
0x67: {  	_ =	shalt  }
0x68: {  	_ =	shalt  }
0x69: {  	_ =	shalt  }
0x6a: {  	_ =	shalt  }
0x6b: {  	_ =	shalt  }
0x6c: {  	_ =	shalt  }
0x6d: {  	_ =	shalt  }
0x6e: {  	_ =	shalt  }
0x6f: {  	_ =	shalt  }
0x70: {  	_ =	shalt  }
0x71: {  	_ =	shalt  }
0x72: {  	_ =	shalt  }
0x73: {  	_ =	shalt  }
0x74: {  	_ =	shalt  }
0x75: {  	_ =	shalt  }
0x76: {  	_ =	shalt  }
0x77: {  	_ =	shalt  }
0x78: {  	_ =	shalt  }
0x79: {  	_ =	shalt  }
0x7a: {  	_ =	shalt  }
0x7b: {  	_ =	shalt  }
0x7c: {  	_ =	shalt  }
0x7d: {  	_ =	shalt  }
0x7e: {  	_ =	shalt  }
0x7f: {  	_ =	shalt  }
0x80: {  	_ =	shalt  }
0x81: {  	_ =	shalt  }
0x82: {  	_ =	shalt  }
0x83: {  	_ =	shalt  }
0x84: {  	_ =	shalt  }
0x85: {  	_ =	shalt  }
0x86: {  	_ =	shalt  }
0x87: {  	_ =	shalt  }
.Lfunc_end0:
.L_simem_size_0:
called_computation.1_lowered:
.L_overlay_start_0:
0x88: {  	s2 =	sld [smem:$0x3FD9]  }
0x89: {  	s3 =	sld [smem:$0x3FFE];
	_ =	sdelay $0x1  }
0x8a: {  	s1 =	srdreg.scid  }
0x8b: {  	s0 =	sand.u32 $0x1, s1  }
0x8c: {  	s17 =	sshll.u32 s0, $0xA;
	s2 =	sadd.s32 s3, s2  }
0x8d: {  	s2 =	sadd.s32 s2, s17  }
0x8e: {  	[smem:$0x3FC5] =	sst s2  }
0x8f: {  	_ = 	snop  }
0x90: {  	s2 =	sld [smem:$0x3FC9]  }
0x91: {  	s18 =	sld [smem:$0x3FD0];
	(tm) =	ssettm $0x1  }
0x92: {  	s4 =	sld [smem:$0x3FFB];
	_ =	sdelay $0x3  }
0x93: {  	_ =	strace s4  }
0x94: {  	s4 =	sld [smem:$0x3FFC];
	_ =	sdelay $0x3  }
0x95: {  	_ =	strace s4  }
0x96: {  	s4 =	sld [smem:$0x3FFD];
	_ =	sdelay $0x3  }
0x97: {  	_ =	strace s4  }
0x98: {  	_ =	strace $0x8FFFFFFF  }
0x99: {  	s19 =	sld [smem:$0x3FDB];
	_ =	sdelay $0x1  }
0x9a: {  	s5 =	simm.s32 $_scs_section_size  }
0x9b: {  	s6 =	simm.s32 $_size__tile_overlayer_lowered;
	s7 =	simm.s32 $_tile_overlayer_lowered  }
0x9c: {  	s22 =	simm.s32 $0x1BFF;
	s21 =	sshll.u32 s7, $0x1;
	s4 =	sadd.s32 s5, s19  }
0x9d: {  	s8 =	simm.s32 $0x0;
	s20 =	sshll.u32 s6, $0x1;
	s6 =	sadd.s32 s21, s4  }
0x9e: {  	[timem:s8], [sflag:s22] =	dma.local [hbm:s6], s20  }
0x9f: {  	_ =	swait.ge [sflag:s22], s20  }
0xa0: {  	s5 =	ssub.s32 $0x0, s20;
	[sflag:s22] =	ssyncset.done $0x0  }
0xa1: {  	[sflag:s22] =	ssyncadd.s32 s5;
	_ =	sdelay $0x1  }
0xa2: {  	s23 =	simm.s32 $0x1B8B  }
0xa3: {  	_ =	swait.ge [sflag:s23], $0x1  }
0xa4: {  	[sflag:s23] =	ssyncset.done $0x0  }
0xa5: {  	s25 =	simm.s32 $0x1B8E;
	s24 =	sld [smem:$0x3FFE];
	[sflag:s23] =	ssyncadd.s32 $0xFFFFFFFF  }
0xa6: {  	s26 =	simm.s32 $execute0_lowered;
	[smem:$0x3FD2] =	sst s25  }
0xa7: {  	s6 =	sshll.u32 s26, $0x1;
	_ =	strace $0x80000046;
	[dreg:$0x1] =	wrdreg $0xFFFFFFFF  }
0xa8: {  	s28 =	simm.s32 $_size_execute0_lowered;
	s4 =	sadd.s32 s4, s6;
	[dreg:$0x0] =	wrdreg $0x0  }
0xa9: {  	s6 =	sshll.u32 s28, $0x1;
	[dreg:$0x2] =	wrdreg s4  }
0xaa: {  	[dreg:$0x3] =	wrdreg s6  }
0xab: {  	[dreg:$0x4] =	wrdreg $0xC0  }
0xac: {  	_ =	task [dreg:s8], $0x5FFFF  }
0xad: {  	[dreg:$0x1] =	wrdreg $0xFFFFFFFF  }
0xae: {  	[dreg:$0x0] =	wrdreg $0x60  }
0xaf: {  	[dreg:$0x2] =	wrdreg s2  }
0xb0: {  	[dreg:$0x3] =	wrdreg s24  }
0xb1: {  	[dreg:$0x4] =	wrdreg s18  }
0xb2: {  	[dreg:$0x5] =	wrdreg $0x9  }
0xb3: {  	_ =	task.clear_ibuf [dreg:s8], $0x6FFFF;
	_ =	strace $0x90000046  }
0xb4: {  	s29 =	simm.s32 $0x9;
	_ =	strace $0x80000048  }
0xb5: {  	_ =	swait.ge [sflag:s29], $0x1  }
0xb6: {  	[sflag:s29] =	ssyncadd.s32 $0xFFFFFFFF  }
0xb7: {  	_ =	strace $0x90000048  }
0xb8: {  	_ =	sfence  }
0xb9: {  	s30 =	sld [smem:$0x0];
	_ =	sdelay $0x2  }
0xba: {  	s31 =	sshll.u32 s1, $0xD;
	s1 =	sshrl.u32 s1, $0x2  }
0xbb: {  	s3 =	sand.u32 $0x4000, s31;
	s1 =	sadd.s32 s1, s30  }
0xbc: {  	s0 =	sor.u32 s3, s0;
	s1 =	sshll.u32 s1, $0x11  }
0xbd: {  	s0 =	sor.u32 s1, s0  }
0xbe: {  	s0 =	sadd.s32 $0x8F2B, s0  }
0xbf: {  	[sflag:s0] =	ssyncadd.remote.s32 $0x1  }
0xc0: {  	_ =	sfence.sel $0xFFFF  }
0xc1: {  	[dreg:$0x0] =	wrdreg $0xFFFFFFFF;
	(pc) =	sbr.abs _section_cstart, $3  }
0xc2: {  	[dreg:$0x1] =	wrdreg $0xFFFFFFFF  }
0xc3: {  	_ =	task.clear_ibuf [dreg:s8], $0x2FFFF;
	_ =	strace $0x9FFFFFFF  }
0xc4: {  	(tm) =	ssettm $0x7FFFFFFF  }
0xc5: {  	_ =	shalt  }
tec
execute0_lowered:
.L_overlay_start_1:
0x0: {  	(tag) =	ssettag $0x1  }
0x1: {  	v0 =	vlaneseq.u32  }
0x2: {  	v8 =	vimm.s32 $0x6380;
	vm6 =	vcmask $0x300;
	vm4 =	vcmask $0x704  }
0x3: {  	vm5 =	vcmask $0xB08;
	vm3 =	vcmask $0xF0C;
	vm2 =	vcmask $0x1310  }
0x4: {  	vm1 =	vcmask $0x1714;
	vm0 =	vcmask $0x1B18;
	v14 =	vimm.s32 $0x6381  }
0x5: {  	v28 =	vimm.s32 $0x6382;
	v39 =	vimm.s32 $0x6383;
	v0 =	vmul.u32 $0x80, v0  }
0x6: {  	v9 =	vsel vm6, $0x6000, v8;
	v16 =	vsel vm6, $0x6001, v14;
	v30 =	vsel vm6, $0x6002, v28  }
0x7: {  	v41 =	vsel vm6, $0x6003, v39;
	v10 =	vsel vm4, $0x6080, v9;
	v18 =	vsel vm4, $0x6081, v16  }
0x8: {  	v32 =	vsel vm4, $0x6082, v30;
	v43 =	vsel vm4, $0x6083, v41;
	v1 =	vor.u32 $0x800, v0  }
0x9: {  	v2 =	vor.u32 $0x1000, v0;
	v3 =	vor.u32 $0x1800, v0;
	v4 =	vor.u32 $0x2000, v0  }
0xa: {  	v5 =	vor.u32 $0x2800, v0;
	v6 =	vor.u32 $0x3000, v0;
	v7 =	vor.u32 $0x3800, v0  }
0xb: {  	v8 =	vor.u32 $0x4000, v0;
	v9 =	vor.u32 $0x4800, v0;
	v11 =	vsel vm5, $0x6100, v10  }
0xc: {  	v10 =	vor.u32 $0x5000, v0;
	v13 =	vor.u32 $0x1, v0;
	v14 =	vor.u32 $0x801, v0  }
0xd: {  	v15 =	vor.u32 $0x1001, v0;
	v16 =	vor.u32 $0x1801, v0;
	v17 =	vor.u32 $0x2001, v0  }
0xe: {  	v20 =	vsel vm5, $0x6101, v18;
	v18 =	vor.u32 $0x2801, v0;
	v19 =	vor.u32 $0x3001, v0  }
0xf: {  	s0 =	rddreg [dreg:$0x0];
	v21 =	vor.u32 $0x4001, v0;
	v23 =	vor.u32 $0x5001, v0;
	v26 =	vor.u32 $0x2, v0  }
0x10: {  	s1 =	rddreg [dreg:$0x1];
	v27 =	vor.u32 $0x802, v0;
	v28 =	vor.u32 $0x1002, v0;
	v29 =	vor.u32 $0x1802, v0  }
0x11: {  	s2 =	simm.s32 $0x0;
	s3 =	srdreg.scid;
	s4 =	stileid.u32;
	v30 =	vor.u32 $0x2002, v0;
	v31 =	vor.u32 $0x2802, v0;
	v34 =	vsel vm5, $0x6102, v32  }
0x12: {  	s13 =	simm.s32 $0x68;
	s15 =	simm.s32 $0x6740;
	s16 =	simm.s32 $0x60;
	v32 =	vor.u32 $0x3002, v0;
	v33 =	vor.u32 $0x3802, v0;
	v35 =	vor.u32 $0x4802, v0  }
0x13: {  	s18 =	simm.s32 $0x8140;
	s19 =	simm.s32 $0x64D0;
	s20 =	simm.s32 $0x9940;
	v39 =	vor.u32 $0x3, v0;
	v40 =	vor.u32 $0x803, v0;
	v41 =	vor.u32 $0x1003, v0  }
0x14: {  	s21 =	simm.s32 $0x6538;
	s22 =	simm.s32 $0xB340;
	s23 =	simm.s32 $0x65A0;
	v42 =	vor.u32 $0x1803, v0;
	v45 =	vsel vm5, $0x6103, v43;
	v43 =	vor.u32 $0x2003, v0  }
0x15: {  	s24 =	simm.s32 $0xCB40;
	s28 =	simm.s32 $0x6670;
	s29 =	simm.s32 $0xFD40;
	v44 =	vor.u32 $0x2803, v0;
	v46 =	vor.u32 $0x3803, v0;
	v48 =	vor.u32 $0x4803, v0  }
0x16: {  	s30 =	simm.s32 $0x66D8;
	s31 =	simm.s32 $0x11740;
	s9 =	simm.s32 $0x2;
	v50 =	vor.u32 $0x5803, v0;
	v12 =	vsel vm3, $0x6180, v11;
	v11 =	vor.u32 $0x5800, v0  }
0x17: {  	s11 =	simm.s32 $0x3;
	s12 =	simm.s32 $0x4;
	[smem:$0x7FF] =	sst s2;
	v22 =	vsel vm3, $0x6181, v20;
	v20 =	vor.u32 $0x3801, v0;
	v36 =	vsel vm3, $0x6182, v34  }
0x18: {  	s3 =	sand.u32 $0x1, s3;
	s5 =	sshll.u32 s4, $0x8;
	s4 =	sadd.s32 $0xF42E00, s1;
	v34 =	vor.u32 $0x4002, v0;
	v47 =	vsel vm3, $0x6183, v45;
	v45 =	vor.u32 $0x3003, v0  }
0x19: {  	s6 =	sadd.s32 $0xA00, s1;
	s1 =	simm.s32 $0x80;
	s7 =	ssub.s32 $0x2, s3;
	v12 =	vsel vm2, $0x6200, v12;
	v24 =	vsel vm2, $0x6201, v22;
	v22 =	vor.u32 $0x4801, v0  }
.Ltmp0:
0x1a: {  	s3 =	sshll.u32 s3, $0x7;
	s8 =	sshrl.u32 s7, $0x1;
	v37 =	vsel vm2, $0x6202, v36;
	v36 =	vor.u32 $0x5002, v0;
	v49 =	vsel vm2, $0x6203, v47;
	(pc) =	sbr.rel .LBB2_1-.Ltmp0, $4  }
0x1b: {  	s5 =	sor.u32 s3, s5;
	s3 =	simm.s32 $0x40;
	[tilespmem:$0x1FFF0] =	vst v13;
	s25 =	ssub.s32 s7, s8;
	v47 =	vor.u32 $0x4003, v0;
	v12 =	vsel vm1, $0x6280, v12;
	v25 =	vsel vm1, $0x6281, v24  }
0x1c: {  	s0 =	sadd.s32 s0, s5;
	s8 =	simm.s32 $0x0;
	_ =	strace $0x80000047;
	v24 =	vor.u32 $0x5801, v0;
	v38 =	vsel vm1, $0x6282, v37;
	v37 =	vor.u32 $0x5802, v0  }
0x1d: {  	[dreg:$0x4] =	wrdreg s0;
	s26 =	smax.u32 s25, $0x1;
	s25 =	simm.s32 $0x6608;
	v51 =	vsel vm1, $0x6283, v49;
	v49 =	vor.u32 $0x5003, v0;
	v12 =	vsel vm0, $0x6300, v12  }
0x1e: {  	s0 =	simm.s32 $0x1;
	[dreg:$0x5] =	wrdreg s26;
	s26 =	simm.s32 $0xE540;
	v25 =	vsel vm0, $0x6301, v25;
	v38 =	vsel vm0, $0x6302, v38;
	v51 =	vsel vm0, $0x6303, v51  }
.LBB2_8:
0x1f: {  	_ =	swait.ge [sflag:s12], $0x6400  }
0x20: {  	s8 =	rddreg [dreg:$0x6]  }
0x21: {  	s7 =	rddreg [dreg:$0x5];
	s8 =	sadd.s32 $0x1, s8  }
0x22: {  	p0 =	sne.s32 s8, s7  }
.Ltmp1:
0x23: {  	_ = 	snop;
	(pc) =	sbr.rel @!p0 .LBB2_9-.Ltmp1, $3  }
0x24: {  	_ =	sdelay $0x1  }
0x25: {  	[sflag:s12] =	ssyncset.done $0x0  }
0x26: {  	[sflag:s12] =	ssyncadd.s32 $0xFFFF9C00  }
.LBB2_1:
0x27: {  	[dreg:$0x6] =	wrdreg s8  }
0x28: {  	s7 =	rddreg [dreg:$0x2];
	s14 =	simm.s32 $0x12F40;
	s8 =	simm.s32 $0x5  }
0x29: {  	[tilespmem:s14], [sflag:$0x5] =	stream.linear.gather [hbm4b:s7+s2], $0x3200, $0x38;
	[tilespmem:$0x16140] =	vst v63  }
0x2a: {  	_ =	swait.ge [sflag:s8], $0x3200  }
0x2b: {  	s10 =	simm.s32 $0x400;
	[sflag:s8] =	ssyncset.done $0x0  }
0x2c: {  	s14 =	simm.s32 $0x8000;
	s17 =	rddreg [dreg:$0x4];
	[sflag:s8] =	ssyncadd.s32 $0xFFFFCE00  }
0x2d: {  	[tilespmem:s2], [sflag:$0x5] =	stream.strided.gather [hbm4b:s17+s10], $0x6400, s14, s10, $0x38;
	[tilespmem:$0x16140] =	vst v63  }
0x2e: {  	_ =	swait.ge [sflag:s8], $0x6400  }
0x2f: {  	[sflag:s8] =	ssyncset.done $0x0  }
0x30: {  	[sflag:s8] =	ssyncadd.s32 $0xFFFF9C00  }
0x31: {  	v52 =	vld.idx.msk [tilespmem:v0+s2+$0x0], $0xffff;
	_ =	sdelay $0x4  }
0x32: {  	[tilespmem:$0x6400] =	vst v52  }
0x33: {  	v52 =	vld.idx.msk [tilespmem:v1+s2+$0x0], $0xffff;
	_ =	sdelay $0x4  }
0x34: {  	[tilespmem:$0x6410] =	vst v52  }
0x35: {  	v52 =	vld.idx.msk [tilespmem:v2+s2+$0x0], $0xffff;
	_ =	sdelay $0x4  }
0x36: {  	[tilespmem:$0x6420] =	vst v52  }
0x37: {  	v52 =	vld.idx.msk [tilespmem:v3+s2+$0x0], $0xffff;
	_ =	sdelay $0x4  }
0x38: {  	[tilespmem:$0x6430] =	vst v52  }
0x39: {  	v52 =	vld.idx.msk [tilespmem:v4+s2+$0x0], $0xffff;
	_ =	sdelay $0x4  }
0x3a: {  	[tilespmem:$0x6440] =	vst v52  }
0x3b: {  	v52 =	vld.idx.msk [tilespmem:v5+s2+$0x0], $0xffff;
	_ =	sdelay $0x4  }
0x3c: {  	[tilespmem:$0x6450] =	vst v52  }
0x3d: {  	v52 =	vld.idx.msk [tilespmem:v6+s2+$0x0], $0xffff;
	_ =	sdelay $0x4  }
0x3e: {  	[tilespmem:$0x6460] =	vst v52  }
0x3f: {  	v52 =	vld.idx.msk [tilespmem:v7+s2+$0x0], $0xffff;
	_ =	sdelay $0x4  }
0x40: {  	[tilespmem:$0x6470] =	vst v52  }
0x41: {  	v52 =	vld.idx.msk [tilespmem:v8+s2+$0x0], $0xffff;
	_ =	sdelay $0x4  }
0x42: {  	[tilespmem:$0x6480] =	vst v52  }
0x43: {  	v52 =	vld.idx.msk [tilespmem:v9+s2+$0x0], $0xffff;
	_ =	sdelay $0x4  }
0x44: {  	[tilespmem:$0x6490] =	vst v52  }
0x45: {  	v52 =	vld.idx.msk [tilespmem:v10+s2+$0x0], $0xffff;
	_ =	sdelay $0x4  }
0x46: {  	[tilespmem:$0x64A0] =	vst v52  }
0x47: {  	v52 =	vld.idx.msk [tilespmem:v11+s2+$0x0], $0xffff;
	_ =	sdelay $0x3  }
0x48: {  	v13 =	vld [tilespmem:$0x1FFF0]  }
0x49: {  	[tilespmem:$0x64B0] =	vst v52  }
0x4a: {  	v52 =	vld.idx.msk [tilespmem:v12+s2+$0x0], $0xffff;
	_ =	sdelay $0x4  }
0x4b: {  	[tilespmem:$0x64C0] =	vst v52  }
0x4c: {  	v52 =	vld.idx.msk [tilespmem:v13+s2+$0x0], $0xffff;
	_ =	sdelay $0x4  }
0x4d: {  	[tilespmem:$0x64D0] =	vst v52  }
0x4e: {  	v52 =	vld.idx.msk [tilespmem:v14+s2+$0x0], $0xffff;
	_ =	sdelay $0x4  }
0x4f: {  	[tilespmem:$0x64E0] =	vst v52  }
0x50: {  	v52 =	vld.idx.msk [tilespmem:v15+s2+$0x0], $0xffff;
	_ =	sdelay $0x4  }
0x51: {  	[tilespmem:$0x64F0] =	vst v52  }
0x52: {  	v52 =	vld.idx.msk [tilespmem:v16+s2+$0x0], $0xffff;
	_ =	sdelay $0x4  }
0x53: {  	[tilespmem:$0x6500] =	vst v52  }
0x54: {  	v52 =	vld.idx.msk [tilespmem:v17+s2+$0x0], $0xffff;
	_ =	sdelay $0x4  }
0x55: {  	[tilespmem:$0x6510] =	vst v52  }
0x56: {  	v52 =	vld.idx.msk [tilespmem:v18+s2+$0x0], $0xffff;
	_ =	sdelay $0x4  }
0x57: {  	[tilespmem:$0x6520] =	vst v52  }
0x58: {  	v52 =	vld.idx.msk [tilespmem:v19+s2+$0x0], $0xffff;
	_ =	sdelay $0x4  }
0x59: {  	[tilespmem:$0x6530] =	vst v52  }
0x5a: {  	v52 =	vld.idx.msk [tilespmem:v20+s2+$0x0], $0xffff;
	_ =	sdelay $0x4  }
0x5b: {  	[tilespmem:$0x6540] =	vst v52  }
0x5c: {  	v52 =	vld.idx.msk [tilespmem:v21+s2+$0x0], $0xffff;
	_ =	sdelay $0x4  }
0x5d: {  	[tilespmem:$0x6550] =	vst v52  }
0x5e: {  	v52 =	vld.idx.msk [tilespmem:v22+s2+$0x0], $0xffff;
	_ =	sdelay $0x4  }
0x5f: {  	[tilespmem:$0x6560] =	vst v52  }
0x60: {  	v52 =	vld.idx.msk [tilespmem:v23+s2+$0x0], $0xffff;
	_ =	sdelay $0x4  }
0x61: {  	[tilespmem:$0x6570] =	vst v52  }
0x62: {  	v52 =	vld.idx.msk [tilespmem:v24+s2+$0x0], $0xffff;
	_ =	sdelay $0x4  }
0x63: {  	[tilespmem:$0x6580] =	vst v52  }
0x64: {  	v52 =	vld.idx.msk [tilespmem:v25+s2+$0x0], $0xffff;
	_ =	sdelay $0x4  }
0x65: {  	s14 =	simm.s32 $0x6400;
	[tilespmem:$0x6590] =	vst v52  }
0x66: {  	[tilespmem:s15], [sflag:$0x1] =	stream.indirect.gather [hbm4b:s4+s13], $0x40, s14, s13, $0xb8;
	[tilespmem:$0x16140] =	vst v63  }
0x67: {  	s17 =	simm.s32 $0x6468  }
0x68: {  	[tilespmem:s18], [sflag:$0x1] =	stream.indirect.gather [hbm4b:s4+s16], $0x40, s17, s16, $0xb8;
	[tilespmem:$0x16140] =	vst v63  }
0x69: {  	_ = 	snop  }
0x6a: {  	[tilespmem:s20], [sflag:$0x1] =	stream.indirect.gather [hbm4b:s4+s13], $0x40, s19, s13, $0xb8;
	[tilespmem:$0x16140] =	vst v63  }
0x6b: {  	_ = 	snop  }
0x6c: {  	[tilespmem:s22], [sflag:$0x1] =	stream.indirect.gather [hbm4b:s4+s16], $0x40, s21, s16, $0xb8;
	[tilespmem:$0x16140] =	vst v63  }
0x6d: {  	v52 =	vld.idx.msk [tilespmem:v26+s2+$0x0], $0xffff;
	_ =	sdelay $0x4  }
0x6e: {  	[tilespmem:$0x65A0] =	vst v52  }
0x6f: {  	v52 =	vld.idx.msk [tilespmem:v27+s2+$0x0], $0xffff;
	_ =	sdelay $0x4  }
0x70: {  	[tilespmem:$0x65B0] =	vst v52  }
0x71: {  	v52 =	vld.idx.msk [tilespmem:v28+s2+$0x0], $0xffff;
	_ =	sdelay $0x4  }
0x72: {  	[tilespmem:$0x65C0] =	vst v52  }
0x73: {  	v52 =	vld.idx.msk [tilespmem:v29+s2+$0x0], $0xffff;
	_ =	sdelay $0x4  }
0x74: {  	[tilespmem:$0x65D0] =	vst v52  }
0x75: {  	v52 =	vld.idx.msk [tilespmem:v30+s2+$0x0], $0xffff;
	_ =	sdelay $0x4  }
0x76: {  	[tilespmem:$0x65E0] =	vst v52  }
0x77: {  	v52 =	vld.idx.msk [tilespmem:v31+s2+$0x0], $0xffff;
	_ =	sdelay $0x4  }
0x78: {  	[tilespmem:$0x65F0] =	vst v52  }
0x79: {  	v52 =	vld.idx.msk [tilespmem:v32+s2+$0x0], $0xffff;
	_ =	sdelay $0x4  }
0x7a: {  	[tilespmem:$0x6600] =	vst v52  }
0x7b: {  	v52 =	vld.idx.msk [tilespmem:v33+s2+$0x0], $0xffff;
	_ =	sdelay $0x4  }
0x7c: {  	[tilespmem:$0x6610] =	vst v52  }
0x7d: {  	v52 =	vld.idx.msk [tilespmem:v34+s2+$0x0], $0xffff;
	_ =	sdelay $0x4  }
0x7e: {  	[tilespmem:$0x6620] =	vst v52  }
0x7f: {  	v52 =	vld.idx.msk [tilespmem:v35+s2+$0x0], $0xffff;
	_ =	sdelay $0x4  }
0x80: {  	[tilespmem:$0x6630] =	vst v52  }
0x81: {  	v52 =	vld.idx.msk [tilespmem:v36+s2+$0x0], $0xffff;
	_ =	sdelay $0x4  }
0x82: {  	[tilespmem:$0x6640] =	vst v52  }
0x83: {  	v52 =	vld.idx.msk [tilespmem:v37+s2+$0x0], $0xffff;
	_ =	sdelay $0x4  }
0x84: {  	[tilespmem:$0x6650] =	vst v52  }
0x85: {  	v52 =	vld.idx.msk [tilespmem:v38+s2+$0x0], $0xffff;
	_ =	sdelay $0x4  }
0x86: {  	[tilespmem:$0x6660] =	vst v52  }
0x87: {  	v52 =	vld.idx.msk [tilespmem:v39+s2+$0x0], $0xffff;
	_ =	sdelay $0x4  }
0x88: {  	[tilespmem:$0x6670] =	vst v52  }
0x89: {  	v52 =	vld.idx.msk [tilespmem:v40+s2+$0x0], $0xffff;
	_ =	sdelay $0x4  }
0x8a: {  	[tilespmem:$0x6680] =	vst v52  }
0x8b: {  	v52 =	vld.idx.msk [tilespmem:v41+s2+$0x0], $0xffff;
	_ =	sdelay $0x4  }
0x8c: {  	[tilespmem:$0x6690] =	vst v52  }
0x8d: {  	v52 =	vld.idx.msk [tilespmem:v42+s2+$0x0], $0xffff;
	_ =	sdelay $0x4  }
0x8e: {  	[tilespmem:$0x66A0] =	vst v52  }
0x8f: {  	v52 =	vld.idx.msk [tilespmem:v43+s2+$0x0], $0xffff;
	_ =	sdelay $0x4  }
0x90: {  	[tilespmem:$0x66B0] =	vst v52  }
0x91: {  	v52 =	vld.idx.msk [tilespmem:v44+s2+$0x0], $0xffff;
	_ =	sdelay $0x4  }
0x92: {  	[tilespmem:$0x66C0] =	vst v52  }
0x93: {  	v52 =	vld.idx.msk [tilespmem:v45+s2+$0x0], $0xffff;
	_ =	sdelay $0x4  }
0x94: {  	[tilespmem:$0x66D0] =	vst v52  }
0x95: {  	v52 =	vld.idx.msk [tilespmem:v46+s2+$0x0], $0xffff;
	_ =	sdelay $0x4  }
0x96: {  	[tilespmem:$0x66E0] =	vst v52  }
0x97: {  	v52 =	vld.idx.msk [tilespmem:v47+s2+$0x0], $0xffff;
	_ =	sdelay $0x4  }
0x98: {  	[tilespmem:$0x66F0] =	vst v52  }
0x99: {  	v52 =	vld.idx.msk [tilespmem:v48+s2+$0x0], $0xffff;
	_ =	sdelay $0x4  }
0x9a: {  	[tilespmem:$0x6700] =	vst v52  }
0x9b: {  	v52 =	vld.idx.msk [tilespmem:v49+s2+$0x0], $0xffff;
	_ =	sdelay $0x4  }
0x9c: {  	[tilespmem:$0x6710] =	vst v52  }
0x9d: {  	v52 =	vld.idx.msk [tilespmem:v50+s2+$0x0], $0xffff;
	_ =	sdelay $0x4  }
0x9e: {  	[tilespmem:$0x6720] =	vst v52  }
0x9f: {  	v52 =	vld.idx.msk [tilespmem:v51+s2+$0x0], $0xffff;
	_ =	sdelay $0x4  }
0xa0: {  	[tilespmem:$0x6730] =	vst v52  }
0xa1: {  	[tilespmem:s24], [sflag:$0x2] =	stream.indirect.gather [hbm4b:s4+s13], $0x40, s23, s13, $0xb8;
	[tilespmem:$0x16140] =	vst v63  }
0xa2: {  	_ = 	snop  }
0xa3: {  	[tilespmem:s26], [sflag:$0x2] =	stream.indirect.gather [hbm4b:s4+s16], $0x40, s25, s16, $0xb8;
	[tilespmem:$0x16140] =	vst v63  }
0xa4: {  	_ = 	snop  }
0xa5: {  	[tilespmem:s29], [sflag:$0x2] =	stream.indirect.gather [hbm4b:s4+s13], $0x40, s28, s13, $0xb8;
	[tilespmem:$0x16140] =	vst v63  }
0xa6: {  	s8 =	simm.s32 $0x0  }
0xa7: {  	[tilespmem:s31], [sflag:$0x2] =	stream.indirect.gather [hbm4b:s4+s16], $0x40, s30, s16, $0xb8;
	[tilespmem:$0x16140] =	vst v63  }
.LBB2_2:
0xa8: {  	_ =	swait.ge [sflag:s0], $0x1A00  }
0xa9: {  	[sflag:s0] =	ssyncset.done $0x0  }
0xaa: {  	[sflag:s0] =	ssyncadd.s32 $0xFFFFE600  }
0xab: {  	_ =	swait.ge [sflag:s0], $0x1800  }
0xac: {  	[sflag:s0] =	ssyncset.done $0x0  }
0xad: {  	[sflag:s0] =	ssyncadd.s32 $0xFFFFE800  }
0xae: {  	_ =	swait.ge [sflag:s0], $0x1A00  }
0xaf: {  	[sflag:s0] =	ssyncset.done $0x0  }
0xb0: {  	[sflag:s0] =	ssyncadd.s32 $0xFFFFE600  }
0xb1: {  	_ =	swait.ge [sflag:s0], $0x1800  }
0xb2: {  	[sflag:s0] =	ssyncset.done $0x0  }
0xb3: {  	s7 =	simm.s32 $0x0;
	[sflag:s0] =	ssyncadd.s32 $0xFFFFE800  }
0xb4: {  	v55 =	vld [tilespmem:s7+$0x12F40]  }
0xb5: {  	v53 =	vld [tilespmem:s7+$0x12F50]  }
0xb6: {  	v52 =	vld [tilespmem:s7+$0x12F60]  }
0xb7: {  	v54 =	vld [tilespmem:s7+$0x12F70]  }
0xb8: {  	v60 =	vld [tilespmem:s7+$0x6740]  }
0xb9: {  	v62 =	vld [tilespmem:s7+$0x9940]  }
0xba: {  	v59 =	vld [tilespmem:s7+$0x6750]  }
0xbb: {  	v58 =	vld [tilespmem:s7+$0x9950]  }
0xbc: {  	v56 =	vld [tilespmem:s7+$0x6760]  }
0xbd: {  	v57 =	vld [tilespmem:s7+$0x9960];
	v61 =	vadd.f32 v60, v55  }
0xbe: {  	s10 =	simm.s32 $0x100;
	v60 =	vadd.f32 v62, v55;
	v55 =	vld [tilespmem:s7+$0x6770]  }
.LBB2_3:
0xbf: {  	s14 =	sshra.s32 s10, $0x2;
	p0 =	sne.s32 s10, $0xC700;
	[tilespmem:s7+$0x6740] =	vst v61;
	v59 =	vadd.f32 v59, v53;
	v61 =	vld [tilespmem:s7+$0x9970]  }
0xc0: {  	v62 =	vld [tilespmem:s14+$0x12F40];
	[tilespmem:s7+$0x9940] =	vst v60;
	v58 =	vadd.f32 v58, v53  }
0xc1: {  	v53 =	vld [tilespmem:s14+$0x12F50];
	[tilespmem:s7+$0x6750] =	vst v59;
	v56 =	vadd.f32 v56, v52  }
0xc2: {  	[tilespmem:s7+$0x9950] =	vst v58;
	v57 =	vadd.f32 v57, v52;
	v52 =	vld [tilespmem:s14+$0x12F60]  }
0xc3: {  	v60 =	vld [tilespmem:s14+$0x12F70];
	[tilespmem:s7+$0x6760] =	vst v56;
	v55 =	vadd.f32 v55, v54  }
0xc4: {  	v63 =	vld [tilespmem:s14+$0x6740];
	[tilespmem:s7+$0x9960] =	vst v57;
	v54 =	vadd.f32 v61, v54  }
0xc5: {  	v13 =	vld [tilespmem:s14+$0x9940];
	[tilespmem:s7+$0x6770] =	vst v55  }
.Ltmp2:
0xc6: {  	v59 =	vld [tilespmem:s14+$0x6750];
	[tilespmem:s7+$0x9970] =	vst v54;
	s7 =	smov.u32 s14;
	(pc) =	sbr.rel @p0 .LBB2_3-.Ltmp2, $4  }
0xc7: {  	v58 =	vld [tilespmem:s7+$0x9950]  }
0xc8: {  	v56 =	vld [tilespmem:s7+$0x6760];
	v54 =	vmov v60  }
0xc9: {  	v61 =	vadd.f32 v63, v62;
	v57 =	vld [tilespmem:s7+$0x9960]  }
0xca: {  	s10 =	sadd.s32 $0x100, s10;
	v60 =	vadd.f32 v13, v62;
	v55 =	vld [tilespmem:s7+$0x6770]  }
0xcb: {  	[tilespmem:s7+$0x6740] =	vst v61;
	v13 =	vadd.f32 v59, v53;
	v63 =	vld [tilespmem:s7+$0x9970]  }
0xcc: {  	[tilespmem:s7+$0x9940] =	vst v60;
	v61 =	vadd.f32 v58, v53  }
0xcd: {  	[tilespmem:s7+$0x6750] =	vst v13;
	v13 =	vadd.f32 v56, v52  }
0xce: {  	s10 =	sshll.u32 s8, $0x2;
	[tilespmem:s7+$0x9950] =	vst v61;
	v62 =	vadd.f32 v57, v52  }
0xcf: {  	s14 =	sadd.s32 s5, s10;
	[tilespmem:s7+$0x6760] =	vst v13;
	v13 =	vadd.f32 v55, v54  }
0xd0: {  	s14 =	smul.u32 $0xC80, s14;
	[tilespmem:s7+$0x9960] =	vst v62;
	v63 =	vadd.f32 v63, v54  }
0xd1: {  	[tilespmem:s7+$0x6770] =	vst v13  }
0xd2: {  	s17 =	sadd.s32 s6, s14;
	[tilespmem:s7+$0x9970] =	vst v63  }
0xd3: {  	[hbm4b:s17+s3] =	stream.strided.scatter [tilespmem:s15], [sflag:$0x3], $0x6400, s1, s3, $0x38;
	[tilespmem:$0x16140] =	vst v63  }
0xd4: {  	_ =	swait.ge [sflag:s9], $0x1A00  }
0xd5: {  	[sflag:s9] =	ssyncset.done $0x0  }
0xd6: {  	[sflag:s9] =	ssyncadd.s32 $0xFFFFE600  }
0xd7: {  	_ =	swait.ge [sflag:s9], $0x1800  }
0xd8: {  	[sflag:s9] =	ssyncset.done $0x0  }
0xd9: {  	[sflag:s9] =	ssyncadd.s32 $0xFFFFE800  }
0xda: {  	_ =	swait.ge [sflag:s9], $0x1A00  }
0xdb: {  	[sflag:s9] =	ssyncset.done $0x0  }
0xdc: {  	[sflag:s9] =	ssyncadd.s32 $0xFFFFE600  }
0xdd: {  	_ =	swait.ge [sflag:s9], $0x1800  }
0xde: {  	[sflag:s9] =	ssyncset.done $0x0  }
0xdf: {  	s7 =	simm.s32 $0x0;
	[sflag:s9] =	ssyncadd.s32 $0xFFFFE800  }
0xe0: {  	v13 =	vld [tilespmem:s7+$0x12F40]  }
0xe1: {  	v53 =	vld [tilespmem:s7+$0x12F50]  }
0xe2: {  	v52 =	vld [tilespmem:s7+$0x12F60]  }
0xe3: {  	v54 =	vld [tilespmem:s7+$0x12F70]  }
0xe4: {  	v55 =	vld [tilespmem:s7+$0xCB40]  }
0xe5: {  	v60 =	vld [tilespmem:s7+$0xFD40]  }
0xe6: {  	v59 =	vld [tilespmem:s7+$0xCB50]  }
0xe7: {  	v58 =	vld [tilespmem:s7+$0xFD50]  }
0xe8: {  	v56 =	vld [tilespmem:s7+$0xCB60]  }
0xe9: {  	v57 =	vld [tilespmem:s7+$0xFD60];
	v61 =	vadd.f32 v55, v13  }
0xea: {  	s14 =	simm.s32 $0x100;
	v60 =	vadd.f32 v60, v13;
	v55 =	vld [tilespmem:s7+$0xCB70]  }
.LBB2_5:
0xeb: {  	s17 =	sshra.s32 s14, $0x2;
	p0 =	sne.s32 s14, $0xC700;
	[tilespmem:s7+$0xCB40] =	vst v61;
	v13 =	vadd.f32 v59, v53;
	v59 =	vld [tilespmem:s7+$0xFD70]  }
0xec: {  	v62 =	vld [tilespmem:s17+$0x12F40];
	[tilespmem:s7+$0xFD40] =	vst v60;
	v58 =	vadd.f32 v58, v53  }
0xed: {  	v53 =	vld [tilespmem:s17+$0x12F50];
	[tilespmem:s7+$0xCB50] =	vst v13;
	v13 =	vadd.f32 v56, v52  }
0xee: {  	[tilespmem:s7+$0xFD50] =	vst v58;
	v56 =	vadd.f32 v57, v52;
	v52 =	vld [tilespmem:s17+$0x12F60]  }
0xef: {  	v57 =	vld [tilespmem:s17+$0x12F70];
	[tilespmem:s7+$0xCB60] =	vst v13;
	v13 =	vadd.f32 v55, v54  }
0xf0: {  	v55 =	vld [tilespmem:s17+$0xCB40];
	[tilespmem:s7+$0xFD60] =	vst v56;
	v54 =	vadd.f32 v59, v54  }
0xf1: {  	v60 =	vld [tilespmem:s17+$0xFD40];
	[tilespmem:s7+$0xCB70] =	vst v13  }
.Ltmp3:
0xf2: {  	v59 =	vld [tilespmem:s17+$0xCB50];
	[tilespmem:s7+$0xFD70] =	vst v54;
	s7 =	smov.u32 s17;
	(pc) =	sbr.rel @p0 .LBB2_5-.Ltmp3, $4  }
0xf3: {  	v58 =	vld [tilespmem:s7+$0xFD50]  }
0xf4: {  	v56 =	vld [tilespmem:s7+$0xCB60];
	v54 =	vmov v57  }
0xf5: {  	v61 =	vadd.f32 v55, v62;
	v57 =	vld [tilespmem:s7+$0xFD60]  }
0xf6: {  	s14 =	sadd.s32 $0x100, s14;
	v60 =	vadd.f32 v60, v62;
	v55 =	vld [tilespmem:s7+$0xCB70]  }
0xf7: {  	[tilespmem:s7+$0xCB40] =	vst v61;
	v13 =	vadd.f32 v59, v53;
	v63 =	vld [tilespmem:s7+$0xFD70]  }
0xf8: {  	[tilespmem:s7+$0xFD40] =	vst v60;
	v61 =	vadd.f32 v58, v53  }
0xf9: {  	[tilespmem:s7+$0xCB50] =	vst v13;
	v13 =	vadd.f32 v56, v52  }
0xfa: {  	s14 =	sadd.s32 s10, s5;
	[tilespmem:s7+$0xFD50] =	vst v61;
	v62 =	vadd.f32 v57, v52  }
0xfb: {  	s14 =	smul.u32 $0xC80, s14;
	[tilespmem:s7+$0xCB60] =	vst v13;
	v13 =	vadd.f32 v55, v54  }
0xfc: {  	[tilespmem:s7+$0xFD60] =	vst v62;
	v63 =	vadd.f32 v63, v54  }
0xfd: {  	p0 =	seq.s32 s8, $0x1F;
	s14 =	sadd.s32 s6, s14;
	[tilespmem:s7+$0xCB70] =	vst v13  }
.Ltmp4:
0xfe: {  	s17 =	sadd.s32 $0x1900, s14;
	[tilespmem:s7+$0xFD70] =	vst v63;
	(pc) =	sbr.rel @p0 .LBB2_8-.Ltmp4, $4  }
0xff: {  	[hbm4b:s17+s3] =	stream.strided.scatter [tilespmem:s24], [sflag:$0x4], $0x6400, s1, s3, $0x38;
	[tilespmem:$0x16140] =	vst v63  }
0x100: {  	_ =	swait.ge [sflag:s11], $0x6400  }
0x101: {  	[sflag:s11] =	ssyncset.done $0x0  }
0x102: {  	[sflag:s11] =	ssyncadd.s32 $0xFFFF9C00  }
0x103: {  	s7 =	sadd.s32 $0x4, s10  }
0x104: {  	v13 =	vmov s7  }
0x105: {  	v13 =	vand.u32 $0xFC, v13  }
0x106: {  	v52 =	vadd.s32 v0, v13;
	_ =	sdelay $0x4  }
0x107: {  	v52 =	vld.idx.msk [tilespmem:v52+s2+$0x0], $0xffff  }
0x108: {  	v53 =	vadd.s32 v1, v13;
	_ =	sdelay $0x3  }
0x109: {  	[tilespmem:$0x6400] =	vst v52  }
0x10a: {  	v52 =	vld.idx.msk [tilespmem:v53+s2+$0x0], $0xffff  }
0x10b: {  	v56 =	vadd.s32 v2, v13;
	_ =	sdelay $0x3  }
0x10c: {  	[tilespmem:$0x6410] =	vst v52  }
0x10d: {  	v52 =	vld.idx.msk [tilespmem:v56+s2+$0x0], $0xffff  }
0x10e: {  	v57 =	vadd.s32 v3, v13;
	_ =	sdelay $0x3  }
0x10f: {  	[tilespmem:$0x6420] =	vst v52  }
0x110: {  	v52 =	vld.idx.msk [tilespmem:v57+s2+$0x0], $0xffff  }
0x111: {  	v58 =	vadd.s32 v4, v13;
	_ =	sdelay $0x3  }
0x112: {  	[tilespmem:$0x6430] =	vst v52  }
0x113: {  	v52 =	vld.idx.msk [tilespmem:v58+s2+$0x0], $0xffff  }
0x114: {  	v59 =	vadd.s32 v5, v13;
	_ =	sdelay $0x3  }
0x115: {  	[tilespmem:$0x6440] =	vst v52  }
0x116: {  	v52 =	vld.idx.msk [tilespmem:v59+s2+$0x0], $0xffff  }
0x117: {  	v60 =	vadd.s32 v6, v13;
	_ =	sdelay $0x3  }
0x118: {  	[tilespmem:$0x6450] =	vst v52  }
0x119: {  	v52 =	vld.idx.msk [tilespmem:v60+s2+$0x0], $0xffff  }
0x11a: {  	v61 =	vadd.s32 v7, v13;
	_ =	sdelay $0x3  }
0x11b: {  	[tilespmem:$0x6460] =	vst v52  }
0x11c: {  	v52 =	vld.idx.msk [tilespmem:v61+s2+$0x0], $0xffff  }
0x11d: {  	v62 =	vadd.s32 v8, v13;
	_ =	sdelay $0x3  }
0x11e: {  	[tilespmem:$0x6470] =	vst v52  }
0x11f: {  	v52 =	vld.idx.msk [tilespmem:v62+s2+$0x0], $0xffff  }
0x120: {  	v63 =	vadd.s32 v9, v13;
	_ =	sdelay $0x3  }
0x121: {  	[tilespmem:$0x6480] =	vst v52  }
0x122: {  	v52 =	vld.idx.msk [tilespmem:v63+s2+$0x0], $0xffff  }
0x123: {  	v56 =	vadd.s32 v10, v13;
	_ =	sdelay $0x3  }
0x124: {  	[tilespmem:$0x6490] =	vst v52  }
0x125: {  	v52 =	vld.idx.msk [tilespmem:v56+s2+$0x0], $0xffff  }
0x126: {  	v57 =	vadd.s32 v11, v13;
	_ =	sdelay $0x3  }
0x127: {  	[tilespmem:$0x64A0] =	vst v52  }
0x128: {  	v52 =	vld.idx.msk [tilespmem:v57+s2+$0x0], $0xffff  }
0x129: {  	v13 =	vadd.s32 v12, v13;
	_ =	sdelay $0x2  }
0x12a: {  	s17 =	sadd.s32 $0x5, s10  }
0x12b: {  	v58 =	vmov s17;
	[tilespmem:$0x64B0] =	vst v52  }
0x12c: {  	v52 =	vand.u32 $0xFD, v58;
	v13 =	vld.idx.msk [tilespmem:v13+s2+$0x0], $0xffff  }
0x12d: {  	v59 =	vadd.s32 v0, v52;
	_ =	sdelay $0x3  }
0x12e: {  	[tilespmem:$0x64C0] =	vst v13  }
0x12f: {  	v13 =	vld.idx.msk [tilespmem:v59+s2+$0x0], $0xffff  }
0x130: {  	v60 =	vadd.s32 v1, v52;
	_ =	sdelay $0x3  }
0x131: {  	[tilespmem:$0x64D0] =	vst v13  }
0x132: {  	v13 =	vld.idx.msk [tilespmem:v60+s2+$0x0], $0xffff  }
0x133: {  	v61 =	vadd.s32 v2, v52;
	_ =	sdelay $0x3  }
0x134: {  	[tilespmem:$0x64E0] =	vst v13  }
0x135: {  	v13 =	vld.idx.msk [tilespmem:v61+s2+$0x0], $0xffff  }
0x136: {  	v62 =	vadd.s32 v3, v52;
	_ =	sdelay $0x3  }
0x137: {  	[tilespmem:$0x64F0] =	vst v13  }
0x138: {  	v13 =	vld.idx.msk [tilespmem:v62+s2+$0x0], $0xffff  }
0x139: {  	v63 =	vadd.s32 v4, v52;
	_ =	sdelay $0x3  }
0x13a: {  	[tilespmem:$0x6500] =	vst v13  }
0x13b: {  	v13 =	vld.idx.msk [tilespmem:v63+s2+$0x0], $0xffff  }
0x13c: {  	v56 =	vadd.s32 v5, v52;
	_ =	sdelay $0x3  }
0x13d: {  	[tilespmem:$0x6510] =	vst v13  }
0x13e: {  	v13 =	vld.idx.msk [tilespmem:v56+s2+$0x0], $0xffff  }
0x13f: {  	v57 =	vadd.s32 v6, v52;
	_ =	sdelay $0x3  }
0x140: {  	[tilespmem:$0x6520] =	vst v13  }
0x141: {  	v13 =	vld.idx.msk [tilespmem:v57+s2+$0x0], $0xffff  }
0x142: {  	v58 =	vadd.s32 v7, v52;
	_ =	sdelay $0x3  }
0x143: {  	[tilespmem:$0x6530] =	vst v13  }
0x144: {  	v13 =	vld.idx.msk [tilespmem:v58+s2+$0x0], $0xffff  }
0x145: {  	v59 =	vadd.s32 v8, v52;
	_ =	sdelay $0x3  }
0x146: {  	[tilespmem:$0x6540] =	vst v13  }
0x147: {  	v13 =	vld.idx.msk [tilespmem:v59+s2+$0x0], $0xffff  }
0x148: {  	v60 =	vadd.s32 v9, v52;
	_ =	sdelay $0x3  }
0x149: {  	[tilespmem:$0x6550] =	vst v13  }
0x14a: {  	v13 =	vld.idx.msk [tilespmem:v60+s2+$0x0], $0xffff  }
0x14b: {  	v61 =	vadd.s32 v10, v52;
	_ =	sdelay $0x3  }
0x14c: {  	[tilespmem:$0x6560] =	vst v13  }
0x14d: {  	v13 =	vld.idx.msk [tilespmem:v61+s2+$0x0], $0xffff  }
0x14e: {  	v62 =	vadd.s32 v11, v52;
	_ =	sdelay $0x3  }
0x14f: {  	[tilespmem:$0x6570] =	vst v13  }
0x150: {  	v13 =	vld.idx.msk [tilespmem:v62+s2+$0x0], $0xffff  }
0x151: {  	v52 =	vadd.s32 v12, v52;
	_ =	sdelay $0x3  }
0x152: {  	[tilespmem:$0x6580] =	vst v13  }
0x153: {  	v13 =	vld.idx.msk [tilespmem:v52+s2+$0x0], $0xffff;
	_ =	sdelay $0x4  }
0x154: {  	s14 =	simm.s32 $0x6400;
	[tilespmem:$0x6590] =	vst v13  }
0x155: {  	[tilespmem:s15], [sflag:$0x1] =	stream.indirect.gather [hbm4b:s4+s13], $0x40, s14, s13, $0xb8;
	[tilespmem:$0x16140] =	vst v63  }
0x156: {  	s17 =	simm.s32 $0x6468;
	s14 =	sadd.s32 $0x6, s10  }
0x157: {  	[tilespmem:s18], [sflag:$0x1] =	stream.indirect.gather [hbm4b:s4+s16], $0x40, s17, s16, $0xb8;
	[tilespmem:$0x16140] =	vst v63  }
0x158: {  	v13 =	vmov s14  }
0x159: {  	v13 =	vand.u32 $0xFE, v13;
	[tilespmem:s20], [sflag:$0x1] =	stream.indirect.gather [hbm4b:s4+s13], $0x40, s19, s13, $0xb8;
	[tilespmem:$0x16140] =	vst v63  }
0x15a: {  	v63 =	vadd.s32 v0, v13  }
0x15b: {  	[tilespmem:s22], [sflag:$0x1] =	stream.indirect.gather [hbm4b:s4+s16], $0x40, s21, s16, $0xb8;
	[tilespmem:$0x16140] =	vst v63  }
0x15c: {  	_ =	swait.ge [sflag:s12], $0x6400  }
0x15d: {  	[sflag:s12] =	ssyncset.done $0x0  }
0x15e: {  	[sflag:s12] =	ssyncadd.s32 $0xFFFF9C00  }
0x15f: {  	v52 =	vld.idx.msk [tilespmem:v63+s2+$0x0], $0xffff  }
0x160: {  	v56 =	vadd.s32 v1, v13;
	_ =	sdelay $0x3  }
0x161: {  	[tilespmem:$0x65A0] =	vst v52  }
0x162: {  	v52 =	vld.idx.msk [tilespmem:v56+s2+$0x0], $0xffff  }
0x163: {  	v57 =	vadd.s32 v2, v13;
	_ =	sdelay $0x3  }
0x164: {  	[tilespmem:$0x65B0] =	vst v52  }
0x165: {  	v52 =	vld.idx.msk [tilespmem:v57+s2+$0x0], $0xffff  }
0x166: {  	v58 =	vadd.s32 v3, v13;
	_ =	sdelay $0x3  }
0x167: {  	[tilespmem:$0x65C0] =	vst v52  }
0x168: {  	v52 =	vld.idx.msk [tilespmem:v58+s2+$0x0], $0xffff  }
0x169: {  	v59 =	vadd.s32 v4, v13;
	_ =	sdelay $0x3  }
0x16a: {  	[tilespmem:$0x65D0] =	vst v52  }
0x16b: {  	v52 =	vld.idx.msk [tilespmem:v59+s2+$0x0], $0xffff  }
0x16c: {  	v60 =	vadd.s32 v5, v13;
	_ =	sdelay $0x3  }
0x16d: {  	[tilespmem:$0x65E0] =	vst v52  }
0x16e: {  	v52 =	vld.idx.msk [tilespmem:v60+s2+$0x0], $0xffff  }
0x16f: {  	v61 =	vadd.s32 v6, v13;
	_ =	sdelay $0x3  }
0x170: {  	[tilespmem:$0x65F0] =	vst v52  }
0x171: {  	v52 =	vld.idx.msk [tilespmem:v61+s2+$0x0], $0xffff  }
0x172: {  	v62 =	vadd.s32 v7, v13;
	_ =	sdelay $0x3  }
0x173: {  	[tilespmem:$0x6600] =	vst v52  }
0x174: {  	v52 =	vld.idx.msk [tilespmem:v62+s2+$0x0], $0xffff  }
0x175: {  	v63 =	vadd.s32 v8, v13;
	_ =	sdelay $0x3  }
0x176: {  	[tilespmem:$0x6610] =	vst v52  }
0x177: {  	v52 =	vld.idx.msk [tilespmem:v63+s2+$0x0], $0xffff  }
0x178: {  	v56 =	vadd.s32 v9, v13;
	_ =	sdelay $0x3  }
0x179: {  	[tilespmem:$0x6620] =	vst v52  }
0x17a: {  	v52 =	vld.idx.msk [tilespmem:v56+s2+$0x0], $0xffff  }
0x17b: {  	v57 =	vadd.s32 v10, v13;
	_ =	sdelay $0x3  }
0x17c: {  	[tilespmem:$0x6630] =	vst v52  }
0x17d: {  	v52 =	vld.idx.msk [tilespmem:v57+s2+$0x0], $0xffff  }
0x17e: {  	v58 =	vadd.s32 v11, v13;
	_ =	sdelay $0x3  }
0x17f: {  	[tilespmem:$0x6640] =	vst v52  }
0x180: {  	v52 =	vld.idx.msk [tilespmem:v58+s2+$0x0], $0xffff  }
0x181: {  	v13 =	vadd.s32 v12, v13;
	_ =	sdelay $0x2  }
0x182: {  	s17 =	sadd.s32 $0x7, s10  }
0x183: {  	v59 =	vmov s17;
	[tilespmem:$0x6650] =	vst v52  }
0x184: {  	v52 =	vand.u32 $0xFF, v59;
	v13 =	vld.idx.msk [tilespmem:v13+s2+$0x0], $0xffff  }
0x185: {  	v60 =	vadd.s32 v0, v52;
	_ =	sdelay $0x3  }
0x186: {  	[tilespmem:$0x6660] =	vst v13  }
0x187: {  	v13 =	vld.idx.msk [tilespmem:v60+s2+$0x0], $0xffff  }
0x188: {  	v61 =	vadd.s32 v1, v52;
	_ =	sdelay $0x3  }
0x189: {  	[tilespmem:$0x6670] =	vst v13  }
0x18a: {  	v13 =	vld.idx.msk [tilespmem:v61+s2+$0x0], $0xffff  }
0x18b: {  	v62 =	vadd.s32 v2, v52;
	_ =	sdelay $0x3  }
0x18c: {  	[tilespmem:$0x6680] =	vst v13  }
0x18d: {  	v13 =	vld.idx.msk [tilespmem:v62+s2+$0x0], $0xffff  }
0x18e: {  	v63 =	vadd.s32 v3, v52;
	_ =	sdelay $0x3  }
0x18f: {  	[tilespmem:$0x6690] =	vst v13  }
0x190: {  	v13 =	vld.idx.msk [tilespmem:v63+s2+$0x0], $0xffff  }
0x191: {  	v56 =	vadd.s32 v4, v52;
	_ =	sdelay $0x3  }
0x192: {  	[tilespmem:$0x66A0] =	vst v13  }
0x193: {  	v13 =	vld.idx.msk [tilespmem:v56+s2+$0x0], $0xffff  }
0x194: {  	v57 =	vadd.s32 v5, v52;
	_ =	sdelay $0x3  }
0x195: {  	[tilespmem:$0x66B0] =	vst v13  }
0x196: {  	v13 =	vld.idx.msk [tilespmem:v57+s2+$0x0], $0xffff  }
0x197: {  	v58 =	vadd.s32 v6, v52;
	_ =	sdelay $0x3  }
0x198: {  	[tilespmem:$0x66C0] =	vst v13  }
0x199: {  	v13 =	vld.idx.msk [tilespmem:v58+s2+$0x0], $0xffff  }
0x19a: {  	v59 =	vadd.s32 v7, v52;
	_ =	sdelay $0x3  }
0x19b: {  	[tilespmem:$0x66D0] =	vst v13  }
0x19c: {  	v13 =	vld.idx.msk [tilespmem:v59+s2+$0x0], $0xffff  }
0x19d: {  	v60 =	vadd.s32 v8, v52;
	_ =	sdelay $0x3  }
0x19e: {  	[tilespmem:$0x66E0] =	vst v13  }
0x19f: {  	v13 =	vld.idx.msk [tilespmem:v60+s2+$0x0], $0xffff  }
0x1a0: {  	v61 =	vadd.s32 v9, v52;
	_ =	sdelay $0x3  }
0x1a1: {  	[tilespmem:$0x66F0] =	vst v13  }
0x1a2: {  	v13 =	vld.idx.msk [tilespmem:v61+s2+$0x0], $0xffff  }
0x1a3: {  	v62 =	vadd.s32 v10, v52;
	_ =	sdelay $0x3  }
0x1a4: {  	[tilespmem:$0x6700] =	vst v13  }
0x1a5: {  	v13 =	vld.idx.msk [tilespmem:v62+s2+$0x0], $0xffff  }
0x1a6: {  	v63 =	vadd.s32 v11, v52;
	_ =	sdelay $0x3  }
0x1a7: {  	[tilespmem:$0x6710] =	vst v13  }
0x1a8: {  	v13 =	vld.idx.msk [tilespmem:v63+s2+$0x0], $0xffff  }
0x1a9: {  	v52 =	vadd.s32 v12, v52;
	_ =	sdelay $0x3  }
0x1aa: {  	[tilespmem:$0x6720] =	vst v13  }
0x1ab: {  	v13 =	vld.idx.msk [tilespmem:v52+s2+$0x0], $0xffff;
	_ =	sdelay $0x4  }
0x1ac: {  	[tilespmem:$0x6730] =	vst v13  }
0x1ad: {  	[tilespmem:s24], [sflag:$0x2] =	stream.indirect.gather [hbm4b:s4+s13], $0x40, s23, s13, $0xb8;
	[tilespmem:$0x16140] =	vst v63  }
0x1ae: {  	_ = 	snop  }
0x1af: {  	[tilespmem:s26], [sflag:$0x2] =	stream.indirect.gather [hbm4b:s4+s16], $0x40, s25, s16, $0xb8;
	[tilespmem:$0x16140] =	vst v63  }
.Ltmp5:
0x1b0: {  	_ = 	snop;
	(pc) =	sbr.rel .LBB2_2-.Ltmp5, $4  }
0x1b1: {  	_ = 	snop  }
0x1b2: {  	[tilespmem:s29], [sflag:$0x2] =	stream.indirect.gather [hbm4b:s4+s13], $0x40, s28, s13, $0xb8;
	[tilespmem:$0x16140] =	vst v63  }
0x1b3: {  	s8 =	sadd.s32 $0x1, s8  }
0x1b4: {  	[tilespmem:s31], [sflag:$0x2] =	stream.indirect.gather [hbm4b:s4+s16], $0x40, s30, s16, $0xb8;
	[tilespmem:$0x16140] =	vst v63  }
.LBB2_9:
0x1b5: {  	_ =	sfence.sel $0x180000  }
0x1b6: {  	[bflag:$0x0] =	sbarrier.arrive $0xFFFF  }
0x1b7: {  	_ =	strace $0x90000047  }
0x1b8: {  	s0 =	stileid.u32;
	[bflag:$0x2] =	sbarrier.arrive $0xFFFF  }
0x1b9: {  	p0 =	sne.s32 s0, $0x0;
	s0 =	rddreg [dreg:$0x3]  }
0x1ba: {  	s0 =	sadd.s32 @!p0 $0x100000, s0  }
0x1bb: {  	[sflag:s0] =	ssyncadd.tile.s32 @!p0 $0x1;
	_ =	shalt  }
.Lfunc_end2:
_tile_overlayer_lowered:
.L_overlay_start_2:
0x1bc: {  	(tag) =	ssettag $0x2  }
0x1bd: {  	s0 =	rddreg [dreg:$0x0];
	s2 =	stileid.u32  }
0x1be: {  	s1 =	rddreg [dreg:$0x1];
	p0 =	sne.s32 s2, $0x0  }
0x1bf: {  	s3 =	rddreg [dreg:$0x2];
	[bflag:$0x3] =	sbarrier.arrive $0xFFFF;
	s2 =	simm.s32 @!p0 $0x1C05  }
0x1c0: {  	[timem:s3], [sflag:s2] =	dma.local @!p0 [hbm:s0], s1  }
0x1c1: {  	s0 =	simm.s32 @!p0 $0x5  }
0x1c2: {  	_ =	swait.ge @!p0 [sflag:s0], s1  }
0x1c3: {  	s1 =	ssub.s32 @!p0 $0x0, s1;
	[sflag:s0] =	ssyncset.done @!p0 $0x0  }
0x1c4: {  	[sflag:s0] =	ssyncadd.s32 @!p0 s1  }
0x1c5: {  	[bflag:$0x3] =	sbarrier.arrive $0xFFFF  }
0x1c6: {  	_ =	shalt  }

// kernel: sparse-core-data-format-call.cloned.1.call-start
scs
called_computation_lowered:
.L_overlay_start_0:
0x0: {  	s2 =	sld [smem:$0x3FD9]  }
0x1: {  	s3 =	sld [smem:$0x3FFE];
	_ =	sdelay $0x1  }
0x2: {  	s1 =	srdreg.scid  }
0x3: {  	s0 =	sand.u32 $0x1, s1  }
0x4: {  	s18 =	sshll.u32 s0, $0xA;
	s2 =	sadd.s32 s3, s2  }
0x5: {  	s2 =	sadd.s32 s2, s18  }
0x6: {  	[smem:$0x3FC5] =	sst s2  }
0x7: {  	_ = 	snop  }
0x8: {  	s2 =	sld [smem:$0x3FD0];
	(tm) =	ssettm $0x1  }
0x9: {  	s19 =	sld [smem:$0x3FFB];
	_ =	sdelay $0x3  }
0xa: {  	_ =	strace s19  }
0xb: {  	s3 =	sld [smem:$0x3FFC];
	_ =	sdelay $0x3  }
0xc: {  	_ =	strace s3  }
0xd: {  	s3 =	sld [smem:$0x3FFD];
	_ =	sdelay $0x3  }
0xe: {  	_ =	strace s3  }
0xf: {  	_ =	strace $0x8FFFFFFF  }
0x10: {  	s20 =	sld [smem:$0x3FDB];
	_ =	sdelay $0x1  }
0x11: {  	s4 =	simm.s32 $_scs_section_size  }
0x12: {  	s5 =	simm.s32 $_size__tile_overlayer_lowered;
	s6 =	simm.s32 $_tile_overlayer_lowered  }
0x13: {  	s23 =	simm.s32 $0x1BFF;
	s22 =	sshll.u32 s6, $0x1;
	s3 =	sadd.s32 s4, s20  }
0x14: {  	s7 =	simm.s32 $0x0;
	s21 =	sshll.u32 s5, $0x1;
	s5 =	sadd.s32 s22, s3  }
0x15: {  	[timem:s7], [sflag:s23] =	dma.local [hbm:s5], s21  }
0x16: {  	_ =	swait.ge [sflag:s23], s21  }
0x17: {  	s4 =	ssub.s32 $0x0, s21;
	[sflag:s23] =	ssyncset.done $0x0  }
0x18: {  	[sflag:s23] =	ssyncadd.s32 s4;
	_ =	sdelay $0x1  }
0x19: {  	s24 =	simm.s32 $0x1B8B  }
0x1a: {  	_ =	swait.ge [sflag:s24], $0x1  }
0x1b: {  	[sflag:s24] =	ssyncset.done $0x0  }
0x1c: {  	s26 =	simm.s32 $0x1B8E;
	s25 =	sld [smem:$0x3FFE];
	[sflag:s24] =	ssyncadd.s32 $0xFFFFFFFF  }
0x1d: {  	s27 =	simm.s32 $execute0_lowered;
	[smem:$0x3FD2] =	sst s26  }
0x1e: {  	s5 =	sshll.u32 s27, $0x1;
	_ =	strace $0x80000049;
	[dreg:$0x1] =	wrdreg $0xFFFFFFFF  }
0x1f: {  	s28 =	simm.s32 $_size_execute0_lowered;
	s3 =	sadd.s32 s3, s5;
	[dreg:$0x0] =	wrdreg $0x0  }
0x20: {  	s5 =	sshll.u32 s28, $0x1;
	[dreg:$0x2] =	wrdreg s3  }
0x21: {  	[dreg:$0x3] =	wrdreg s5  }
0x22: {  	[dreg:$0x4] =	wrdreg $0xC0  }
0x23: {  	_ =	task [dreg:s7], $0x5FFFF  }
0x24: {  	[dreg:$0x1] =	wrdreg $0xFFFFFFFF  }
0x25: {  	[dreg:$0x0] =	wrdreg $0x60  }
0x26: {  	[dreg:$0x2] =	wrdreg s25  }
0x27: {  	[dreg:$0x3] =	wrdreg s2  }
0x28: {  	[dreg:$0x4] =	wrdreg $0x9  }
0x29: {  	_ =	task.clear_ibuf [dreg:s7], $0x5FFFF;
	_ =	strace $0x90000049  }
0x2a: {  	s29 =	simm.s32 $0x9;
	_ =	strace $0x8000004B  }
0x2b: {  	_ =	swait.ge [sflag:s29], $0x1  }
0x2c: {  	[sflag:s29] =	ssyncadd.s32 $0xFFFFFFFF  }
0x2d: {  	_ =	strace $0x9000004B  }
0x2e: {  	_ =	sfence  }
0x2f: {  	s30 =	sld [smem:$0x0];
	_ =	sdelay $0x2  }
0x30: {  	s31 =	sshll.u32 s1, $0xD;
	s1 =	sshrl.u32 s1, $0x2  }
0x31: {  	s3 =	sand.u32 $0x4000, s31;
	s1 =	sadd.s32 s1, s30  }
0x32: {  	s0 =	sor.u32 s3, s0;
	s1 =	sshll.u32 s1, $0x11  }
0x33: {  	s0 =	sor.u32 s1, s0  }
0x34: {  	s0 =	sadd.s32 $0x8F2B, s0  }
0x35: {  	[sflag:s0] =	ssyncadd.remote.s32 $0x1  }
0x36: {  	_ =	sfence.sel $0xFFFF  }
0x37: {  	[dreg:$0x0] =	wrdreg $0xFFFFFFFF;
	(pc) =	sbr.abs _section_cstart, $3  }
0x38: {  	[dreg:$0x1] =	wrdreg $0xFFFFFFFF  }
0x39: {  	_ =	task.clear_ibuf [dreg:s7], $0x2FFFF;
	_ =	strace $0x9FFFFFFF  }
0x3a: {  	(tm) =	ssettm $0x7FFFFFFF  }
0x3b: {  	_ =	shalt  }
tec
execute0_lowered:
.L_overlay_start_1:
0x0: {  	(tag) =	ssettag $0x1  }
0x1: {  	s0 =	srdreg.scid  }
0x2: {  	s1 =	sshll.u32 s0, $0x4  }
0x3: {  	s0 =	stileid.u32;
	s1 =	sand.u32 $0x10, s1  }
0x4: {  	s1 =	sor.u32 s0, s1  }
0x5: {  	s6 =	rddreg [dreg:$0x0];
	s4 =	simm.s32 $0x1;
	s2 =	sshll.u32 s1, $0x7  }
0x6: {  	s7 =	simm.s32 $0x2;
	s12 =	simm.s32 $0x0;
	s1 =	ssub.s32 $0x1000, s2  }
0x7: {  	s8 =	simm.s32 $0x8000;
	s13 =	simm.s32 $0x0;
	s3 =	sand.u32 $0xF80, s1  }
0x8: {  	s9 =	simm.s32 $0x0;
	s5 =	sshrl.u32 s1, $0xC;
	p0 =	sne.s32 s3, $0x0  }
.Ltmp0:
0x9: {  	s1 =	rddreg [dreg:$0x2];
	s4 =	simm.s32 @!p0 $0x0;
	(pc) =	sbr.rel .LBB1_1-.Ltmp0, $4  }
0xa: {  	s11 =	simm.s32 $0x0;
	s3 =	rddreg [dreg:$0x1];
	s5 =	sadd.s32 s4, s5  }
0xb: {  	_ =	strace $0x8000004A;
	s4 =	simm.s32 $0x1;
	s5 =	smul.u32 $0xC8, s5  }
0xc: {  	s6 =	sadd.s32 $0xA00, s6;
	s10 =	smov.u32 s2;
	[sflag:s4] =	ssyncpa.u1 $0x0  }
0xd: {  	p0 =	por $0x0, $0x0;
	[sflag:s7] =	ssyncpa.u1 $0x0;
	s7 =	sor.u32 $0x1, s5  }
.LBB1_4:
0xe: {  	s16 =	sshll.u32 s13, $0x3;
	s17 =	sand.u32 $0x78, s13  }
0xf: {  	s30 =	sand.u32 $0x7E00, s13;
	s12 =	sshll.u32 s12, $0xF;
	s16 =	sand.u32 $0xC00, s16  }
0x10: {  	[tilespmem:s15+$0x810 ss:$0x81] =	vst.msk $0xffff, v2;
	s31 =	sand.u32 $0x7, s13;
	s16 =	sor.u32 s17, s16;
	s17 =	sadd.s32 s3, s30  }
0x11: {  	[tilespmem:s15+$0x1020 ss:$0x81] =	vst.msk $0xffff, v0;
	s13 =	sshll.u32 s31, $0x12;
	s12 =	sadd.s32 s12, s17;
	s16 =	sshrl.u32 s16, $0x3  }
0x12: {  	[tilespmem:s15+$0x0 ss:$0x81] =	vst.msk $0xffff, v1;
	s13 =	sor.u32 $0x400, s13;
	s12 =	sadd.s32 s16, s12  }
0x13: {  	[hbm4b:s12+s13] =	stream.strided.scatter [tilespmem:s14], [sflag:$0x2], $0x2000, s8, s13, $0x20;
	[tilespmem:$0x8080] =	vst v63  }
.LBB1_5:
0x14: {  	s14 =	sadd.s32 $0x1, s9  }
0x15: {  	s12 =	sadd.s32 $0x1000, s10;
	s16 =	smov.u32 s10;
	p2 =	sgt.s32 s14, $0xC7  }
0x16: {  	s16 =	smov.u32 @p2 s12  }
0x17: {  	s14 =	simm.s32 @p2 $0x0;
	p2 =	sgt.s32 s16, $0xFFF  }
0x18: {  	s16 =	smov.u32 @p2 s2;
	p2 =	sne.s32 s11, s7  }
.Ltmp1:
0x19: {  	p1 =	slt.u32 s11, $0x2;
	(pc) =	sbr.rel @!p2 .LBB1_6-.Ltmp1, $4  }
0x1a: {  	s15 =	simm.s32 @!p1 $0x2  }
0x1b: {  	s13 =	smov.u32 s10;
	p0 =	por !p0, !p0;
	_ =	swait.ge @!p1 [sflag:s15], $0x2000  }
0x1c: {  	s12 =	smov.u32 s9;
	[sflag:s15] =	ssyncset.done @!p1 $0x0;
	s9 =	smov.u32 s14  }
0x1d: {  	s11 =	sadd.s32 $0x1, s11;
	[sflag:s15] =	ssyncadd.s32 @!p1 $0xFFFFE000;
	s10 =	smov.u32 s16  }
.LBB1_1:
0x1e: {  	p1 =	sge.u32 s11, s5  }
0x1f: {  	s14 =	sand.u32 @!p1 $0x1FFFFFF, s9  }
0x20: {  	s15 =	smulhi.u32 @!p1 $0x147AE15, s14;
	_ =	sdelay $0x1  }
0x21: {  	s15 =	smul.u32 @!p1 $0xC8, s15  }
0x22: {  	s16 =	sxor.u32 @!p1 $0xFFFFFFFF, s11;
	s17 =	smul.u32 @!p1 $0xC80, s10  }
0x23: {  	s31 =	sadd.s32 $0xFFFFFFFF, s11;
	s16 =	sshll.u32 @!p1 s16, $0xD;
	s14 =	ssub.s32 @!p1 s14, s15  }
0x24: {  	s15 =	sand.u32 @!p1 $0x2000, s16;
	s16 =	sadd.s32 @!p1 s6, s17;
	s14 =	sshll.u32 @!p1 s14, $0x4  }
0x25: {  	s17 =	simm.s32 @!p1 $0x6400;
	s14 =	sadd.s32 @!p1 s14, s16;
	s16 =	simm.s32 @!p1 $0x40  }
0x26: {  	[tilespmem:s15], [sflag:$0x1] =	stream.strided.gather @!p1 [hbm4b:s14+s16], $0x2000, s17, s16, $0x38;
	[tilespmem:$0x8080] =	vst v63  }
0x27: {  	p1 =	sge.u32 s31, s5  }
.Ltmp2:
0x28: {  	_ = 	snop;
	(pc) =	sbr.rel @p1 .LBB1_5-.Ltmp2, $1  }
0x29: {  	_ =	sdelay $0x3  }
0x2a: {  	s14 =	simm.s32 $0x1  }
0x2b: {  	_ =	swait.ge [sflag:s4], $0x2000;
	s14 =	simm.s32 @!p0 $0x0  }
0x2c: {  	[sflag:s4] =	ssyncset.done $0x0;
	s15 =	sshll.u32 s14, $0xD  }
0x2d: {  	[sflag:s4] =	ssyncadd.s32 $0xFFFFE000;
	s18 =	sor.u32 $0x20, s15  }
0x2e: {  	s14 =	smul.u32 $0x8100, s14;
	v3 =	vld [tilespmem:s18+$0x10]  }
0x2f: {  	s30 =	sand.u32 $0x1, s11;
	v2 =	vld [tilespmem:s18+$0xFFFFFFF0]  }
0x30: {  	s15 =	smul.u32 $0x8100, s30;
	s14 =	sshrl.u32 s14, $0x2;
	v0 =	vld [tilespmem:s18+$0x0]  }
0x31: {  	v1 =	vld [tilespmem:s18+$0xFFFFFFE0];
	s16 =	sor.u32 $0x4000, s14  }
0x32: {  	s31 =	sshrl.u32 s15, $0x2;
	s15 =	sadd.s32 $0x0, s16  }
0x33: {  	s17 =	simm.s32 $0x4;
	s18 =	sadd.s32 $0x40, s18;
	s14 =	sor.u32 $0x4000, s31;
	[tilespmem:s15+$0x1830 ss:$0x81] =	vst.msk $0xffff, v3  }
.LBB1_3:
0x34: {  	v3 =	vld [tilespmem:s18+$0x10];
	p1 =	sne.s32 s17, $0x1FC;
	[tilespmem:s15+$0x810 ss:$0x81] =	vst.msk $0xffff, v2;
	s19 =	smov.u32 s17;
	s17 =	sadd.s32 $0x4, s17  }
.Ltmp3:
0x35: {  	v2 =	vld [tilespmem:s18+$0xFFFFFFF0];
	[tilespmem:s15+$0x1020 ss:$0x81] =	vst.msk $0xffff, v0;
	(pc) =	sbr.rel @p1 .LBB1_3-.Ltmp3, $4  }
0x36: {  	v0 =	vld [tilespmem:s18+$0x0];
	[tilespmem:s15+$0x0 ss:$0x81] =	vst.msk $0xffff, v1  }
0x37: {  	s15 =	sshra.s32 s19, $0x2;
	v1 =	vld [tilespmem:s18+$0xFFFFFFE0]  }
0x38: {  	s15 =	sadd.s32 s15, s16  }
0x39: {  	s18 =	sadd.s32 $0x40, s18;
	[tilespmem:s15+$0x1830 ss:$0x81] =	vst.msk $0xffff, v3  }
.Ltmp4:
0x3a: {  	_ = 	snop;
	(pc) =	sbr.rel .LBB1_4-.Ltmp4, $1  }
0x3b: {  	_ =	sdelay $0x3  }
.LBB1_6:
0x3c: {  	_ =	sfence.sel $0x180000  }
0x3d: {  	s2 =	simm.s32 $0x1;
	[bflag:$0x0] =	sbarrier.arrive $0xFFFF  }
0x3e: {  	s31 =	simm.s32 $0x2;
	[sflag:s2] =	ssyncpa.u1 $0x1  }
0x3f: {  	[sflag:s31] =	ssyncpa.u1 $0x1  }
0x40: {  	p0 =	sne.s32 s0, $0x0;
	_ =	strace $0x9000004A  }
0x41: {  	s0 =	sadd.s32 @!p0 $0x100000, s1;
	[bflag:$0x2] =	sbarrier.arrive $0xFFFF  }
0x42: {  	[sflag:s0] =	ssyncadd.tile.s32 @!p0 $0x1;
	_ =	shalt  }
.Lfunc_end1:
_tile_overlayer_lowered:
.L_overlay_start_2:
0x43: {  	(tag) =	ssettag $0x2  }
0x44: {  	s0 =	rddreg [dreg:$0x0];
	s2 =	stileid.u32  }
0x45: {  	s1 =	rddreg [dreg:$0x1];
	p0 =	sne.s32 s2, $0x0  }
0x46: {  	s3 =	rddreg [dreg:$0x2];
	[bflag:$0x3] =	sbarrier.arrive $0xFFFF;
	s2 =	simm.s32 @!p0 $0x1C01  }
0x47: {  	[timem:s3], [sflag:s2] =	dma.local @!p0 [hbm:s0], s1  }
0x48: {  	s0 =	simm.s32 @!p0 $0x1  }
0x49: {  	_ =	swait.ge @!p0 [sflag:s0], s1  }
0x4a: {  	s1 =	ssub.s32 @!p0 $0x0, s1;
	[sflag:s0] =	ssyncset.done @!p0 $0x0  }
0x4b: {  	[sflag:s0] =	ssyncadd.s32 @!p0 s1  }
0x4c: {  	[bflag:$0x3] =	sbarrier.arrive $0xFFFF  }
0x4d: {  	_ =	shalt  }

</sc_bundles>
